<compile_context>
chip_gen: v7x
topology: tpu7x:2x2x1
jax: 0.10.2.dev20260603
libtpu: 0.0.44.dev20260713+nightly
codegen_flags: <defaults>
</compile_context>

<pallas_src>
import functools

import jax
import jax.numpy as jnp
from jax import lax
from jax.experimental import pallas as pl
from jax.experimental.pallas import tpu as pltpu
from jax.experimental.pallas import tpu_sc as plsc

try:
    _INFO = plsc.get_sparse_core_info()
    _NC, _NS = _INFO.num_cores, _INFO.num_subcores
except Exception:
    _NC, _NS = 2, 16

_CH = 80
_DEGW = 128


def _pad_rows(N):
    return -(-N // (_NS * 8)) * (_NS * 8)


def _sc_degree_kernel(N, E):
    NW = _NC * _NS
    epw = E // NW
    n_ch = epw // _CH
    Np = _pad_rows(N)
    rpt = Np // _NS
    mesh = plsc.VectorSubcoreMesh(core_axis_name="c", subcore_axis_name="s")

    @functools.partial(
        pl.kernel,
        out_type=jax.ShapeDtypeStruct((_NC, Np, _DEGW), jnp.float32),
        mesh=mesh,
        scratch_types=[
            pltpu.VMEM((n_ch, _CH), jnp.int32),
            pltpu.VMEM((_CH, _DEGW), jnp.float32),
            pltpu.VMEM((_CH, _DEGW), jnp.float32),
            pltpu.SemaphoreType.DMA,
            pltpu.VMEM_SHARED((Np, _DEGW), jnp.float32),
        ],
    )
    def deg_kernel(dst_hbm, out_hbm, dst_v2, zeros_v, ones_v, dsem, deg_sh):
        cid = lax.axis_index("c")
        sid = lax.axis_index("s")
        wid = sid * _NC + cid

        pltpu.sync_copy(dst_hbm.at[wid], dst_v2)
        zv = jnp.zeros((16,), jnp.float32)
        ov = jnp.ones((16,), jnp.float32)

        def fb(i, _):
            for j in range(_DEGW // 16):
                zeros_v[i, pl.ds(j * 16, 16)] = zv
                ones_v[i, pl.ds(j * 16, 16)] = ov
            return 0

        lax.fori_loop(0, _CH, fb, 0)
        r0 = sid * rpt
        nfull, rem = rpt // _CH, rpt % _CH
        for k in range(nfull):
            pltpu.sync_copy(zeros_v, deg_sh.at[pl.ds(r0 + k * _CH, _CH)])
        if rem:
            pltpu.sync_copy(zeros_v.at[pl.ds(0, rem)],
                            deg_sh.at[pl.ds(r0 + nfull * _CH, rem)])
        plsc.subcore_barrier()

        WIN = 4
        for c in range(WIN):
            pltpu.async_copy(ones_v, deg_sh.at[dst_v2.at[c]], dsem, add=True)

        def body(g, _):
            pltpu.make_async_copy(ones_v, deg_sh.at[dst_v2.at[g - WIN]],
                                  dsem).wait()
            pltpu.async_copy(ones_v, deg_sh.at[dst_v2.at[g]], dsem, add=True)
            return 0

        lax.fori_loop(WIN, n_ch, body, 0)
        for c in range(WIN):
            pltpu.make_async_copy(ones_v,
                                  deg_sh.at[dst_v2.at[n_ch - WIN + c]],
                                  dsem).wait()
        plsc.subcore_barrier()
        pltpu.sync_copy(deg_sh.at[pl.ds(r0, rpt)],
                        out_hbm.at[cid, pl.ds(r0, rpt)])

    return deg_kernel


def _sc_agg_kernel(N, D, E):
    NW = _NC * _NS
    epw = E // NW
    n_ch = epw // _CH
    Np = _pad_rows(N)
    rpt = Np // _NS
    mesh = plsc.VectorSubcoreMesh(core_axis_name="c", subcore_axis_name="s")

    @functools.partial(
        pl.kernel,
        out_type=jax.ShapeDtypeStruct((_NC, Np, D), jnp.float32),
        mesh=mesh,
        scratch_types=[
            pltpu.VMEM((epw,), jnp.int32),
            pltpu.VMEM((n_ch, _CH), jnp.int32),
            pltpu.VMEM((_CH, D), jnp.float32),
            pltpu.VMEM((_CH, D), jnp.float32),
            pltpu.SemaphoreType.DMA,
            pltpu.SemaphoreType.DMA,
            pltpu.VMEM_SHARED((Np, D), jnp.float32),
        ],
    )
    def agg_kernel(h_hbm, src_hbm, dst_hbm, out_hbm, src_v1, dst_v2, rows0,
                   rows1, sem0, sem1, agg_sh):
        cid = lax.axis_index("c")
        sid = lax.axis_index("s")
        wid = sid * _NC + cid

        pltpu.sync_copy(src_hbm.at[pl.ds(wid * epw, epw)], src_v1)
        pltpu.sync_copy(dst_hbm.at[wid], dst_v2)

        def src_at(c):
            return src_v1.at[pl.ds(c * _CH, _CH)]

        zv = jnp.zeros((16,), jnp.float32)

        def zb(i, _):
            for j in range(D // 16):
                rows0[i, pl.ds(j * 16, 16)] = zv
            return 0

        lax.fori_loop(0, _CH, zb, 0)

        r0 = sid * rpt
        nfull, rem = rpt // _CH, rpt % _CH
        for k in range(nfull):
            pltpu.sync_copy(rows0, agg_sh.at[pl.ds(r0 + k * _CH, _CH)])
        if rem:
            pltpu.sync_copy(rows0.at[pl.ds(0, rem)],
                            agg_sh.at[pl.ds(r0 + nfull * _CH, rem)])
        plsc.subcore_barrier()

        half = (n_ch - 1) // 2
        pltpu.async_copy(h_hbm.at[src_at(0)], rows0, sem0)

        def body(g2, _):
            c0 = 2 * g2
            pltpu.async_copy(h_hbm.at[src_at(c0 + 1)], rows1, sem1)
            pltpu.make_async_copy(h_hbm.at[src_at(c0)], rows0, sem0).wait()
            pltpu.sync_copy(rows0, agg_sh.at[dst_v2.at[c0]], add=True)
            pltpu.async_copy(h_hbm.at[src_at(c0 + 2)], rows0, sem0)
            pltpu.make_async_copy(h_hbm.at[src_at(c0 + 1)], rows1,
                                  sem1).wait()
            pltpu.sync_copy(rows1, agg_sh.at[dst_v2.at[c0 + 1]], add=True)
            return 0

        lax.fori_loop(0, half, body, 0)
        pltpu.make_async_copy(h_hbm.at[src_at(n_ch - 1)], rows0,
                              sem0).wait()
        pltpu.sync_copy(rows0, agg_sh.at[dst_v2.at[n_ch - 1]], add=True)
        plsc.subcore_barrier()
        pltpu.sync_copy(agg_sh.at[pl.ds(r0, rpt)],
                        out_hbm.at[cid, pl.ds(r0, rpt)])

    return agg_kernel


def _tc_lin_in(x, W_in, b_in, R=1000):
    N, D = x.shape

    def body(x_ref, w_ref, b_ref, o_ref):
        o_ref[...] = lax.dot_general(
            x_ref[...], w_ref[...], (((1,), (1,)), ((), ())),
            preferred_element_type=jnp.float32) + b_ref[...]

    return pl.pallas_call(
        body,
        grid=(N // R,),
        in_specs=[
            pl.BlockSpec((R, D), lambda i: (i, 0)),
            pl.BlockSpec((D, D), lambda i: (0, 0)),
            pl.BlockSpec((1, D), lambda i: (0, 0)),
        ],
        out_specs=pl.BlockSpec((R, D), lambda i: (i, 0)),
        out_shape=jax.ShapeDtypeStruct((N, D), jnp.float32),
    )(x, W_in, b_in.reshape(1, D))


def _tc_layer(aggp, degp, h, Wl_l, bl_l, Wr_l, gamma, beta, R=1000):
    NC = aggp.shape[0]
    N, D = h.shape
    W = degp.shape[2]

    def body(a_ref, d_ref, h_ref, wl_ref, b_ref, wr_ref, g_ref, be_ref, o_ref):
        a = a_ref[0] + a_ref[1]
        d = d_ref[0, :, 0:1] + d_ref[1, :, 0:1]
        a = a / jnp.maximum(d, 1.0)
        h2 = (lax.dot_general(a, wl_ref[...], (((1,), (1,)), ((), ())),
                              preferred_element_type=jnp.float32)
              + b_ref[...]
              + lax.dot_general(h_ref[...], wr_ref[...], (((1,), (1,)), ((), ())),
                                preferred_element_type=jnp.float32))
        h2 = jnp.maximum(h2, 0.0)
        mu = jnp.mean(h2, axis=1, keepdims=True)
        var = jnp.mean((h2 - mu) ** 2, axis=1, keepdims=True)
        o_ref[...] = (h2 - mu) * lax.rsqrt(var + 1e-5) * g_ref[...] + be_ref[...]

    return pl.pallas_call(
        body,
        grid=(N // R,),
        in_specs=[
            pl.BlockSpec((NC, R, D), lambda i: (0, i, 0)),
            pl.BlockSpec((NC, R, W), lambda i: (0, i, 0)),
            pl.BlockSpec((R, D), lambda i: (i, 0)),
            pl.BlockSpec((D, D), lambda i: (0, 0)),
            pl.BlockSpec((1, D), lambda i: (0, 0)),
            pl.BlockSpec((D, D), lambda i: (0, 0)),
            pl.BlockSpec((1, D), lambda i: (0, 0)),
            pl.BlockSpec((1, D), lambda i: (0, 0)),
        ],
        out_specs=pl.BlockSpec((R, D), lambda i: (i, 0)),
        out_shape=jax.ShapeDtypeStruct((N, D), jnp.float32),
    )(aggp, degp, h, Wl_l, bl_l, Wr_l, gamma, beta)


def kernel(x, edge_index, W_in, b_in, Wl, bl, Wr, gamma, beta):
    N, D = x.shape
    E = edge_index.shape[1]
    L = Wl.shape[0]

    deg_k = _sc_degree_kernel(N, E)
    agg_k = _sc_agg_kernel(N, D, E)

    NW = _NC * _NS
    n_ch = (E // NW) // _CH
    src1 = edge_index[0]
    dst3 = edge_index[1].reshape(NW, n_ch, _CH)
    degp = deg_k(dst3)
    degp = degp[:, :, :8]
    h = _tc_lin_in(x, W_in, b_in)
    g2 = gamma.reshape(1, D)
    b2 = beta.reshape(1, D)
    for l in range(L):
        aggp = agg_k(h, src1, dst3)
        h = _tc_layer(aggp, degp, h, Wl[l], bl[l].reshape(1, D), Wr[l], g2, b2)
    return h

# --- scband reference (transcript-rebuilt; emitter-appended) ---
"""Pipeline reference for scband-dynamic-gnnv2-78168404787869 (READ-ONLY COPY).

The authoritative reference and input builder live on the scoring server;
editing this copy changes nothing except your own understanding.
"""

import jax, jax.numpy as jnp
import numpy as np

N = 10000
E = 320000
D = 128
L = 3

def setup_inputs(seed: int = 0) -> dict:
    key = jax.random.key(seed)
    ks = jax.random.split(key, 12)
    s = 1.0 / np.sqrt(D)
    inp = {}
    inp['x'] = jax.random.normal(ks[0], (N, D), dtype=jnp.float32)
    inp['edge_index'] = jax.random.randint(ks[1], (2, E), 0, N, dtype=jnp.int32)
    inp['W_in'] = jax.random.normal(ks[2], (D, D), dtype=jnp.float32) * s
    inp['b_in'] = jnp.zeros((D,), dtype=jnp.float32)
    inp['Wl'] = jax.random.normal(ks[3], (L, D, D), dtype=jnp.float32) * s
    inp['bl'] = jnp.zeros((L, D), dtype=jnp.float32)
    inp['Wr'] = jax.random.normal(ks[4], (L, D, D), dtype=jnp.float32) * s
    inp['gamma'] = jnp.ones((D,), dtype=jnp.float32)
    inp['beta'] = jnp.zeros((D,), dtype=jnp.float32)
    return inp

def _layer_norm(h, gamma, beta):
    mu = jnp.mean(h, axis=-1, keepdims=True)
    var = jnp.mean((h - mu) ** 2, axis=-1, keepdims=True)
    return (h - mu) / jnp.sqrt(var + 1e-5) * gamma + beta

def reference(x, edge_index, W_in, b_in, Wl, bl, Wr, gamma, beta):
    src = edge_index[0]
    dst = edge_index[1]
    # lin_in
    h = x @ W_in.T + b_in
    # precompute in-degree for mean aggregation (clamped to >=1 as PyG does)
    deg = jax.ops.segment_sum(jnp.ones((E,), jnp.float32), dst, num_segments=N)
    deg = jnp.clip(deg, 1.0, None)[:, None]
    for l in range(L):
        msg = h[src]                                        # gather: [E, D]
        agg = jax.ops.segment_sum(msg, dst, num_segments=N) / deg  # scatter-add mean
        # SAGEConv: lin_l(aggregated neighbors) + lin_r(self), lin_r has no bias
        h2 = agg @ Wl[l].T + bl[l] + h @ Wr[l].T
        h2 = jax.nn.relu(h2)
        h = _layer_norm(h2, gamma, beta)
    return h

if __name__ == "__main__":
    import jax
    _d = setup_inputs()
    print(jax.jit(kernel)(*tuple(_d.values())))

</pallas_src>

<mosaic_0001>
#map = affine_map<(d0, d1) -> (0, 0)>
#map1 = affine_map<(d0, d1) -> (0)>
#map2 = affine_map<(d0, d1) -> (0, 0, 0)>
module attributes {stable_mosaic.version = 14 : i64} {
  func.func @agg_kernel(%arg0: i32, %arg1: i32, %arg2: memref<10000x128xf32, #tpu.memory_space<hbm>>, %arg3: memref<320000xi32, #tpu.memory_space<hbm>>, %arg4: memref<32x125x80xi32, #tpu.memory_space<hbm>>, %arg5: memref<2x10112x128xf32, #tpu.memory_space<hbm>>, %arg6: memref<10000xi32, #tpu.memory_space<vmem>>, %arg7: memref<125x80xi32, #tpu.memory_space<vmem>>, %arg8: memref<80x128xf32, #tpu.memory_space<vmem>>, %arg9: memref<80x128xf32, #tpu.memory_space<vmem>>, %arg10: memref<!tpu.dma_semaphore, #tpu.memory_space<semaphore_mem>>, %arg11: memref<!tpu.dma_semaphore, #tpu.memory_space<semaphore_mem>>, %arg12: memref<10112x128xf32, #tpu.memory_space<vmem_shared>>) attributes {dimension_semantics = [#tpu.dimension_semantics<core_parallel>, #tpu.dimension_semantics<subcore_parallel>], iteration_bounds = array<i64: 2, 16>, scalar_prefetch = 0 : i64, scratch_operands = 7 : i64, tpu.core_type = #tpu.core_type<sc_vector_subcore>, window_params = [{transform_indices = #map}, {transform_indices = #map1}, {transform_indices = #map2}, {transform_indices = #map2}]} {
    %mul3A = arith.constant 2 : i32
    %mul3A_0 = arith.muli %arg1, %mul3A : i32
    %add3A = arith.addi %mul3A_0, %arg0 : i32
    %mul3A_1 = arith.constant 10000 : i32
    %mul3A_2 = arith.muli %add3A, %mul3A_1 : i32
    "tpu.region"() ({
      %run_scoped3A_44 = tpu.sem_alloc : memref<!tpu.dma_semaphore, #tpu.memory_space<semaphore_mem>>
      %dma_start3A_45 = tpu.memref_slice %arg3[%mul3A_2] : memref<320000xi32, #tpu.memory_space<hbm>> -> memref<10000xi32, #tpu.memory_space<hbm>>
      %dma_start3A_46 = tpu.memref_slice %arg3[%mul3A_2] : memref<320000xi32, #tpu.memory_space<hbm>> -> memref<10000xi32, #tpu.memory_space<hbm>>
      tpu.enqueue_dma source(%dma_start3A_46 : memref<10000xi32, #tpu.memory_space<hbm>>) target(%arg6 : memref<10000xi32, #tpu.memory_space<vmem>>) target_semaphore(%run_scoped3A_44 : memref<!tpu.dma_semaphore, #tpu.memory_space<semaphore_mem>>)
      %dma_wait3A_47 = tpu.memref_slice %arg3[%mul3A_2] : memref<320000xi32, #tpu.memory_space<hbm>> -> memref<10000xi32, #tpu.memory_space<hbm>>
      %dma_wait3A_48 = tpu.memref_slice %arg3[%mul3A_2] : memref<320000xi32, #tpu.memory_space<hbm>> -> memref<10000xi32, #tpu.memory_space<hbm>>
      tpu.wait_dma2 semaphore(%run_scoped3A_44 : memref<!tpu.dma_semaphore, #tpu.memory_space<semaphore_mem>>) src(%dma_wait3A_48 : memref<10000xi32, #tpu.memory_space<hbm>>) dst(%arg6 : memref<10000xi32, #tpu.memory_space<vmem>>)
      tpu.yield
    }) : () -> ()
    "tpu.region"() ({
      %run_scoped3A_44 = tpu.sem_alloc : memref<!tpu.dma_semaphore, #tpu.memory_space<semaphore_mem>>
      %dma_start3A_45 = arith.constant 0 : i32
      %dma_start3A_46 = arith.constant 0 : i32
      %dma_start3A_47 = tpu.memref_slice %arg4[%add3A, %dma_start3A_45, %dma_start3A_46] : memref<32x125x80xi32, #tpu.memory_space<hbm>> -> memref<1x125x80xi32, #tpu.memory_space<hbm>>
      %dma_start3A_48 = tpu.memref_squeeze %dma_start3A_47 : memref<1x125x80xi32, #tpu.memory_space<hbm>> -> memref<125x80xi32, #tpu.memory_space<hbm>>
      %dma_start3A_49 = arith.constant 0 : i32
      %dma_start3A_50 = arith.constant 0 : i32
      %dma_start3A_51 = tpu.memref_slice %arg4[%add3A, %dma_start3A_49, %dma_start3A_50] : memref<32x125x80xi32, #tpu.memory_space<hbm>> -> memref<1x125x80xi32, #tpu.memory_space<hbm>>
      %dma_start3A_52 = tpu.memref_squeeze %dma_start3A_51 : memref<1x125x80xi32, #tpu.memory_space<hbm>> -> memref<125x80xi32, #tpu.memory_space<hbm>>
      tpu.enqueue_dma source(%dma_start3A_52 : memref<125x80xi32, #tpu.memory_space<hbm>>) target(%arg7 : memref<125x80xi32, #tpu.memory_space<vmem>>) target_semaphore(%run_scoped3A_44 : memref<!tpu.dma_semaphore, #tpu.memory_space<semaphore_mem>>)
      %dma_wait3A_53 = arith.constant 0 : i32
      %dma_wait3A_54 = arith.constant 0 : i32
      %dma_wait3A_55 = tpu.memref_slice %arg4[%add3A, %dma_wait3A_53, %dma_wait3A_54] : memref<32x125x80xi32, #tpu.memory_space<hbm>> -> memref<1x125x80xi32, #tpu.memory_space<hbm>>
      %dma_wait3A_56 = tpu.memref_squeeze %dma_wait3A_55 : memref<1x125x80xi32, #tpu.memory_space<hbm>> -> memref<125x80xi32, #tpu.memory_space<hbm>>
      %dma_wait3A_57 = arith.constant 0 : i32
      %dma_wait3A_58 = arith.constant 0 : i32
      %dma_wait3A_59 = tpu.memref_slice %arg4[%add3A, %dma_wait3A_57, %dma_wait3A_58] : memref<32x125x80xi32, #tpu.memory_space<hbm>> -> memref<1x125x80xi32, #tpu.memory_space<hbm>>
      %dma_wait3A_60 = tpu.memref_squeeze %dma_wait3A_59 : memref<1x125x80xi32, #tpu.memory_space<hbm>> -> memref<125x80xi32, #tpu.memory_space<hbm>>
      tpu.wait_dma2 semaphore(%run_scoped3A_44 : memref<!tpu.dma_semaphore, #tpu.memory_space<semaphore_mem>>) src(%dma_wait3A_60 : memref<125x80xi32, #tpu.memory_space<hbm>>) dst(%arg7 : memref<125x80xi32, #tpu.memory_space<vmem>>)
      tpu.yield
    }) : () -> ()
    %broadcast_in_dim3A = arith.constant 0.000000e+00 : f32
    %broadcast_in_dim3A_3 = vector.broadcast %broadcast_in_dim3A : f32 to vector<16xf32>
    %scan3A = arith.constant 0 : i32
    %scan3A_4 = arith.constant 0 : i32
    %scan3A_5 = arith.constant 80 : i32
    %scan3A_6 = arith.addi %scan3A_4, %scan3A_5 : i32
    %scan3A_7 = arith.constant 1 : i32
    %scan3A_8 = scf.for %scan3A_44 = %scan3A_4 to %scan3A_6 step %scan3A_7 iter_args(%scan3A_45 = %scan3A) -> (i32)  : i32 {
      %swap3A = arith.index_cast %scan3A_44 : i32 to index
      %swap3A_46 = arith.constant 0 : index
      %swap3A_47 = tpu.vector_load %arg8[%swap3A, %swap3A_46] {strides = array<i32>} : memref<80x128xf32, #tpu.memory_space<vmem>>, vector<1x16xf32>,
      %swap3A_48 = vector.shape_cast %swap3A_47 : vector<1x16xf32> to vector<16xf32>
      %swap3A_49 = vector.shape_cast %broadcast_in_dim3A_3 : vector<16xf32> to vector<1x16xf32>
      tpu.vector_store %arg8[%swap3A, %swap3A_46], %swap3A_49 {strides = array<i32>} : memref<80x128xf32, #tpu.memory_space<vmem>>, vector<1x16xf32>,
      %swap3A_50 = arith.index_cast %scan3A_44 : i32 to index
      %swap3A_51 = arith.constant 16 : index
      %swap3A_52 = tpu.vector_load %arg8[%swap3A_50, %swap3A_51] {strides = array<i32>} : memref<80x128xf32, #tpu.memory_space<vmem>>, vector<1x16xf32>,
      %swap3A_53 = vector.shape_cast %swap3A_52 : vector<1x16xf32> to vector<16xf32>
      %swap3A_54 = vector.shape_cast %broadcast_in_dim3A_3 : vector<16xf32> to vector<1x16xf32>
      tpu.vector_store %arg8[%swap3A_50, %swap3A_51], %swap3A_54 {strides = array<i32>} : memref<80x128xf32, #tpu.memory_space<vmem>>, vector<1x16xf32>,
      %swap3A_55 = arith.index_cast %scan3A_44 : i32 to index
      %swap3A_56 = arith.constant 32 : index
      %swap3A_57 = tpu.vector_load %arg8[%swap3A_55, %swap3A_56] {strides = array<i32>} : memref<80x128xf32, #tpu.memory_space<vmem>>, vector<1x16xf32>,
      %swap3A_58 = vector.shape_cast %swap3A_57 : vector<1x16xf32> to vector<16xf32>
      %swap3A_59 = vector.shape_cast %broadcast_in_dim3A_3 : vector<16xf32> to vector<1x16xf32>
      tpu.vector_store %arg8[%swap3A_55, %swap3A_56], %swap3A_59 {strides = array<i32>} : memref<80x128xf32, #tpu.memory_space<vmem>>, vector<1x16xf32>,
      %swap3A_60 = arith.index_cast %scan3A_44 : i32 to index
      %swap3A_61 = arith.constant 48 : index
      %swap3A_62 = tpu.vector_load %arg8[%swap3A_60, %swap3A_61] {strides = array<i32>} : memref<80x128xf32, #tpu.memory_space<vmem>>, vector<1x16xf32>,
      %swap3A_63 = vector.shape_cast %swap3A_62 : vector<1x16xf32> to vector<16xf32>
      %swap3A_64 = vector.shape_cast %broadcast_in_dim3A_3 : vector<16xf32> to vector<1x16xf32>
      tpu.vector_store %arg8[%swap3A_60, %swap3A_61], %swap3A_64 {strides = array<i32>} : memref<80x128xf32, #tpu.memory_space<vmem>>, vector<1x16xf32>,
      %swap3A_65 = arith.index_cast %scan3A_44 : i32 to index
      %swap3A_66 = arith.constant 64 : index
      %swap3A_67 = tpu.vector_load %arg8[%swap3A_65, %swap3A_66] {strides = array<i32>} : memref<80x128xf32, #tpu.memory_space<vmem>>, vector<1x16xf32>,
      %swap3A_68 = vector.shape_cast %swap3A_67 : vector<1x16xf32> to vector<16xf32>
      %swap3A_69 = vector.shape_cast %broadcast_in_dim3A_3 : vector<16xf32> to vector<1x16xf32>
      tpu.vector_store %arg8[%swap3A_65, %swap3A_66], %swap3A_69 {strides = array<i32>} : memref<80x128xf32, #tpu.memory_space<vmem>>, vector<1x16xf32>,
      %swap3A_70 = arith.index_cast %scan3A_44 : i32 to index
      %swap3A_71 = arith.constant 80 : index
      %swap3A_72 = tpu.vector_load %arg8[%swap3A_70, %swap3A_71] {strides = array<i32>} : memref<80x128xf32, #tpu.memory_space<vmem>>, vector<1x16xf32>,
      %swap3A_73 = vector.shape_cast %swap3A_72 : vector<1x16xf32> to vector<16xf32>
      %swap3A_74 = vector.shape_cast %broadcast_in_dim3A_3 : vector<16xf32> to vector<1x16xf32>
      tpu.vector_store %arg8[%swap3A_70, %swap3A_71], %swap3A_74 {strides = array<i32>} : memref<80x128xf32, #tpu.memory_space<vmem>>, vector<1x16xf32>,
      %swap3A_75 = arith.index_cast %scan3A_44 : i32 to index
      %swap3A_76 = arith.constant 96 : index
      %swap3A_77 = tpu.vector_load %arg8[%swap3A_75, %swap3A_76] {strides = array<i32>} : memref<80x128xf32, #tpu.memory_space<vmem>>, vector<1x16xf32>,
      %swap3A_78 = vector.shape_cast %swap3A_77 : vector<1x16xf32> to vector<16xf32>
      %swap3A_79 = vector.shape_cast %broadcast_in_dim3A_3 : vector<16xf32> to vector<1x16xf32>
      tpu.vector_store %arg8[%swap3A_75, %swap3A_76], %swap3A_79 {strides = array<i32>} : memref<80x128xf32, #tpu.memory_space<vmem>>, vector<1x16xf32>,
      %swap3A_80 = arith.index_cast %scan3A_44 : i32 to index
      %swap3A_81 = arith.constant 112 : index
      %swap3A_82 = tpu.vector_load %arg8[%swap3A_80, %swap3A_81] {strides = array<i32>} : memref<80x128xf32, #tpu.memory_space<vmem>>, vector<1x16xf32>,
      %swap3A_83 = vector.shape_cast %swap3A_82 : vector<1x16xf32> to vector<16xf32>
      %swap3A_84 = vector.shape_cast %broadcast_in_dim3A_3 : vector<16xf32> to vector<1x16xf32>
      tpu.vector_store %arg8[%swap3A_80, %swap3A_81], %swap3A_84 {strides = array<i32>} : memref<80x128xf32, #tpu.memory_space<vmem>>, vector<1x16xf32>,
      %scan3A_85 = arith.constant 0 : i32
      scf.yield %scan3A_85 : i32
    }
    %scan3A_9 = arith.constant 80 : i32
    %mul3A_10 = arith.constant 632 : i32
    %mul3A_11 = arith.muli %arg1, %mul3A_10 : i32
    %add3A_12 = arith.constant 0 : i32
    %add3A_13 = arith.addi %mul3A_11, %add3A_12 : i32
    "tpu.region"() ({
      %run_scoped3A_44 = tpu.sem_alloc : memref<!tpu.dma_semaphore, #tpu.memory_space<semaphore_mem>>
      %dma_start3A_45 = arith.constant 0 : i32
      %dma_start3A_46 = tpu.memref_slice %arg12[%add3A_13, %dma_start3A_45] : memref<10112x128xf32, #tpu.memory_space<vmem_shared>> -> memref<80x128xf32, #tpu.memory_space<vmem_shared>>
      %dma_start3A_47 = arith.constant 0 : i32
      %dma_start3A_48 = tpu.memref_slice %arg12[%add3A_13, %dma_start3A_47] : memref<10112x128xf32, #tpu.memory_space<vmem_shared>> -> memref<80x128xf32, #tpu.memory_space<vmem_shared>>
      tpu.enqueue_dma source(%arg8 : memref<80x128xf32, #tpu.memory_space<vmem>>) target(%dma_start3A_48 : memref<80x128xf32, #tpu.memory_space<vmem_shared>>) target_semaphore(%run_scoped3A_44 : memref<!tpu.dma_semaphore, #tpu.memory_space<semaphore_mem>>)
      %dma_wait3A_49 = arith.constant 0 : i32
      %dma_wait3A_50 = tpu.memref_slice %arg12[%add3A_13, %dma_wait3A_49] : memref<10112x128xf32, #tpu.memory_space<vmem_shared>> -> memref<80x128xf32, #tpu.memory_space<vmem_shared>>
      %dma_wait3A_51 = arith.constant 0 : i32
      %dma_wait3A_52 = tpu.memref_slice %arg12[%add3A_13, %dma_wait3A_51] : memref<10112x128xf32, #tpu.memory_space<vmem_shared>> -> memref<80x128xf32, #tpu.memory_space<vmem_shared>>
      tpu.wait_dma2 semaphore(%run_scoped3A_44 : memref<!tpu.dma_semaphore, #tpu.memory_space<semaphore_mem>>) src(%arg8 : memref<80x128xf32, #tpu.memory_space<vmem>>) dst(%dma_wait3A_52 : memref<80x128xf32, #tpu.memory_space<vmem_shared>>)
      tpu.yield
    }) : () -> ()
    %add3A_14 = arith.constant 80 : i32
    %add3A_15 = arith.addi %mul3A_11, %add3A_14 : i32
    "tpu.region"() ({
      %run_scoped3A_44 = tpu.sem_alloc : memref<!tpu.dma_semaphore, #tpu.memory_space<semaphore_mem>>
      %dma_start3A_45 = arith.constant 0 : i32
      %dma_start3A_46 = tpu.memref_slice %arg12[%add3A_15, %dma_start3A_45] : memref<10112x128xf32, #tpu.memory_space<vmem_shared>> -> memref<80x128xf32, #tpu.memory_space<vmem_shared>>
      %dma_start3A_47 = arith.constant 0 : i32
      %dma_start3A_48 = tpu.memref_slice %arg12[%add3A_15, %dma_start3A_47] : memref<10112x128xf32, #tpu.memory_space<vmem_shared>> -> memref<80x128xf32, #tpu.memory_space<vmem_shared>>
      tpu.enqueue_dma source(%arg8 : memref<80x128xf32, #tpu.memory_space<vmem>>) target(%dma_start3A_48 : memref<80x128xf32, #tpu.memory_space<vmem_shared>>) target_semaphore(%run_scoped3A_44 : memref<!tpu.dma_semaphore, #tpu.memory_space<semaphore_mem>>)
      %dma_wait3A_49 = arith.constant 0 : i32
      %dma_wait3A_50 = tpu.memref_slice %arg12[%add3A_15, %dma_wait3A_49] : memref<10112x128xf32, #tpu.memory_space<vmem_shared>> -> memref<80x128xf32, #tpu.memory_space<vmem_shared>>
      %dma_wait3A_51 = arith.constant 0 : i32
      %dma_wait3A_52 = tpu.memref_slice %arg12[%add3A_15, %dma_wait3A_51] : memref<10112x128xf32, #tpu.memory_space<vmem_shared>> -> memref<80x128xf32, #tpu.memory_space<vmem_shared>>
      tpu.wait_dma2 semaphore(%run_scoped3A_44 : memref<!tpu.dma_semaphore, #tpu.memory_space<semaphore_mem>>) src(%arg8 : memref<80x128xf32, #tpu.memory_space<vmem>>) dst(%dma_wait3A_52 : memref<80x128xf32, #tpu.memory_space<vmem_shared>>)
      tpu.yield
    }) : () -> ()
    %add3A_16 = arith.constant 160 : i32
    %add3A_17 = arith.addi %mul3A_11, %add3A_16 : i32
    "tpu.region"() ({
      %run_scoped3A_44 = tpu.sem_alloc : memref<!tpu.dma_semaphore, #tpu.memory_space<semaphore_mem>>
      %dma_start3A_45 = arith.constant 0 : i32
      %dma_start3A_46 = tpu.memref_slice %arg12[%add3A_17, %dma_start3A_45] : memref<10112x128xf32, #tpu.memory_space<vmem_shared>> -> memref<80x128xf32, #tpu.memory_space<vmem_shared>>
      %dma_start3A_47 = arith.constant 0 : i32
      %dma_start3A_48 = tpu.memref_slice %arg12[%add3A_17, %dma_start3A_47] : memref<10112x128xf32, #tpu.memory_space<vmem_shared>> -> memref<80x128xf32, #tpu.memory_space<vmem_shared>>
      tpu.enqueue_dma source(%arg8 : memref<80x128xf32, #tpu.memory_space<vmem>>) target(%dma_start3A_48 : memref<80x128xf32, #tpu.memory_space<vmem_shared>>) target_semaphore(%run_scoped3A_44 : memref<!tpu.dma_semaphore, #tpu.memory_space<semaphore_mem>>)
      %dma_wait3A_49 = arith.constant 0 : i32
      %dma_wait3A_50 = tpu.memref_slice %arg12[%add3A_17, %dma_wait3A_49] : memref<10112x128xf32, #tpu.memory_space<vmem_shared>> -> memref<80x128xf32, #tpu.memory_space<vmem_shared>>
      %dma_wait3A_51 = arith.constant 0 : i32
      %dma_wait3A_52 = tpu.memref_slice %arg12[%add3A_17, %dma_wait3A_51] : memref<10112x128xf32, #tpu.memory_space<vmem_shared>> -> memref<80x128xf32, #tpu.memory_space<vmem_shared>>
      tpu.wait_dma2 semaphore(%run_scoped3A_44 : memref<!tpu.dma_semaphore, #tpu.memory_space<semaphore_mem>>) src(%arg8 : memref<80x128xf32, #tpu.memory_space<vmem>>) dst(%dma_wait3A_52 : memref<80x128xf32, #tpu.memory_space<vmem_shared>>)
      tpu.yield
    }) : () -> ()
    %add3A_18 = arith.constant 240 : i32
    %add3A_19 = arith.addi %mul3A_11, %add3A_18 : i32
    "tpu.region"() ({
      %run_scoped3A_44 = tpu.sem_alloc : memref<!tpu.dma_semaphore, #tpu.memory_space<semaphore_mem>>
      %dma_start3A_45 = arith.constant 0 : i32
      %dma_start3A_46 = tpu.memref_slice %arg12[%add3A_19, %dma_start3A_45] : memref<10112x128xf32, #tpu.memory_space<vmem_shared>> -> memref<80x128xf32, #tpu.memory_space<vmem_shared>>
      %dma_start3A_47 = arith.constant 0 : i32
      %dma_start3A_48 = tpu.memref_slice %arg12[%add3A_19, %dma_start3A_47] : memref<10112x128xf32, #tpu.memory_space<vmem_shared>> -> memref<80x128xf32, #tpu.memory_space<vmem_shared>>
      tpu.enqueue_dma source(%arg8 : memref<80x128xf32, #tpu.memory_space<vmem>>) target(%dma_start3A_48 : memref<80x128xf32, #tpu.memory_space<vmem_shared>>) target_semaphore(%run_scoped3A_44 : memref<!tpu.dma_semaphore, #tpu.memory_space<semaphore_mem>>)
      %dma_wait3A_49 = arith.constant 0 : i32
      %dma_wait3A_50 = tpu.memref_slice %arg12[%add3A_19, %dma_wait3A_49] : memref<10112x128xf32, #tpu.memory_space<vmem_shared>> -> memref<80x128xf32, #tpu.memory_space<vmem_shared>>
      %dma_wait3A_51 = arith.constant 0 : i32
      %dma_wait3A_52 = tpu.memref_slice %arg12[%add3A_19, %dma_wait3A_51] : memref<10112x128xf32, #tpu.memory_space<vmem_shared>> -> memref<80x128xf32, #tpu.memory_space<vmem_shared>>
      tpu.wait_dma2 semaphore(%run_scoped3A_44 : memref<!tpu.dma_semaphore, #tpu.memory_space<semaphore_mem>>) src(%arg8 : memref<80x128xf32, #tpu.memory_space<vmem>>) dst(%dma_wait3A_52 : memref<80x128xf32, #tpu.memory_space<vmem_shared>>)
      tpu.yield
    }) : () -> ()
    %add3A_20 = arith.constant 320 : i32
    %add3A_21 = arith.addi %mul3A_11, %add3A_20 : i32
    "tpu.region"() ({
      %run_scoped3A_44 = tpu.sem_alloc : memref<!tpu.dma_semaphore, #tpu.memory_space<semaphore_mem>>
      %dma_start3A_45 = arith.constant 0 : i32
      %dma_start3A_46 = tpu.memref_slice %arg12[%add3A_21, %dma_start3A_45] : memref<10112x128xf32, #tpu.memory_space<vmem_shared>> -> memref<80x128xf32, #tpu.memory_space<vmem_shared>>
      %dma_start3A_47 = arith.constant 0 : i32
      %dma_start3A_48 = tpu.memref_slice %arg12[%add3A_21, %dma_start3A_47] : memref<10112x128xf32, #tpu.memory_space<vmem_shared>> -> memref<80x128xf32, #tpu.memory_space<vmem_shared>>
      tpu.enqueue_dma source(%arg8 : memref<80x128xf32, #tpu.memory_space<vmem>>) target(%dma_start3A_48 : memref<80x128xf32, #tpu.memory_space<vmem_shared>>) target_semaphore(%run_scoped3A_44 : memref<!tpu.dma_semaphore, #tpu.memory_space<semaphore_mem>>)
      %dma_wait3A_49 = arith.constant 0 : i32
      %dma_wait3A_50 = tpu.memref_slice %arg12[%add3A_21, %dma_wait3A_49] : memref<10112x128xf32, #tpu.memory_space<vmem_shared>> -> memref<80x128xf32, #tpu.memory_space<vmem_shared>>
      %dma_wait3A_51 = arith.constant 0 : i32
      %dma_wait3A_52 = tpu.memref_slice %arg12[%add3A_21, %dma_wait3A_51] : memref<10112x128xf32, #tpu.memory_space<vmem_shared>> -> memref<80x128xf32, #tpu.memory_space<vmem_shared>>
      tpu.wait_dma2 semaphore(%run_scoped3A_44 : memref<!tpu.dma_semaphore, #tpu.memory_space<semaphore_mem>>) src(%arg8 : memref<80x128xf32, #tpu.memory_space<vmem>>) dst(%dma_wait3A_52 : memref<80x128xf32, #tpu.memory_space<vmem_shared>>)
      tpu.yield
    }) : () -> ()
    %add3A_22 = arith.constant 400 : i32
    %add3A_23 = arith.addi %mul3A_11, %add3A_22 : i32
    "tpu.region"() ({
      %run_scoped3A_44 = tpu.sem_alloc : memref<!tpu.dma_semaphore, #tpu.memory_space<semaphore_mem>>
      %dma_start3A_45 = arith.constant 0 : i32
      %dma_start3A_46 = tpu.memref_slice %arg12[%add3A_23, %dma_start3A_45] : memref<10112x128xf32, #tpu.memory_space<vmem_shared>> -> memref<80x128xf32, #tpu.memory_space<vmem_shared>>
      %dma_start3A_47 = arith.constant 0 : i32
      %dma_start3A_48 = tpu.memref_slice %arg12[%add3A_23, %dma_start3A_47] : memref<10112x128xf32, #tpu.memory_space<vmem_shared>> -> memref<80x128xf32, #tpu.memory_space<vmem_shared>>
      tpu.enqueue_dma source(%arg8 : memref<80x128xf32, #tpu.memory_space<vmem>>) target(%dma_start3A_48 : memref<80x128xf32, #tpu.memory_space<vmem_shared>>) target_semaphore(%run_scoped3A_44 : memref<!tpu.dma_semaphore, #tpu.memory_space<semaphore_mem>>)
      %dma_wait3A_49 = arith.constant 0 : i32
      %dma_wait3A_50 = tpu.memref_slice %arg12[%add3A_23, %dma_wait3A_49] : memref<10112x128xf32, #tpu.memory_space<vmem_shared>> -> memref<80x128xf32, #tpu.memory_space<vmem_shared>>
      %dma_wait3A_51 = arith.constant 0 : i32
      %dma_wait3A_52 = tpu.memref_slice %arg12[%add3A_23, %dma_wait3A_51] : memref<10112x128xf32, #tpu.memory_space<vmem_shared>> -> memref<80x128xf32, #tpu.memory_space<vmem_shared>>
      tpu.wait_dma2 semaphore(%run_scoped3A_44 : memref<!tpu.dma_semaphore, #tpu.memory_space<semaphore_mem>>) src(%arg8 : memref<80x128xf32, #tpu.memory_space<vmem>>) dst(%dma_wait3A_52 : memref<80x128xf32, #tpu.memory_space<vmem_shared>>)
      tpu.yield
    }) : () -> ()
    %add3A_24 = arith.constant 480 : i32
    %add3A_25 = arith.addi %mul3A_11, %add3A_24 : i32
    "tpu.region"() ({
      %run_scoped3A_44 = tpu.sem_alloc : memref<!tpu.dma_semaphore, #tpu.memory_space<semaphore_mem>>
      %dma_start3A_45 = arith.constant 0 : i32
      %dma_start3A_46 = tpu.memref_slice %arg12[%add3A_25, %dma_start3A_45] : memref<10112x128xf32, #tpu.memory_space<vmem_shared>> -> memref<80x128xf32, #tpu.memory_space<vmem_shared>>
      %dma_start3A_47 = arith.constant 0 : i32
      %dma_start3A_48 = tpu.memref_slice %arg12[%add3A_25, %dma_start3A_47] : memref<10112x128xf32, #tpu.memory_space<vmem_shared>> -> memref<80x128xf32, #tpu.memory_space<vmem_shared>>
      tpu.enqueue_dma source(%arg8 : memref<80x128xf32, #tpu.memory_space<vmem>>) target(%dma_start3A_48 : memref<80x128xf32, #tpu.memory_space<vmem_shared>>) target_semaphore(%run_scoped3A_44 : memref<!tpu.dma_semaphore, #tpu.memory_space<semaphore_mem>>)
      %dma_wait3A_49 = arith.constant 0 : i32
      %dma_wait3A_50 = tpu.memref_slice %arg12[%add3A_25, %dma_wait3A_49] : memref<10112x128xf32, #tpu.memory_space<vmem_shared>> -> memref<80x128xf32, #tpu.memory_space<vmem_shared>>
      %dma_wait3A_51 = arith.constant 0 : i32
      %dma_wait3A_52 = tpu.memref_slice %arg12[%add3A_25, %dma_wait3A_51] : memref<10112x128xf32, #tpu.memory_space<vmem_shared>> -> memref<80x128xf32, #tpu.memory_space<vmem_shared>>
      tpu.wait_dma2 semaphore(%run_scoped3A_44 : memref<!tpu.dma_semaphore, #tpu.memory_space<semaphore_mem>>) src(%arg8 : memref<80x128xf32, #tpu.memory_space<vmem>>) dst(%dma_wait3A_52 : memref<80x128xf32, #tpu.memory_space<vmem_shared>>)
      tpu.yield
    }) : () -> ()
    %add3A_26 = arith.constant 560 : i32
    %add3A_27 = arith.addi %mul3A_11, %add3A_26 : i32
    "tpu.region"() ({
      %run_scoped3A_44 = tpu.sem_alloc : memref<!tpu.dma_semaphore, #tpu.memory_space<semaphore_mem>>
      %dma_start3A_45 = arith.constant 0 : i32
      %dma_start3A_46 = arith.constant 0 : i32
      %dma_start3A_47 = tpu.memref_slice %arg8[%dma_start3A_45, %dma_start3A_46] : memref<80x128xf32, #tpu.memory_space<vmem>> -> memref<72x128xf32, #tpu.memory_space<vmem>>
      %dma_start3A_48 = arith.constant 0 : i32
      %dma_start3A_49 = tpu.memref_slice %arg12[%add3A_27, %dma_start3A_48] : memref<10112x128xf32, #tpu.memory_space<vmem_shared>> -> memref<72x128xf32, #tpu.memory_space<vmem_shared>>
      %dma_start3A_50 = arith.constant 0 : i32
      %dma_start3A_51 = tpu.memref_slice %arg12[%add3A_27, %dma_start3A_50] : memref<10112x128xf32, #tpu.memory_space<vmem_shared>> -> memref<72x128xf32, #tpu.memory_space<vmem_shared>>
      %dma_start3A_52 = arith.constant 0 : i32
      %dma_start3A_53 = arith.constant 0 : i32
      %dma_start3A_54 = tpu.memref_slice %arg8[%dma_start3A_52, %dma_start3A_53] : memref<80x128xf32, #tpu.memory_space<vmem>> -> memref<72x128xf32, #tpu.memory_space<vmem>>
      tpu.enqueue_dma source(%dma_start3A_54 : memref<72x128xf32, #tpu.memory_space<vmem>>) target(%dma_start3A_51 : memref<72x128xf32, #tpu.memory_space<vmem_shared>>) target_semaphore(%run_scoped3A_44 : memref<!tpu.dma_semaphore, #tpu.memory_space<semaphore_mem>>)
      %dma_wait3A_55 = arith.constant 0 : i32
      %dma_wait3A_56 = arith.constant 0 : i32
      %dma_wait3A_57 = tpu.memref_slice %arg8[%dma_wait3A_55, %dma_wait3A_56] : memref<80x128xf32, #tpu.memory_space<vmem>> -> memref<72x128xf32, #tpu.memory_space<vmem>>
      %dma_wait3A_58 = arith.constant 0 : i32
      %dma_wait3A_59 = tpu.memref_slice %arg12[%add3A_27, %dma_wait3A_58] : memref<10112x128xf32, #tpu.memory_space<vmem_shared>> -> memref<72x128xf32, #tpu.memory_space<vmem_shared>>
      %dma_wait3A_60 = arith.constant 0 : i32
      %dma_wait3A_61 = tpu.memref_slice %arg12[%add3A_27, %dma_wait3A_60] : memref<10112x128xf32, #tpu.memory_space<vmem_shared>> -> memref<72x128xf32, #tpu.memory_space<vmem_shared>>
      %dma_wait3A_62 = arith.constant 0 : i32
      %dma_wait3A_63 = arith.constant 0 : i32
      %dma_wait3A_64 = tpu.memref_slice %arg8[%dma_wait3A_62, %dma_wait3A_63] : memref<80x128xf32, #tpu.memory_space<vmem>> -> memref<72x128xf32, #tpu.memory_space<vmem>>
      tpu.wait_dma2 semaphore(%run_scoped3A_44 : memref<!tpu.dma_semaphore, #tpu.memory_space<semaphore_mem>>) src(%dma_wait3A_64 : memref<72x128xf32, #tpu.memory_space<vmem>>) dst(%dma_wait3A_61 : memref<72x128xf32, #tpu.memory_space<vmem_shared>>)
      tpu.yield
    }) : () -> ()
    %barrier3A = arith.constant 0 : index
    tpu.barrier barrier_id(%barrier3A)
    %dma_start3A = arith.constant 0 : i32
    %dma_start3A_28 = tpu.memref_slice %arg6[%dma_start3A] : memref<10000xi32, #tpu.memory_space<vmem>> -> memref<80xi32, #tpu.memory_space<vmem>>
    %dma_start3A_29 = arith.constant 0 : i32
    %dma_start3A_30 = arith.constant 0 : i32
    %dma_start3A_31 = tpu.memref_slice %arg2[%dma_start3A_29, %dma_start3A_30] : memref<10000x128xf32, #tpu.memory_space<hbm>> -> memref<10000x128xf32, #tpu.memory_space<hbm>>
    tpu.enqueue_indirect_dma source(%dma_start3A_31 : memref<10000x128xf32, #tpu.memory_space<hbm>>) target(%arg8 : memref<80x128xf32, #tpu.memory_space<vmem>>) offsets(%dma_start3A_28 : memref<80xi32, #tpu.memory_space<vmem>>) semaphore(%arg10 : memref<!tpu.dma_semaphore, #tpu.memory_space<semaphore_mem>>)
    %scan3A_32 = arith.constant 0 : i32
    %scan3A_33 = arith.constant 0 : i32
    %scan3A_34 = arith.constant 62 : i32
    %scan3A_35 = arith.addi %scan3A_33, %scan3A_34 : i32
    %scan3A_36 = arith.constant 1 : i32
    %scan3A_37 = scf.for %scan3A_44 = %scan3A_33 to %scan3A_35 step %scan3A_36 iter_args(%scan3A_45 = %scan3A_32) -> (i32)  : i32 {
      %mul3A_46 = arith.constant 2 : i32
      %mul3A_47 = arith.muli %mul3A_46, %scan3A_44 : i32
      %add3A_48 = arith.constant 1 : i32
      %add3A_49 = arith.addi %mul3A_47, %add3A_48 : i32
      %mul3A_50 = arith.constant 80 : i32
      %mul3A_51 = arith.muli %add3A_49, %mul3A_50 : i32
      %dma_start3A_52 = tpu.memref_slice %arg6[%mul3A_51] : memref<10000xi32, #tpu.memory_space<vmem>> -> memref<80xi32, #tpu.memory_space<vmem>>
      %dma_start3A_53 = arith.constant 0 : i32
      %dma_start3A_54 = arith.constant 0 : i32
      %dma_start3A_55 = tpu.memref_slice %arg2[%dma_start3A_53, %dma_start3A_54] : memref<10000x128xf32, #tpu.memory_space<hbm>> -> memref<10000x128xf32, #tpu.memory_space<hbm>>
      tpu.enqueue_indirect_dma source(%dma_start3A_55 : memref<10000x128xf32, #tpu.memory_space<hbm>>) target(%arg9 : memref<80x128xf32, #tpu.memory_space<vmem>>) offsets(%dma_start3A_52 : memref<80xi32, #tpu.memory_space<vmem>>) semaphore(%arg11 : memref<!tpu.dma_semaphore, #tpu.memory_space<semaphore_mem>>)
      %mul3A_56 = arith.constant 80 : i32
      %mul3A_57 = arith.muli %mul3A_47, %mul3A_56 : i32
      %dma_wait3A_58 = tpu.memref_slice %arg6[%mul3A_57] : memref<10000xi32, #tpu.memory_space<vmem>> -> memref<80xi32, #tpu.memory_space<vmem>>
      %dma_wait3A_59 = arith.constant 0 : i32
      %dma_wait3A_60 = arith.constant 0 : i32
      %dma_wait3A_61 = tpu.memref_slice %arg2[%dma_wait3A_59, %dma_wait3A_60] : memref<10000x128xf32, #tpu.memory_space<hbm>> -> memref<10000x128xf32, #tpu.memory_space<hbm>>
      tpu.wait_indirect_dma semaphore(%arg10 : memref<!tpu.dma_semaphore, #tpu.memory_space<semaphore_mem>>) src(%dma_wait3A_61 : memref<10000x128xf32, #tpu.memory_space<hbm>>) dst(%arg8 : memref<80x128xf32, #tpu.memory_space<vmem>>)
      "tpu.region"() ({
        %run_scoped3A_81 = tpu.sem_alloc : memref<!tpu.dma_semaphore, #tpu.memory_space<semaphore_mem>>
        %dma_start3A_82 = arith.constant 0 : i32
        %dma_start3A_83 = tpu.memref_slice %arg7[%mul3A_47, %dma_start3A_82] : memref<125x80xi32, #tpu.memory_space<vmem>> -> memref<1x80xi32, #tpu.memory_space<vmem>>
        %dma_start3A_84 = tpu.memref_squeeze %dma_start3A_83 : memref<1x80xi32, #tpu.memory_space<vmem>> -> memref<80xi32, #tpu.memory_space<vmem>>
        %dma_start3A_85 = arith.constant 0 : i32
        %dma_start3A_86 = arith.constant 0 : i32
        %dma_start3A_87 = tpu.memref_slice %arg12[%dma_start3A_85, %dma_start3A_86] : memref<10112x128xf32, #tpu.memory_space<vmem_shared>> -> memref<10112x128xf32, #tpu.memory_space<vmem_shared>>
        tpu.enqueue_indirect_dma source(%arg8 : memref<80x128xf32, #tpu.memory_space<vmem>>) target(%dma_start3A_87 : memref<10112x128xf32, #tpu.memory_space<vmem_shared>>) offsets(%dma_start3A_84 : memref<80xi32, #tpu.memory_space<vmem>>) semaphore(%run_scoped3A_81 : memref<!tpu.dma_semaphore, #tpu.memory_space<semaphore_mem>>) {add = true}
        %dma_wait3A_88 = arith.constant 0 : i32
        %dma_wait3A_89 = tpu.memref_slice %arg7[%mul3A_47, %dma_wait3A_88] : memref<125x80xi32, #tpu.memory_space<vmem>> -> memref<1x80xi32, #tpu.memory_space<vmem>>
        %dma_wait3A_90 = tpu.memref_squeeze %dma_wait3A_89 : memref<1x80xi32, #tpu.memory_space<vmem>> -> memref<80xi32, #tpu.memory_space<vmem>>
        %dma_wait3A_91 = arith.constant 0 : i32
        %dma_wait3A_92 = arith.constant 0 : i32
        %dma_wait3A_93 = tpu.memref_slice %arg12[%dma_wait3A_91, %dma_wait3A_92] : memref<10112x128xf32, #tpu.memory_space<vmem_shared>> -> memref<10112x128xf32, #tpu.memory_space<vmem_shared>>
        tpu.wait_indirect_dma semaphore(%run_scoped3A_81 : memref<!tpu.dma_semaphore, #tpu.memory_space<semaphore_mem>>) src(%arg8 : memref<80x128xf32, #tpu.memory_space<vmem>>) dst(%dma_wait3A_93 : memref<10112x128xf32, #tpu.memory_space<vmem_shared>>)
        tpu.yield
      }) : () -> ()
      %add3A_62 = arith.constant 2 : i32
      %add3A_63 = arith.addi %mul3A_47, %add3A_62 : i32
      %mul3A_64 = arith.constant 80 : i32
      %mul3A_65 = arith.muli %add3A_63, %mul3A_64 : i32
      %dma_start3A_66 = tpu.memref_slice %arg6[%mul3A_65] : memref<10000xi32, #tpu.memory_space<vmem>> -> memref<80xi32, #tpu.memory_space<vmem>>
      %dma_start3A_67 = arith.constant 0 : i32
      %dma_start3A_68 = arith.constant 0 : i32
      %dma_start3A_69 = tpu.memref_slice %arg2[%dma_start3A_67, %dma_start3A_68] : memref<10000x128xf32, #tpu.memory_space<hbm>> -> memref<10000x128xf32, #tpu.memory_space<hbm>>
      tpu.enqueue_indirect_dma source(%dma_start3A_69 : memref<10000x128xf32, #tpu.memory_space<hbm>>) target(%arg8 : memref<80x128xf32, #tpu.memory_space<vmem>>) offsets(%dma_start3A_66 : memref<80xi32, #tpu.memory_space<vmem>>) semaphore(%arg10 : memref<!tpu.dma_semaphore, #tpu.memory_space<semaphore_mem>>)
      %add3A_70 = arith.constant 1 : i32
      %add3A_71 = arith.addi %mul3A_47, %add3A_70 : i32
      %mul3A_72 = arith.constant 80 : i32
      %mul3A_73 = arith.muli %add3A_71, %mul3A_72 : i32
      %dma_wait3A_74 = tpu.memref_slice %arg6[%mul3A_73] : memref<10000xi32, #tpu.memory_space<vmem>> -> memref<80xi32, #tpu.memory_space<vmem>>
      %dma_wait3A_75 = arith.constant 0 : i32
      %dma_wait3A_76 = arith.constant 0 : i32
      %dma_wait3A_77 = tpu.memref_slice %arg2[%dma_wait3A_75, %dma_wait3A_76] : memref<10000x128xf32, #tpu.memory_space<hbm>> -> memref<10000x128xf32, #tpu.memory_space<hbm>>
      tpu.wait_indirect_dma semaphore(%arg11 : memref<!tpu.dma_semaphore, #tpu.memory_space<semaphore_mem>>) src(%dma_wait3A_77 : memref<10000x128xf32, #tpu.memory_space<hbm>>) dst(%arg9 : memref<80x128xf32, #tpu.memory_space<vmem>>)
      %add3A_78 = arith.constant 1 : i32
      %add3A_79 = arith.addi %mul3A_47, %add3A_78 : i32
      "tpu.region"() ({
        %run_scoped3A_81 = tpu.sem_alloc : memref<!tpu.dma_semaphore, #tpu.memory_space<semaphore_mem>>
        %dma_start3A_82 = arith.constant 0 : i32
        %dma_start3A_83 = tpu.memref_slice %arg7[%add3A_79, %dma_start3A_82] : memref<125x80xi32, #tpu.memory_space<vmem>> -> memref<1x80xi32, #tpu.memory_space<vmem>>
        %dma_start3A_84 = tpu.memref_squeeze %dma_start3A_83 : memref<1x80xi32, #tpu.memory_space<vmem>> -> memref<80xi32, #tpu.memory_space<vmem>>
        %dma_start3A_85 = arith.constant 0 : i32
        %dma_start3A_86 = arith.constant 0 : i32
        %dma_start3A_87 = tpu.memref_slice %arg12[%dma_start3A_85, %dma_start3A_86] : memref<10112x128xf32, #tpu.memory_space<vmem_shared>> -> memref<10112x128xf32, #tpu.memory_space<vmem_shared>>
        tpu.enqueue_indirect_dma source(%arg9 : memref<80x128xf32, #tpu.memory_space<vmem>>) target(%dma_start3A_87 : memref<10112x128xf32, #tpu.memory_space<vmem_shared>>) offsets(%dma_start3A_84 : memref<80xi32, #tpu.memory_space<vmem>>) semaphore(%run_scoped3A_81 : memref<!tpu.dma_semaphore, #tpu.memory_space<semaphore_mem>>) {add = true}
        %dma_wait3A_88 = arith.constant 0 : i32
        %dma_wait3A_89 = tpu.memref_slice %arg7[%add3A_79, %dma_wait3A_88] : memref<125x80xi32, #tpu.memory_space<vmem>> -> memref<1x80xi32, #tpu.memory_space<vmem>>
        %dma_wait3A_90 = tpu.memref_squeeze %dma_wait3A_89 : memref<1x80xi32, #tpu.memory_space<vmem>> -> memref<80xi32, #tpu.memory_space<vmem>>
        %dma_wait3A_91 = arith.constant 0 : i32
        %dma_wait3A_92 = arith.constant 0 : i32
        %dma_wait3A_93 = tpu.memref_slice %arg12[%dma_wait3A_91, %dma_wait3A_92] : memref<10112x128xf32, #tpu.memory_space<vmem_shared>> -> memref<10112x128xf32, #tpu.memory_space<vmem_shared>>
        tpu.wait_indirect_dma semaphore(%run_scoped3A_81 : memref<!tpu.dma_semaphore, #tpu.memory_space<semaphore_mem>>) src(%arg9 : memref<80x128xf32, #tpu.memory_space<vmem>>) dst(%dma_wait3A_93 : memref<10112x128xf32, #tpu.memory_space<vmem_shared>>)
        tpu.yield
      }) : () -> ()
      %scan3A_80 = arith.constant 0 : i32
      scf.yield %scan3A_80 : i32
    }
    %scan3A_38 = arith.constant 62 : i32
    %dma_wait3A = arith.constant 9920 : i32
    %dma_wait3A_39 = tpu.memref_slice %arg6[%dma_wait3A] : memref<10000xi32, #tpu.memory_space<vmem>> -> memref<80xi32, #tpu.memory_space<vmem>>
    %dma_wait3A_40 = arith.constant 0 : i32
    %dma_wait3A_41 = arith.constant 0 : i32
    %dma_wait3A_42 = tpu.memref_slice %arg2[%dma_wait3A_40, %dma_wait3A_41] : memref<10000x128xf32, #tpu.memory_space<hbm>> -> memref<10000x128xf32, #tpu.memory_space<hbm>>
    tpu.wait_indirect_dma semaphore(%arg10 : memref<!tpu.dma_semaphore, #tpu.memory_space<semaphore_mem>>) src(%dma_wait3A_42 : memref<10000x128xf32, #tpu.memory_space<hbm>>) dst(%arg8 : memref<80x128xf32, #tpu.memory_space<vmem>>)
    %run_scoped3A = arith.constant 124 : i32
    "tpu.region"() ({
      %run_scoped3A_44 = tpu.sem_alloc : memref<!tpu.dma_semaphore, #tpu.memory_space<semaphore_mem>>
      %dma_start3A_45 = arith.constant 0 : i32
      %dma_start3A_46 = tpu.memref_slice %arg7[%run_scoped3A, %dma_start3A_45] : memref<125x80xi32, #tpu.memory_space<vmem>> -> memref<1x80xi32, #tpu.memory_space<vmem>>
      %dma_start3A_47 = tpu.memref_squeeze %dma_start3A_46 : memref<1x80xi32, #tpu.memory_space<vmem>> -> memref<80xi32, #tpu.memory_space<vmem>>
      %dma_start3A_48 = arith.constant 0 : i32
      %dma_start3A_49 = arith.constant 0 : i32
      %dma_start3A_50 = tpu.memref_slice %arg12[%dma_start3A_48, %dma_start3A_49] : memref<10112x128xf32, #tpu.memory_space<vmem_shared>> -> memref<10112x128xf32, #tpu.memory_space<vmem_shared>>
      tpu.enqueue_indirect_dma source(%arg8 : memref<80x128xf32, #tpu.memory_space<vmem>>) target(%dma_start3A_50 : memref<10112x128xf32, #tpu.memory_space<vmem_shared>>) offsets(%dma_start3A_47 : memref<80xi32, #tpu.memory_space<vmem>>) semaphore(%run_scoped3A_44 : memref<!tpu.dma_semaphore, #tpu.memory_space<semaphore_mem>>) {add = true}
      %dma_wait3A_51 = arith.constant 0 : i32
      %dma_wait3A_52 = tpu.memref_slice %arg7[%run_scoped3A, %dma_wait3A_51] : memref<125x80xi32, #tpu.memory_space<vmem>> -> memref<1x80xi32, #tpu.memory_space<vmem>>
      %dma_wait3A_53 = tpu.memref_squeeze %dma_wait3A_52 : memref<1x80xi32, #tpu.memory_space<vmem>> -> memref<80xi32, #tpu.memory_space<vmem>>
      %dma_wait3A_54 = arith.constant 0 : i32
      %dma_wait3A_55 = arith.constant 0 : i32
      %dma_wait3A_56 = tpu.memref_slice %arg12[%dma_wait3A_54, %dma_wait3A_55] : memref<10112x128xf32, #tpu.memory_space<vmem_shared>> -> memref<10112x128xf32, #tpu.memory_space<vmem_shared>>
      tpu.wait_indirect_dma semaphore(%run_scoped3A_44 : memref<!tpu.dma_semaphore, #tpu.memory_space<semaphore_mem>>) src(%arg8 : memref<80x128xf32, #tpu.memory_space<vmem>>) dst(%dma_wait3A_56 : memref<10112x128xf32, #tpu.memory_space<vmem_shared>>)
      tpu.yield
    }) : () -> ()
    %barrier3A_43 = arith.constant 0 : index
    tpu.barrier barrier_id(%barrier3A_43)
    "tpu.region"() ({
      %run_scoped3A_44 = tpu.sem_alloc : memref<!tpu.dma_semaphore, #tpu.memory_space<semaphore_mem>>
      %dma_start3A_45 = arith.constant 0 : i32
      %dma_start3A_46 = tpu.memref_slice %arg5[%arg0, %mul3A_11, %dma_start3A_45] : memref<2x10112x128xf32, #tpu.memory_space<hbm>> -> memref<1x632x128xf32, #tpu.memory_space<hbm>>
      %dma_start3A_47 = tpu.memref_squeeze %dma_start3A_46 : memref<1x632x128xf32, #tpu.memory_space<hbm>> -> memref<632x128xf32, #tpu.memory_space<hbm>>
      %dma_start3A_48 = arith.constant 0 : i32
      %dma_start3A_49 = tpu.memref_slice %arg12[%mul3A_11, %dma_start3A_48] : memref<10112x128xf32, #tpu.memory_space<vmem_shared>> -> memref<632x128xf32, #tpu.memory_space<vmem_shared>>
      tpu.enqueue_dma source(%dma_start3A_49 : memref<632x128xf32, #tpu.memory_space<vmem_shared>>) target(%dma_start3A_47 : memref<632x128xf32, #tpu.memory_space<hbm>>) target_semaphore(%run_scoped3A_44 : memref<!tpu.dma_semaphore, #tpu.memory_space<semaphore_mem>>)
      %dma_wait3A_50 = arith.constant 0 : i32
      %dma_wait3A_51 = tpu.memref_slice %arg5[%arg0, %mul3A_11, %dma_wait3A_50] : memref<2x10112x128xf32, #tpu.memory_space<hbm>> -> memref<1x632x128xf32, #tpu.memory_space<hbm>>
      %dma_wait3A_52 = tpu.memref_squeeze %dma_wait3A_51 : memref<1x632x128xf32, #tpu.memory_space<hbm>> -> memref<632x128xf32, #tpu.memory_space<hbm>>
      %dma_wait3A_53 = arith.constant 0 : i32
      %dma_wait3A_54 = tpu.memref_slice %arg12[%mul3A_11, %dma_wait3A_53] : memref<10112x128xf32, #tpu.memory_space<vmem_shared>> -> memref<632x128xf32, #tpu.memory_space<vmem_shared>>
      tpu.wait_dma2 semaphore(%run_scoped3A_44 : memref<!tpu.dma_semaphore, #tpu.memory_space<semaphore_mem>>) src(%dma_wait3A_54 : memref<632x128xf32, #tpu.memory_space<vmem_shared>>) dst(%dma_wait3A_52 : memref<632x128xf32, #tpu.memory_space<hbm>>)
      tpu.yield
    }) : () -> ()
    return
  }
}

#map = affine_map<(d0, d1) -> (0, 0)>
#map1 = affine_map<(d0, d1) -> (0)>
#map2 = affine_map<(d0, d1) -> (0, 0, 0)>
module attributes {stable_mosaic.version = 14 : i64} {
  func.func @agg_kernel(%arg0: i32, %arg1: i32, %arg2: memref<10000x128xf32, #tpu.memory_space<hbm>>, %arg3: memref<320000xi32, #tpu.memory_space<hbm>>, %arg4: memref<32x125x80xi32, #tpu.memory_space<hbm>>, %arg5: memref<2x10112x128xf32, #tpu.memory_space<hbm>>, %arg6: memref<10000xi32, #tpu.memory_space<vmem>>, %arg7: memref<125x80xi32, #tpu.memory_space<vmem>>, %arg8: memref<80x128xf32, #tpu.memory_space<vmem>>, %arg9: memref<80x128xf32, #tpu.memory_space<vmem>>, %arg10: memref<!tpu.dma_semaphore, #tpu.memory_space<semaphore_mem>>, %arg11: memref<!tpu.dma_semaphore, #tpu.memory_space<semaphore_mem>>, %arg12: memref<10112x128xf32, #tpu.memory_space<vmem_shared>>) attributes {dimension_semantics = [#tpu.dimension_semantics<core_parallel>, #tpu.dimension_semantics<subcore_parallel>], iteration_bounds = array<i64: 2, 16>, scalar_prefetch = 0 : i64, scratch_operands = 7 : i64, tpu.core_type = #tpu.core_type<sc_vector_subcore>, window_params = [{transform_indices = #map}, {transform_indices = #map1}, {transform_indices = #map2}, {transform_indices = #map2}]} {
    %mul3A = arith.constant 2 : i32
    %mul3A_0 = arith.muli %arg1, %mul3A : i32
    %add3A = arith.addi %mul3A_0, %arg0 : i32
    %mul3A_1 = arith.constant 10000 : i32
    %mul3A_2 = arith.muli %add3A, %mul3A_1 : i32
    "tpu.region"() ({
      %run_scoped3A_44 = tpu.sem_alloc : memref<!tpu.dma_semaphore, #tpu.memory_space<semaphore_mem>>
      %dma_start3A_45 = tpu.memref_slice %arg3[%mul3A_2] : memref<320000xi32, #tpu.memory_space<hbm>> -> memref<10000xi32, #tpu.memory_space<hbm>>
      %dma_start3A_46 = tpu.memref_slice %arg3[%mul3A_2] : memref<320000xi32, #tpu.memory_space<hbm>> -> memref<10000xi32, #tpu.memory_space<hbm>>
      tpu.enqueue_dma source(%dma_start3A_46 : memref<10000xi32, #tpu.memory_space<hbm>>) target(%arg6 : memref<10000xi32, #tpu.memory_space<vmem>>) target_semaphore(%run_scoped3A_44 : memref<!tpu.dma_semaphore, #tpu.memory_space<semaphore_mem>>)
      %dma_wait3A_47 = tpu.memref_slice %arg3[%mul3A_2] : memref<320000xi32, #tpu.memory_space<hbm>> -> memref<10000xi32, #tpu.memory_space<hbm>>
      %dma_wait3A_48 = tpu.memref_slice %arg3[%mul3A_2] : memref<320000xi32, #tpu.memory_space<hbm>> -> memref<10000xi32, #tpu.memory_space<hbm>>
      tpu.wait_dma2 semaphore(%run_scoped3A_44 : memref<!tpu.dma_semaphore, #tpu.memory_space<semaphore_mem>>) src(%dma_wait3A_48 : memref<10000xi32, #tpu.memory_space<hbm>>) dst(%arg6 : memref<10000xi32, #tpu.memory_space<vmem>>)
      tpu.yield
    }) : () -> ()
    "tpu.region"() ({
      %run_scoped3A_44 = tpu.sem_alloc : memref<!tpu.dma_semaphore, #tpu.memory_space<semaphore_mem>>
      %dma_start3A_45 = arith.constant 0 : i32
      %dma_start3A_46 = arith.constant 0 : i32
      %dma_start3A_47 = tpu.memref_slice %arg4[%add3A, %dma_start3A_45, %dma_start3A_46] : memref<32x125x80xi32, #tpu.memory_space<hbm>> -> memref<1x125x80xi32, #tpu.memory_space<hbm>>
      %dma_start3A_48 = tpu.memref_squeeze %dma_start3A_47 : memref<1x125x80xi32, #tpu.memory_space<hbm>> -> memref<125x80xi32, #tpu.memory_space<hbm>>
      %dma_start3A_49 = arith.constant 0 : i32
      %dma_start3A_50 = arith.constant 0 : i32
      %dma_start3A_51 = tpu.memref_slice %arg4[%add3A, %dma_start3A_49, %dma_start3A_50] : memref<32x125x80xi32, #tpu.memory_space<hbm>> -> memref<1x125x80xi32, #tpu.memory_space<hbm>>
      %dma_start3A_52 = tpu.memref_squeeze %dma_start3A_51 : memref<1x125x80xi32, #tpu.memory_space<hbm>> -> memref<125x80xi32, #tpu.memory_space<hbm>>
      tpu.enqueue_dma source(%dma_start3A_52 : memref<125x80xi32, #tpu.memory_space<hbm>>) target(%arg7 : memref<125x80xi32, #tpu.memory_space<vmem>>) target_semaphore(%run_scoped3A_44 : memref<!tpu.dma_semaphore, #tpu.memory_space<semaphore_mem>>)
      %dma_wait3A_53 = arith.constant 0 : i32
      %dma_wait3A_54 = arith.constant 0 : i32
      %dma_wait3A_55 = tpu.memref_slice %arg4[%add3A, %dma_wait3A_53, %dma_wait3A_54] : memref<32x125x80xi32, #tpu.memory_space<hbm>> -> memref<1x125x80xi32, #tpu.memory_space<hbm>>
      %dma_wait3A_56 = tpu.memref_squeeze %dma_wait3A_55 : memref<1x125x80xi32, #tpu.memory_space<hbm>> -> memref<125x80xi32, #tpu.memory_space<hbm>>
      %dma_wait3A_57 = arith.constant 0 : i32
      %dma_wait3A_58 = arith.constant 0 : i32
      %dma_wait3A_59 = tpu.memref_slice %arg4[%add3A, %dma_wait3A_57, %dma_wait3A_58] : memref<32x125x80xi32, #tpu.memory_space<hbm>> -> memref<1x125x80xi32, #tpu.memory_space<hbm>>
      %dma_wait3A_60 = tpu.memref_squeeze %dma_wait3A_59 : memref<1x125x80xi32, #tpu.memory_space<hbm>> -> memref<125x80xi32, #tpu.memory_space<hbm>>
      tpu.wait_dma2 semaphore(%run_scoped3A_44 : memref<!tpu.dma_semaphore, #tpu.memory_space<semaphore_mem>>) src(%dma_wait3A_60 : memref<125x80xi32, #tpu.memory_space<hbm>>) dst(%arg7 : memref<125x80xi32, #tpu.memory_space<vmem>>)
      tpu.yield
    }) : () -> ()
    %broadcast_in_dim3A = arith.constant 0.000000e+00 : f32
    %broadcast_in_dim3A_3 = vector.broadcast %broadcast_in_dim3A : f32 to vector<16xf32>
    %scan3A = arith.constant 0 : i32
    %scan3A_4 = arith.constant 0 : i32
    %scan3A_5 = arith.constant 80 : i32
    %scan3A_6 = arith.addi %scan3A_4, %scan3A_5 : i32
    %scan3A_7 = arith.constant 1 : i32
    %scan3A_8 = scf.for %scan3A_44 = %scan3A_4 to %scan3A_6 step %scan3A_7 iter_args(%scan3A_45 = %scan3A) -> (i32)  : i32 {
      %swap3A = arith.index_cast %scan3A_44 : i32 to index
      %swap3A_46 = arith.constant 0 : index
      %swap3A_47 = tpu.vector_load %arg8[%swap3A, %swap3A_46] {strides = array<i32>} : memref<80x128xf32, #tpu.memory_space<vmem>>, vector<1x16xf32>,
      %swap3A_48 = vector.shape_cast %swap3A_47 : vector<1x16xf32> to vector<16xf32>
      %swap3A_49 = vector.shape_cast %broadcast_in_dim3A_3 : vector<16xf32> to vector<1x16xf32>
      tpu.vector_store %arg8[%swap3A, %swap3A_46], %swap3A_49 {strides = array<i32>} : memref<80x128xf32, #tpu.memory_space<vmem>>, vector<1x16xf32>,
      %swap3A_50 = arith.index_cast %scan3A_44 : i32 to index
      %swap3A_51 = arith.constant 16 : index
      %swap3A_52 = tpu.vector_load %arg8[%swap3A_50, %swap3A_51] {strides = array<i32>} : memref<80x128xf32, #tpu.memory_space<vmem>>, vector<1x16xf32>,
      %swap3A_53 = vector.shape_cast %swap3A_52 : vector<1x16xf32> to vector<16xf32>
      %swap3A_54 = vector.shape_cast %broadcast_in_dim3A_3 : vector<16xf32> to vector<1x16xf32>
      tpu.vector_store %arg8[%swap3A_50, %swap3A_51], %swap3A_54 {strides = array<i32>} : memref<80x128xf32, #tpu.memory_space<vmem>>, vector<1x16xf32>,
      %swap3A_55 = arith.index_cast %scan3A_44 : i32 to index
      %swap3A_56 = arith.constant 32 : index
      %swap3A_57 = tpu.vector_load %arg8[%swap3A_55, %swap3A_56] {strides = array<i32>} : memref<80x128xf32, #tpu.memory_space<vmem>>, vector<1x16xf32>,
      %swap3A_58 = vector.shape_cast %swap3A_57 : vector<1x16xf32> to vector<16xf32>
      %swap3A_59 = vector.shape_cast %broadcast_in_dim3A_3 : vector<16xf32> to vector<1x16xf32>
      tpu.vector_store %arg8[%swap3A_55, %swap3A_56], %swap3A_59 {strides = array<i32>} : memref<80x128xf32, #tpu.memory_space<vmem>>, vector<1x16xf32>,
      %swap3A_60 = arith.index_cast %scan3A_44 : i32 to index
      %swap3A_61 = arith.constant 48 : index
      %swap3A_62 = tpu.vector_load %arg8[%swap3A_60, %swap3A_61] {strides = array<i32>} : memref<80x128xf32, #tpu.memory_space<vmem>>, vector<1x16xf32>,
      %swap3A_63 = vector.shape_cast %swap3A_62 : vector<1x16xf32> to vector<16xf32>
      %swap3A_64 = vector.shape_cast %broadcast_in_dim3A_3 : vector<16xf32> to vector<1x16xf32>
      tpu.vector_store %arg8[%swap3A_60, %swap3A_61], %swap3A_64 {strides = array<i32>} : memref<80x128xf32, #tpu.memory_space<vmem>>, vector<1x16xf32>,
      %swap3A_65 = arith.index_cast %scan3A_44 : i32 to index
      %swap3A_66 = arith.constant 64 : index
      %swap3A_67 = tpu.vector_load %arg8[%swap3A_65, %swap3A_66] {strides = array<i32>} : memref<80x128xf32, #tpu.memory_space<vmem>>, vector<1x16xf32>,
      %swap3A_68 = vector.shape_cast %swap3A_67 : vector<1x16xf32> to vector<16xf32>
      %swap3A_69 = vector.shape_cast %broadcast_in_dim3A_3 : vector<16xf32> to vector<1x16xf32>
      tpu.vector_store %arg8[%swap3A_65, %swap3A_66], %swap3A_69 {strides = array<i32>} : memref<80x128xf32, #tpu.memory_space<vmem>>, vector<1x16xf32>,
      %swap3A_70 = arith.index_cast %scan3A_44 : i32 to index
      %swap3A_71 = arith.constant 80 : index
      %swap3A_72 = tpu.vector_load %arg8[%swap3A_70, %swap3A_71] {strides = array<i32>} : memref<80x128xf32, #tpu.memory_space<vmem>>, vector<1x16xf32>,
      %swap3A_73 = vector.shape_cast %swap3A_72 : vector<1x16xf32> to vector<16xf32>
      %swap3A_74 = vector.shape_cast %broadcast_in_dim3A_3 : vector<16xf32> to vector<1x16xf32>
      tpu.vector_store %arg8[%swap3A_70, %swap3A_71], %swap3A_74 {strides = array<i32>} : memref<80x128xf32, #tpu.memory_space<vmem>>, vector<1x16xf32>,
      %swap3A_75 = arith.index_cast %scan3A_44 : i32 to index
      %swap3A_76 = arith.constant 96 : index
      %swap3A_77 = tpu.vector_load %arg8[%swap3A_75, %swap3A_76] {strides = array<i32>} : memref<80x128xf32, #tpu.memory_space<vmem>>, vector<1x16xf32>,
      %swap3A_78 = vector.shape_cast %swap3A_77 : vector<1x16xf32> to vector<16xf32>
      %swap3A_79 = vector.shape_cast %broadcast_in_dim3A_3 : vector<16xf32> to vector<1x16xf32>
      tpu.vector_store %arg8[%swap3A_75, %swap3A_76], %swap3A_79 {strides = array<i32>} : memref<80x128xf32, #tpu.memory_space<vmem>>, vector<1x16xf32>,
      %swap3A_80 = arith.index_cast %scan3A_44 : i32 to index
      %swap3A_81 = arith.constant 112 : index
      %swap3A_82 = tpu.vector_load %arg8[%swap3A_80, %swap3A_81] {strides = array<i32>} : memref<80x128xf32, #tpu.memory_space<vmem>>, vector<1x16xf32>,
      %swap3A_83 = vector.shape_cast %swap3A_82 : vector<1x16xf32> to vector<16xf32>
      %swap3A_84 = vector.shape_cast %broadcast_in_dim3A_3 : vector<16xf32> to vector<1x16xf32>
      tpu.vector_store %arg8[%swap3A_80, %swap3A_81], %swap3A_84 {strides = array<i32>} : memref<80x128xf32, #tpu.memory_space<vmem>>, vector<1x16xf32>,
      %scan3A_85 = arith.constant 0 : i32
      scf.yield %scan3A_85 : i32
    }
    %scan3A_9 = arith.constant 80 : i32
    %mul3A_10 = arith.constant 632 : i32
    %mul3A_11 = arith.muli %arg1, %mul3A_10 : i32
    %add3A_12 = arith.constant 0 : i32
    %add3A_13 = arith.addi %mul3A_11, %add3A_12 : i32
    "tpu.region"() ({
      %run_scoped3A_44 = tpu.sem_alloc : memref<!tpu.dma_semaphore, #tpu.memory_space<semaphore_mem>>
      %dma_start3A_45 = arith.constant 0 : i32
      %dma_start3A_46 = tpu.memref_slice %arg12[%add3A_13, %dma_start3A_45] : memref<10112x128xf32, #tpu.memory_space<vmem_shared>> -> memref<80x128xf32, #tpu.memory_space<vmem_shared>>
      %dma_start3A_47 = arith.constant 0 : i32
      %dma_start3A_48 = tpu.memref_slice %arg12[%add3A_13, %dma_start3A_47] : memref<10112x128xf32, #tpu.memory_space<vmem_shared>> -> memref<80x128xf32, #tpu.memory_space<vmem_shared>>
      tpu.enqueue_dma source(%arg8 : memref<80x128xf32, #tpu.memory_space<vmem>>) target(%dma_start3A_48 : memref<80x128xf32, #tpu.memory_space<vmem_shared>>) target_semaphore(%run_scoped3A_44 : memref<!tpu.dma_semaphore, #tpu.memory_space<semaphore_mem>>)
      %dma_wait3A_49 = arith.constant 0 : i32
      %dma_wait3A_50 = tpu.memref_slice %arg12[%add3A_13, %dma_wait3A_49] : memref<10112x128xf32, #tpu.memory_space<vmem_shared>> -> memref<80x128xf32, #tpu.memory_space<vmem_shared>>
      %dma_wait3A_51 = arith.constant 0 : i32
      %dma_wait3A_52 = tpu.memref_slice %arg12[%add3A_13, %dma_wait3A_51] : memref<10112x128xf32, #tpu.memory_space<vmem_shared>> -> memref<80x128xf32, #tpu.memory_space<vmem_shared>>
      tpu.wait_dma2 semaphore(%run_scoped3A_44 : memref<!tpu.dma_semaphore, #tpu.memory_space<semaphore_mem>>) src(%arg8 : memref<80x128xf32, #tpu.memory_space<vmem>>) dst(%dma_wait3A_52 : memref<80x128xf32, #tpu.memory_space<vmem_shared>>)
      tpu.yield
    }) : () -> ()
    %add3A_14 = arith.constant 80 : i32
    %add3A_15 = arith.addi %mul3A_11, %add3A_14 : i32
    "tpu.region"() ({
      %run_scoped3A_44 = tpu.sem_alloc : memref<!tpu.dma_semaphore, #tpu.memory_space<semaphore_mem>>
      %dma_start3A_45 = arith.constant 0 : i32
      %dma_start3A_46 = tpu.memref_slice %arg12[%add3A_15, %dma_start3A_45] : memref<10112x128xf32, #tpu.memory_space<vmem_shared>> -> memref<80x128xf32, #tpu.memory_space<vmem_shared>>
      %dma_start3A_47 = arith.constant 0 : i32
      %dma_start3A_48 = tpu.memref_slice %arg12[%add3A_15, %dma_start3A_47] : memref<10112x128xf32, #tpu.memory_space<vmem_shared>> -> memref<80x128xf32, #tpu.memory_space<vmem_shared>>
      tpu.enqueue_dma source(%arg8 : memref<80x128xf32, #tpu.memory_space<vmem>>) target(%dma_start3A_48 : memref<80x128xf32, #tpu.memory_space<vmem_shared>>) target_semaphore(%run_scoped3A_44 : memref<!tpu.dma_semaphore, #tpu.memory_space<semaphore_mem>>)
      %dma_wait3A_49 = arith.constant 0 : i32
      %dma_wait3A_50 = tpu.memref_slice %arg12[%add3A_15, %dma_wait3A_49] : memref<10112x128xf32, #tpu.memory_space<vmem_shared>> -> memref<80x128xf32, #tpu.memory_space<vmem_shared>>
      %dma_wait3A_51 = arith.constant 0 : i32
      %dma_wait3A_52 = tpu.memref_slice %arg12[%add3A_15, %dma_wait3A_51] : memref<10112x128xf32, #tpu.memory_space<vmem_shared>> -> memref<80x128xf32, #tpu.memory_space<vmem_shared>>
      tpu.wait_dma2 semaphore(%run_scoped3A_44 : memref<!tpu.dma_semaphore, #tpu.memory_space<semaphore_mem>>) src(%arg8 : memref<80x128xf32, #tpu.memory_space<vmem>>) dst(%dma_wait3A_52 : memref<80x128xf32, #tpu.memory_space<vmem_shared>>)
      tpu.yield
    }) : () -> ()
    %add3A_16 = arith.constant 160 : i32
    %add3A_17 = arith.addi %mul3A_11, %add3A_16 : i32
    "tpu.region"() ({
      %run_scoped3A_44 = tpu.sem_alloc : memref<!tpu.dma_semaphore, #tpu.memory_space<semaphore_mem>>
      %dma_start3A_45 = arith.constant 0 : i32
      %dma_start3A_46 = tpu.memref_slice %arg12[%add3A_17, %dma_start3A_45] : memref<10112x128xf32, #tpu.memory_space<vmem_shared>> -> memref<80x128xf32, #tpu.memory_space<vmem_shared>>
      %dma_start3A_47 = arith.constant 0 : i32
      %dma_start3A_48 = tpu.memref_slice %arg12[%add3A_17, %dma_start3A_47] : memref<10112x128xf32, #tpu.memory_space<vmem_shared>> -> memref<80x128xf32, #tpu.memory_space<vmem_shared>>
      tpu.enqueue_dma source(%arg8 : memref<80x128xf32, #tpu.memory_space<vmem>>) target(%dma_start3A_48 : memref<80x128xf32, #tpu.memory_space<vmem_shared>>) target_semaphore(%run_scoped3A_44 : memref<!tpu.dma_semaphore, #tpu.memory_space<semaphore_mem>>)
      %dma_wait3A_49 = arith.constant 0 : i32
      %dma_wait3A_50 = tpu.memref_slice %arg12[%add3A_17, %dma_wait3A_49] : memref<10112x128xf32, #tpu.memory_space<vmem_shared>> -> memref<80x128xf32, #tpu.memory_space<vmem_shared>>
      %dma_wait3A_51 = arith.constant 0 : i32
      %dma_wait3A_52 = tpu.memref_slice %arg12[%add3A_17, %dma_wait3A_51] : memref<10112x128xf32, #tpu.memory_space<vmem_shared>> -> memref<80x128xf32, #tpu.memory_space<vmem_shared>>
      tpu.wait_dma2 semaphore(%run_scoped3A_44 : memref<!tpu.dma_semaphore, #tpu.memory_space<semaphore_mem>>) src(%arg8 : memref<80x128xf32, #tpu.memory_space<vmem>>) dst(%dma_wait3A_52 : memref<80x128xf32, #tpu.memory_space<vmem_shared>>)
      tpu.yield
    }) : () -> ()
    %add3A_18 = arith.constant 240 : i32
    %add3A_19 = arith.addi %mul3A_11, %add3A_18 : i32
    "tpu.region"() ({
      %run_scoped3A_44 = tpu.sem_alloc : memref<!tpu.dma_semaphore, #tpu.memory_space<semaphore_mem>>
      %dma_start3A_45 = arith.constant 0 : i32
      %dma_start3A_46 = tpu.memref_slice %arg12[%add3A_19, %dma_start3A_45] : memref<10112x128xf32, #tpu.memory_space<vmem_shared>> -> memref<80x128xf32, #tpu.memory_space<vmem_shared>>
      %dma_start3A_47 = arith.constant 0 : i32
      %dma_start3A_48 = tpu.memref_slice %arg12[%add3A_19, %dma_start3A_47] : memref<10112x128xf32, #tpu.memory_space<vmem_shared>> -> memref<80x128xf32, #tpu.memory_space<vmem_shared>>
      tpu.enqueue_dma source(%arg8 : memref<80x128xf32, #tpu.memory_space<vmem>>) target(%dma_start3A_48 : memref<80x128xf32, #tpu.memory_space<vmem_shared>>) target_semaphore(%run_scoped3A_44 : memref<!tpu.dma_semaphore, #tpu.memory_space<semaphore_mem>>)
      %dma_wait3A_49 = arith.constant 0 : i32
      %dma_wait3A_50 = tpu.memref_slice %arg12[%add3A_19, %dma_wait3A_49] : memref<10112x128xf32, #tpu.memory_space<vmem_shared>> -> memref<80x128xf32, #tpu.memory_space<vmem_shared>>
      %dma_wait3A_51 = arith.constant 0 : i32
      %dma_wait3A_52 = tpu.memref_slice %arg12[%add3A_19, %dma_wait3A_51] : memref<10112x128xf32, #tpu.memory_space<vmem_shared>> -> memref<80x128xf32, #tpu.memory_space<vmem_shared>>
      tpu.wait_dma2 semaphore(%run_scoped3A_44 : memref<!tpu.dma_semaphore, #tpu.memory_space<semaphore_mem>>) src(%arg8 : memref<80x128xf32, #tpu.memory_space<vmem>>) dst(%dma_wait3A_52 : memref<80x128xf32, #tpu.memory_space<vmem_shared>>)
      tpu.yield
    }) : () -> ()
    %add3A_20 = arith.constant 320 : i32
    %add3A_21 = arith.addi %mul3A_11, %add3A_20 : i32
    "tpu.region"() ({
      %run_scoped3A_44 = tpu.sem_alloc : memref<!tpu.dma_semaphore, #tpu.memory_space<semaphore_mem>>
      %dma_start3A_45 = arith.constant 0 : i32
      %dma_start3A_46 = tpu.memref_slice %arg12[%add3A_21, %dma_start3A_45] : memref<10112x128xf32, #tpu.memory_space<vmem_shared>> -> memref<80x128xf32, #tpu.memory_space<vmem_shared>>
      %dma_start3A_47 = arith.constant 0 : i32
      %dma_start3A_48 = tpu.memref_slice %arg12[%add3A_21, %dma_start3A_47] : memref<10112x128xf32, #tpu.memory_space<vmem_shared>> -> memref<80x128xf32, #tpu.memory_space<vmem_shared>>
      tpu.enqueue_dma source(%arg8 : memref<80x128xf32, #tpu.memory_space<vmem>>) target(%dma_start3A_48 : memref<80x128xf32, #tpu.memory_space<vmem_shared>>) target_semaphore(%run_scoped3A_44 : memref<!tpu.dma_semaphore, #tpu.memory_space<semaphore_mem>>)
      %dma_wait3A_49 = arith.constant 0 : i32
      %dma_wait3A_50 = tpu.memref_slice %arg12[%add3A_21, %dma_wait3A_49] : memref<10112x128xf32, #tpu.memory_space<vmem_shared>> -> memref<80x128xf32, #tpu.memory_space<vmem_shared>>
      %dma_wait3A_51 = arith.constant 0 : i32
      %dma_wait3A_52 = tpu.memref_slice %arg12[%add3A_21, %dma_wait3A_51] : memref<10112x128xf32, #tpu.memory_space<vmem_shared>> -> memref<80x128xf32, #tpu.memory_space<vmem_shared>>
      tpu.wait_dma2 semaphore(%run_scoped3A_44 : memref<!tpu.dma_semaphore, #tpu.memory_space<semaphore_mem>>) src(%arg8 : memref<80x128xf32, #tpu.memory_space<vmem>>) dst(%dma_wait3A_52 : memref<80x128xf32, #tpu.memory_space<vmem_shared>>)
      tpu.yield
    }) : () -> ()
    %add3A_22 = arith.constant 400 : i32
    %add3A_23 = arith.addi %mul3A_11, %add3A_22 : i32
    "tpu.region"() ({
      %run_scoped3A_44 = tpu.sem_alloc : memref<!tpu.dma_semaphore, #tpu.memory_space<semaphore_mem>>
      %dma_start3A_45 = arith.constant 0 : i32
      %dma_start3A_46 = tpu.memref_slice %arg12[%add3A_23, %dma_start3A_45] : memref<10112x128xf32, #tpu.memory_space<vmem_shared>> -> memref<80x128xf32, #tpu.memory_space<vmem_shared>>
      %dma_start3A_47 = arith.constant 0 : i32
      %dma_start3A_48 = tpu.memref_slice %arg12[%add3A_23, %dma_start3A_47] : memref<10112x128xf32, #tpu.memory_space<vmem_shared>> -> memref<80x128xf32, #tpu.memory_space<vmem_shared>>
      tpu.enqueue_dma source(%arg8 : memref<80x128xf32, #tpu.memory_space<vmem>>) target(%dma_start3A_48 : memref<80x128xf32, #tpu.memory_space<vmem_shared>>) target_semaphore(%run_scoped3A_44 : memref<!tpu.dma_semaphore, #tpu.memory_space<semaphore_mem>>)
      %dma_wait3A_49 = arith.constant 0 : i32
      %dma_wait3A_50 = tpu.memref_slice %arg12[%add3A_23, %dma_wait3A_49] : memref<10112x128xf32, #tpu.memory_space<vmem_shared>> -> memref<80x128xf32, #tpu.memory_space<vmem_shared>>
      %dma_wait3A_51 = arith.constant 0 : i32
      %dma_wait3A_52 = tpu.memref_slice %arg12[%add3A_23, %dma_wait3A_51] : memref<10112x128xf32, #tpu.memory_space<vmem_shared>> -> memref<80x128xf32, #tpu.memory_space<vmem_shared>>
      tpu.wait_dma2 semaphore(%run_scoped3A_44 : memref<!tpu.dma_semaphore, #tpu.memory_space<semaphore_mem>>) src(%arg8 : memref<80x128xf32, #tpu.memory_space<vmem>>) dst(%dma_wait3A_52 : memref<80x128xf32, #tpu.memory_space<vmem_shared>>)
      tpu.yield
    }) : () -> ()
    %add3A_24 = arith.constant 480 : i32
    %add3A_25 = arith.addi %mul3A_11, %add3A_24 : i32
    "tpu.region"() ({
      %run_scoped3A_44 = tpu.sem_alloc : memref<!tpu.dma_semaphore, #tpu.memory_space<semaphore_mem>>
      %dma_start3A_45 = arith.constant 0 : i32
      %dma_start3A_46 = tpu.memref_slice %arg12[%add3A_25, %dma_start3A_45] : memref<10112x128xf32, #tpu.memory_space<vmem_shared>> -> memref<80x128xf32, #tpu.memory_space<vmem_shared>>
      %dma_start3A_47 = arith.constant 0 : i32
      %dma_start3A_48 = tpu.memref_slice %arg12[%add3A_25, %dma_start3A_47] : memref<10112x128xf32, #tpu.memory_space<vmem_shared>> -> memref<80x128xf32, #tpu.memory_space<vmem_shared>>
      tpu.enqueue_dma source(%arg8 : memref<80x128xf32, #tpu.memory_space<vmem>>) target(%dma_start3A_48 : memref<80x128xf32, #tpu.memory_space<vmem_shared>>) target_semaphore(%run_scoped3A_44 : memref<!tpu.dma_semaphore, #tpu.memory_space<semaphore_mem>>)
      %dma_wait3A_49 = arith.constant 0 : i32
      %dma_wait3A_50 = tpu.memref_slice %arg12[%add3A_25, %dma_wait3A_49] : memref<10112x128xf32, #tpu.memory_space<vmem_shared>> -> memref<80x128xf32, #tpu.memory_space<vmem_shared>>
      %dma_wait3A_51 = arith.constant 0 : i32
      %dma_wait3A_52 = tpu.memref_slice %arg12[%add3A_25, %dma_wait3A_51] : memref<10112x128xf32, #tpu.memory_space<vmem_shared>> -> memref<80x128xf32, #tpu.memory_space<vmem_shared>>
      tpu.wait_dma2 semaphore(%run_scoped3A_44 : memref<!tpu.dma_semaphore, #tpu.memory_space<semaphore_mem>>) src(%arg8 : memref<80x128xf32, #tpu.memory_space<vmem>>) dst(%dma_wait3A_52 : memref<80x128xf32, #tpu.memory_space<vmem_shared>>)
      tpu.yield
    }) : () -> ()
    %add3A_26 = arith.constant 560 : i32
    %add3A_27 = arith.addi %mul3A_11, %add3A_26 : i32
    "tpu.region"() ({
      %run_scoped3A_44 = tpu.sem_alloc : memref<!tpu.dma_semaphore, #tpu.memory_space<semaphore_mem>>
      %dma_start3A_45 = arith.constant 0 : i32
      %dma_start3A_46 = arith.constant 0 : i32
      %dma_start3A_47 = tpu.memref_slice %arg8[%dma_start3A_45, %dma_start3A_46] : memref<80x128xf32, #tpu.memory_space<vmem>> -> memref<72x128xf32, #tpu.memory_space<vmem>>
      %dma_start3A_48 = arith.constant 0 : i32
      %dma_start3A_49 = tpu.memref_slice %arg12[%add3A_27, %dma_start3A_48] : memref<10112x128xf32, #tpu.memory_space<vmem_shared>> -> memref<72x128xf32, #tpu.memory_space<vmem_shared>>
      %dma_start3A_50 = arith.constant 0 : i32
      %dma_start3A_51 = tpu.memref_slice %arg12[%add3A_27, %dma_start3A_50] : memref<10112x128xf32, #tpu.memory_space<vmem_shared>> -> memref<72x128xf32, #tpu.memory_space<vmem_shared>>
      %dma_start3A_52 = arith.constant 0 : i32
      %dma_start3A_53 = arith.constant 0 : i32
      %dma_start3A_54 = tpu.memref_slice %arg8[%dma_start3A_52, %dma_start3A_53] : memref<80x128xf32, #tpu.memory_space<vmem>> -> memref<72x128xf32, #tpu.memory_space<vmem>>
      tpu.enqueue_dma source(%dma_start3A_54 : memref<72x128xf32, #tpu.memory_space<vmem>>) target(%dma_start3A_51 : memref<72x128xf32, #tpu.memory_space<vmem_shared>>) target_semaphore(%run_scoped3A_44 : memref<!tpu.dma_semaphore, #tpu.memory_space<semaphore_mem>>)
      %dma_wait3A_55 = arith.constant 0 : i32
      %dma_wait3A_56 = arith.constant 0 : i32
      %dma_wait3A_57 = tpu.memref_slice %arg8[%dma_wait3A_55, %dma_wait3A_56] : memref<80x128xf32, #tpu.memory_space<vmem>> -> memref<72x128xf32, #tpu.memory_space<vmem>>
      %dma_wait3A_58 = arith.constant 0 : i32
      %dma_wait3A_59 = tpu.memref_slice %arg12[%add3A_27, %dma_wait3A_58] : memref<10112x128xf32, #tpu.memory_space<vmem_shared>> -> memref<72x128xf32, #tpu.memory_space<vmem_shared>>
      %dma_wait3A_60 = arith.constant 0 : i32
      %dma_wait3A_61 = tpu.memref_slice %arg12[%add3A_27, %dma_wait3A_60] : memref<10112x128xf32, #tpu.memory_space<vmem_shared>> -> memref<72x128xf32, #tpu.memory_space<vmem_shared>>
      %dma_wait3A_62 = arith.constant 0 : i32
      %dma_wait3A_63 = arith.constant 0 : i32
      %dma_wait3A_64 = tpu.memref_slice %arg8[%dma_wait3A_62, %dma_wait3A_63] : memref<80x128xf32, #tpu.memory_space<vmem>> -> memref<72x128xf32, #tpu.memory_space<vmem>>
      tpu.wait_dma2 semaphore(%run_scoped3A_44 : memref<!tpu.dma_semaphore, #tpu.memory_space<semaphore_mem>>) src(%dma_wait3A_64 : memref<72x128xf32, #tpu.memory_space<vmem>>) dst(%dma_wait3A_61 : memref<72x128xf32, #tpu.memory_space<vmem_shared>>)
      tpu.yield
    }) : () -> ()
    %barrier3A = arith.constant 0 : index
    tpu.barrier barrier_id(%barrier3A)
    %dma_start3A = arith.constant 0 : i32
    %dma_start3A_28 = tpu.memref_slice %arg6[%dma_start3A] : memref<10000xi32, #tpu.memory_space<vmem>> -> memref<80xi32, #tpu.memory_space<vmem>>
    %dma_start3A_29 = arith.constant 0 : i32
    %dma_start3A_30 = arith.constant 0 : i32
    %dma_start3A_31 = tpu.memref_slice %arg2[%dma_start3A_29, %dma_start3A_30] : memref<10000x128xf32, #tpu.memory_space<hbm>> -> memref<10000x128xf32, #tpu.memory_space<hbm>>
    tpu.enqueue_indirect_dma source(%dma_start3A_31 : memref<10000x128xf32, #tpu.memory_space<hbm>>) target(%arg8 : memref<80x128xf32, #tpu.memory_space<vmem>>) offsets(%dma_start3A_28 : memref<80xi32, #tpu.memory_space<vmem>>) semaphore(%arg10 : memref<!tpu.dma_semaphore, #tpu.memory_space<semaphore_mem>>)
    %scan3A_32 = arith.constant 0 : i32
    %scan3A_33 = arith.constant 0 : i32
    %scan3A_34 = arith.constant 62 : i32
    %scan3A_35 = arith.addi %scan3A_33, %scan3A_34 : i32
    %scan3A_36 = arith.constant 1 : i32
    %scan3A_37 = scf.for %scan3A_44 = %scan3A_33 to %scan3A_35 step %scan3A_36 iter_args(%scan3A_45 = %scan3A_32) -> (i32)  : i32 {
      %mul3A_46 = arith.constant 2 : i32
      %mul3A_47 = arith.muli %mul3A_46, %scan3A_44 : i32
      %add3A_48 = arith.constant 1 : i32
      %add3A_49 = arith.addi %mul3A_47, %add3A_48 : i32
      %mul3A_50 = arith.constant 80 : i32
      %mul3A_51 = arith.muli %add3A_49, %mul3A_50 : i32
      %dma_start3A_52 = tpu.memref_slice %arg6[%mul3A_51] : memref<10000xi32, #tpu.memory_space<vmem>> -> memref<80xi32, #tpu.memory_space<vmem>>
      %dma_start3A_53 = arith.constant 0 : i32
      %dma_start3A_54 = arith.constant 0 : i32
      %dma_start3A_55 = tpu.memref_slice %arg2[%dma_start3A_53, %dma_start3A_54] : memref<10000x128xf32, #tpu.memory_space<hbm>> -> memref<10000x128xf32, #tpu.memory_space<hbm>>
      tpu.enqueue_indirect_dma source(%dma_start3A_55 : memref<10000x128xf32, #tpu.memory_space<hbm>>) target(%arg9 : memref<80x128xf32, #tpu.memory_space<vmem>>) offsets(%dma_start3A_52 : memref<80xi32, #tpu.memory_space<vmem>>) semaphore(%arg11 : memref<!tpu.dma_semaphore, #tpu.memory_space<semaphore_mem>>)
      %mul3A_56 = arith.constant 80 : i32
      %mul3A_57 = arith.muli %mul3A_47, %mul3A_56 : i32
      %dma_wait3A_58 = tpu.memref_slice %arg6[%mul3A_57] : memref<10000xi32, #tpu.memory_space<vmem>> -> memref<80xi32, #tpu.memory_space<vmem>>
      %dma_wait3A_59 = arith.constant 0 : i32
      %dma_wait3A_60 = arith.constant 0 : i32
      %dma_wait3A_61 = tpu.memref_slice %arg2[%dma_wait3A_59, %dma_wait3A_60] : memref<10000x128xf32, #tpu.memory_space<hbm>> -> memref<10000x128xf32, #tpu.memory_space<hbm>>
      tpu.wait_indirect_dma semaphore(%arg10 : memref<!tpu.dma_semaphore, #tpu.memory_space<semaphore_mem>>) src(%dma_wait3A_61 : memref<10000x128xf32, #tpu.memory_space<hbm>>) dst(%arg8 : memref<80x128xf32, #tpu.memory_space<vmem>>)
      "tpu.region"() ({
        %run_scoped3A_81 = tpu.sem_alloc : memref<!tpu.dma_semaphore, #tpu.memory_space<semaphore_mem>>
        %dma_start3A_82 = arith.constant 0 : i32
        %dma_start3A_83 = tpu.memref_slice %arg7[%mul3A_47, %dma_start3A_82] : memref<125x80xi32, #tpu.memory_space<vmem>> -> memref<1x80xi32, #tpu.memory_space<vmem>>
        %dma_start3A_84 = tpu.memref_squeeze %dma_start3A_83 : memref<1x80xi32, #tpu.memory_space<vmem>> -> memref<80xi32, #tpu.memory_space<vmem>>
        %dma_start3A_85 = arith.constant 0 : i32
        %dma_start3A_86 = arith.constant 0 : i32
        %dma_start3A_87 = tpu.memref_slice %arg12[%dma_start3A_85, %dma_start3A_86] : memref<10112x128xf32, #tpu.memory_space<vmem_shared>> -> memref<10112x128xf32, #tpu.memory_space<vmem_shared>>
        tpu.enqueue_indirect_dma source(%arg8 : memref<80x128xf32, #tpu.memory_space<vmem>>) target(%dma_start3A_87 : memref<10112x128xf32, #tpu.memory_space<vmem_shared>>) offsets(%dma_start3A_84 : memref<80xi32, #tpu.memory_space<vmem>>) semaphore(%run_scoped3A_81 : memref<!tpu.dma_semaphore, #tpu.memory_space<semaphore_mem>>) {add = true}
        %dma_wait3A_88 = arith.constant 0 : i32
        %dma_wait3A_89 = tpu.memref_slice %arg7[%mul3A_47, %dma_wait3A_88] : memref<125x80xi32, #tpu.memory_space<vmem>> -> memref<1x80xi32, #tpu.memory_space<vmem>>
        %dma_wait3A_90 = tpu.memref_squeeze %dma_wait3A_89 : memref<1x80xi32, #tpu.memory_space<vmem>> -> memref<80xi32, #tpu.memory_space<vmem>>
        %dma_wait3A_91 = arith.constant 0 : i32
        %dma_wait3A_92 = arith.constant 0 : i32
        %dma_wait3A_93 = tpu.memref_slice %arg12[%dma_wait3A_91, %dma_wait3A_92] : memref<10112x128xf32, #tpu.memory_space<vmem_shared>> -> memref<10112x128xf32, #tpu.memory_space<vmem_shared>>
        tpu.wait_indirect_dma semaphore(%run_scoped3A_81 : memref<!tpu.dma_semaphore, #tpu.memory_space<semaphore_mem>>) src(%arg8 : memref<80x128xf32, #tpu.memory_space<vmem>>) dst(%dma_wait3A_93 : memref<10112x128xf32, #tpu.memory_space<vmem_shared>>)
        tpu.yield
      }) : () -> ()
      %add3A_62 = arith.constant 2 : i32
      %add3A_63 = arith.addi %mul3A_47, %add3A_62 : i32
      %mul3A_64 = arith.constant 80 : i32
      %mul3A_65 = arith.muli %add3A_63, %mul3A_64 : i32
      %dma_start3A_66 = tpu.memref_slice %arg6[%mul3A_65] : memref<10000xi32, #tpu.memory_space<vmem>> -> memref<80xi32, #tpu.memory_space<vmem>>
      %dma_start3A_67 = arith.constant 0 : i32
      %dma_start3A_68 = arith.constant 0 : i32
      %dma_start3A_69 = tpu.memref_slice %arg2[%dma_start3A_67, %dma_start3A_68] : memref<10000x128xf32, #tpu.memory_space<hbm>> -> memref<10000x128xf32, #tpu.memory_space<hbm>>
      tpu.enqueue_indirect_dma source(%dma_start3A_69 : memref<10000x128xf32, #tpu.memory_space<hbm>>) target(%arg8 : memref<80x128xf32, #tpu.memory_space<vmem>>) offsets(%dma_start3A_66 : memref<80xi32, #tpu.memory_space<vmem>>) semaphore(%arg10 : memref<!tpu.dma_semaphore, #tpu.memory_space<semaphore_mem>>)
      %add3A_70 = arith.constant 1 : i32
      %add3A_71 = arith.addi %mul3A_47, %add3A_70 : i32
      %mul3A_72 = arith.constant 80 : i32
      %mul3A_73 = arith.muli %add3A_71, %mul3A_72 : i32
      %dma_wait3A_74 = tpu.memref_slice %arg6[%mul3A_73] : memref<10000xi32, #tpu.memory_space<vmem>> -> memref<80xi32, #tpu.memory_space<vmem>>
      %dma_wait3A_75 = arith.constant 0 : i32
      %dma_wait3A_76 = arith.constant 0 : i32
      %dma_wait3A_77 = tpu.memref_slice %arg2[%dma_wait3A_75, %dma_wait3A_76] : memref<10000x128xf32, #tpu.memory_space<hbm>> -> memref<10000x128xf32, #tpu.memory_space<hbm>>
      tpu.wait_indirect_dma semaphore(%arg11 : memref<!tpu.dma_semaphore, #tpu.memory_space<semaphore_mem>>) src(%dma_wait3A_77 : memref<10000x128xf32, #tpu.memory_space<hbm>>) dst(%arg9 : memref<80x128xf32, #tpu.memory_space<vmem>>)
      %add3A_78 = arith.constant 1 : i32
      %add3A_79 = arith.addi %mul3A_47, %add3A_78 : i32
      "tpu.region"() ({
        %run_scoped3A_81 = tpu.sem_alloc : memref<!tpu.dma_semaphore, #tpu.memory_space<semaphore_mem>>
        %dma_start3A_82 = arith.constant 0 : i32
        %dma_start3A_83 = tpu.memref_slice %arg7[%add3A_79, %dma_start3A_82] : memref<125x80xi32, #tpu.memory_space<vmem>> -> memref<1x80xi32, #tpu.memory_space<vmem>>
        %dma_start3A_84 = tpu.memref_squeeze %dma_start3A_83 : memref<1x80xi32, #tpu.memory_space<vmem>> -> memref<80xi32, #tpu.memory_space<vmem>>
        %dma_start3A_85 = arith.constant 0 : i32
        %dma_start3A_86 = arith.constant 0 : i32
        %dma_start3A_87 = tpu.memref_slice %arg12[%dma_start3A_85, %dma_start3A_86] : memref<10112x128xf32, #tpu.memory_space<vmem_shared>> -> memref<10112x128xf32, #tpu.memory_space<vmem_shared>>
        tpu.enqueue_indirect_dma source(%arg9 : memref<80x128xf32, #tpu.memory_space<vmem>>) target(%dma_start3A_87 : memref<10112x128xf32, #tpu.memory_space<vmem_shared>>) offsets(%dma_start3A_84 : memref<80xi32, #tpu.memory_space<vmem>>) semaphore(%run_scoped3A_81 : memref<!tpu.dma_semaphore, #tpu.memory_space<semaphore_mem>>) {add = true}
        %dma_wait3A_88 = arith.constant 0 : i32
        %dma_wait3A_89 = tpu.memref_slice %arg7[%add3A_79, %dma_wait3A_88] : memref<125x80xi32, #tpu.memory_space<vmem>> -> memref<1x80xi32, #tpu.memory_space<vmem>>
        %dma_wait3A_90 = tpu.memref_squeeze %dma_wait3A_89 : memref<1x80xi32, #tpu.memory_space<vmem>> -> memref<80xi32, #tpu.memory_space<vmem>>
        %dma_wait3A_91 = arith.constant 0 : i32
        %dma_wait3A_92 = arith.constant 0 : i32
        %dma_wait3A_93 = tpu.memref_slice %arg12[%dma_wait3A_91, %dma_wait3A_92] : memref<10112x128xf32, #tpu.memory_space<vmem_shared>> -> memref<10112x128xf32, #tpu.memory_space<vmem_shared>>
        tpu.wait_indirect_dma semaphore(%run_scoped3A_81 : memref<!tpu.dma_semaphore, #tpu.memory_space<semaphore_mem>>) src(%arg9 : memref<80x128xf32, #tpu.memory_space<vmem>>) dst(%dma_wait3A_93 : memref<10112x128xf32, #tpu.memory_space<vmem_shared>>)
        tpu.yield
      }) : () -> ()
      %scan3A_80 = arith.constant 0 : i32
      scf.yield %scan3A_80 : i32
    }
    %scan3A_38 = arith.constant 62 : i32
    %dma_wait3A = arith.constant 9920 : i32
    %dma_wait3A_39 = tpu.memref_slice %arg6[%dma_wait3A] : memref<10000xi32, #tpu.memory_space<vmem>> -> memref<80xi32, #tpu.memory_space<vmem>>
    %dma_wait3A_40 = arith.constant 0 : i32
    %dma_wait3A_41 = arith.constant 0 : i32
    %dma_wait3A_42 = tpu.memref_slice %arg2[%dma_wait3A_40, %dma_wait3A_41] : memref<10000x128xf32, #tpu.memory_space<hbm>> -> memref<10000x128xf32, #tpu.memory_space<hbm>>
    tpu.wait_indirect_dma semaphore(%arg10 : memref<!tpu.dma_semaphore, #tpu.memory_space<semaphore_mem>>) src(%dma_wait3A_42 : memref<10000x128xf32, #tpu.memory_space<hbm>>) dst(%arg8 : memref<80x128xf32, #tpu.memory_space<vmem>>)
    %run_scoped3A = arith.constant 124 : i32
    "tpu.region"() ({
      %run_scoped3A_44 = tpu.sem_alloc : memref<!tpu.dma_semaphore, #tpu.memory_space<semaphore_mem>>
      %dma_start3A_45 = arith.constant 0 : i32
      %dma_start3A_46 = tpu.memref_slice %arg7[%run_scoped3A, %dma_start3A_45] : memref<125x80xi32, #tpu.memory_space<vmem>> -> memref<1x80xi32, #tpu.memory_space<vmem>>
      %dma_start3A_47 = tpu.memref_squeeze %dma_start3A_46 : memref<1x80xi32, #tpu.memory_space<vmem>> -> memref<80xi32, #tpu.memory_space<vmem>>
      %dma_start3A_48 = arith.constant 0 : i32
      %dma_start3A_49 = arith.constant 0 : i32
      %dma_start3A_50 = tpu.memref_slice %arg12[%dma_start3A_48, %dma_start3A_49] : memref<10112x128xf32, #tpu.memory_space<vmem_shared>> -> memref<10112x128xf32, #tpu.memory_space<vmem_shared>>
      tpu.enqueue_indirect_dma source(%arg8 : memref<80x128xf32, #tpu.memory_space<vmem>>) target(%dma_start3A_50 : memref<10112x128xf32, #tpu.memory_space<vmem_shared>>) offsets(%dma_start3A_47 : memref<80xi32, #tpu.memory_space<vmem>>) semaphore(%run_scoped3A_44 : memref<!tpu.dma_semaphore, #tpu.memory_space<semaphore_mem>>) {add = true}
      %dma_wait3A_51 = arith.constant 0 : i32
      %dma_wait3A_52 = tpu.memref_slice %arg7[%run_scoped3A, %dma_wait3A_51] : memref<125x80xi32, #tpu.memory_space<vmem>> -> memref<1x80xi32, #tpu.memory_space<vmem>>
      %dma_wait3A_53 = tpu.memref_squeeze %dma_wait3A_52 : memref<1x80xi32, #tpu.memory_space<vmem>> -> memref<80xi32, #tpu.memory_space<vmem>>
      %dma_wait3A_54 = arith.constant 0 : i32
      %dma_wait3A_55 = arith.constant 0 : i32
      %dma_wait3A_56 = tpu.memref_slice %arg12[%dma_wait3A_54, %dma_wait3A_55] : memref<10112x128xf32, #tpu.memory_space<vmem_shared>> -> memref<10112x128xf32, #tpu.memory_space<vmem_shared>>
      tpu.wait_indirect_dma semaphore(%run_scoped3A_44 : memref<!tpu.dma_semaphore, #tpu.memory_space<semaphore_mem>>) src(%arg8 : memref<80x128xf32, #tpu.memory_space<vmem>>) dst(%dma_wait3A_56 : memref<10112x128xf32, #tpu.memory_space<vmem_shared>>)
      tpu.yield
    }) : () -> ()
    %barrier3A_43 = arith.constant 0 : index
    tpu.barrier barrier_id(%barrier3A_43)
    "tpu.region"() ({
      %run_scoped3A_44 = tpu.sem_alloc : memref<!tpu.dma_semaphore, #tpu.memory_space<semaphore_mem>>
      %dma_start3A_45 = arith.constant 0 : i32
      %dma_start3A_46 = tpu.memref_slice %arg5[%arg0, %mul3A_11, %dma_start3A_45] : memref<2x10112x128xf32, #tpu.memory_space<hbm>> -> memref<1x632x128xf32, #tpu.memory_space<hbm>>
      %dma_start3A_47 = tpu.memref_squeeze %dma_start3A_46 : memref<1x632x128xf32, #tpu.memory_space<hbm>> -> memref<632x128xf32, #tpu.memory_space<hbm>>
      %dma_start3A_48 = arith.constant 0 : i32
      %dma_start3A_49 = tpu.memref_slice %arg12[%mul3A_11, %dma_start3A_48] : memref<10112x128xf32, #tpu.memory_space<vmem_shared>> -> memref<632x128xf32, #tpu.memory_space<vmem_shared>>
      tpu.enqueue_dma source(%dma_start3A_49 : memref<632x128xf32, #tpu.memory_space<vmem_shared>>) target(%dma_start3A_47 : memref<632x128xf32, #tpu.memory_space<hbm>>) target_semaphore(%run_scoped3A_44 : memref<!tpu.dma_semaphore, #tpu.memory_space<semaphore_mem>>)
      %dma_wait3A_50 = arith.constant 0 : i32
      %dma_wait3A_51 = tpu.memref_slice %arg5[%arg0, %mul3A_11, %dma_wait3A_50] : memref<2x10112x128xf32, #tpu.memory_space<hbm>> -> memref<1x632x128xf32, #tpu.memory_space<hbm>>
      %dma_wait3A_52 = tpu.memref_squeeze %dma_wait3A_51 : memref<1x632x128xf32, #tpu.memory_space<hbm>> -> memref<632x128xf32, #tpu.memory_space<hbm>>
      %dma_wait3A_53 = arith.constant 0 : i32
      %dma_wait3A_54 = tpu.memref_slice %arg12[%mul3A_11, %dma_wait3A_53] : memref<10112x128xf32, #tpu.memory_space<vmem_shared>> -> memref<632x128xf32, #tpu.memory_space<vmem_shared>>
      tpu.wait_dma2 semaphore(%run_scoped3A_44 : memref<!tpu.dma_semaphore, #tpu.memory_space<semaphore_mem>>) src(%dma_wait3A_54 : memref<632x128xf32, #tpu.memory_space<vmem_shared>>) dst(%dma_wait3A_52 : memref<632x128xf32, #tpu.memory_space<hbm>>)
      tpu.yield
    }) : () -> ()
    return
  }
}

#map = affine_map<(d0, d1) -> (0, 0)>
#map1 = affine_map<(d0, d1) -> (0)>
#map2 = affine_map<(d0, d1) -> (0, 0, 0)>
module attributes {stable_mosaic.version = 14 : i64} {
  func.func @agg_kernel(%arg0: i32, %arg1: i32, %arg2: memref<10000x128xf32, #tpu.memory_space<hbm>>, %arg3: memref<320000xi32, #tpu.memory_space<hbm>>, %arg4: memref<32x125x80xi32, #tpu.memory_space<hbm>>, %arg5: memref<2x10112x128xf32, #tpu.memory_space<hbm>>, %arg6: memref<10000xi32, #tpu.memory_space<vmem>>, %arg7: memref<125x80xi32, #tpu.memory_space<vmem>>, %arg8: memref<80x128xf32, #tpu.memory_space<vmem>>, %arg9: memref<80x128xf32, #tpu.memory_space<vmem>>, %arg10: memref<!tpu.dma_semaphore, #tpu.memory_space<semaphore_mem>>, %arg11: memref<!tpu.dma_semaphore, #tpu.memory_space<semaphore_mem>>, %arg12: memref<10112x128xf32, #tpu.memory_space<vmem_shared>>) attributes {dimension_semantics = [#tpu.dimension_semantics<core_parallel>, #tpu.dimension_semantics<subcore_parallel>], iteration_bounds = array<i64: 2, 16>, scalar_prefetch = 0 : i64, scratch_operands = 7 : i64, tpu.core_type = #tpu.core_type<sc_vector_subcore>, window_params = [{transform_indices = #map}, {transform_indices = #map1}, {transform_indices = #map2}, {transform_indices = #map2}]} {
    %mul3A = arith.constant 2 : i32
    %mul3A_0 = arith.muli %arg1, %mul3A : i32
    %add3A = arith.addi %mul3A_0, %arg0 : i32
    %mul3A_1 = arith.constant 10000 : i32
    %mul3A_2 = arith.muli %add3A, %mul3A_1 : i32
    "tpu.region"() ({
      %run_scoped3A_44 = tpu.sem_alloc : memref<!tpu.dma_semaphore, #tpu.memory_space<semaphore_mem>>
      %dma_start3A_45 = tpu.memref_slice %arg3[%mul3A_2] : memref<320000xi32, #tpu.memory_space<hbm>> -> memref<10000xi32, #tpu.memory_space<hbm>>
      %dma_start3A_46 = tpu.memref_slice %arg3[%mul3A_2] : memref<320000xi32, #tpu.memory_space<hbm>> -> memref<10000xi32, #tpu.memory_space<hbm>>
      tpu.enqueue_dma source(%dma_start3A_46 : memref<10000xi32, #tpu.memory_space<hbm>>) target(%arg6 : memref<10000xi32, #tpu.memory_space<vmem>>) target_semaphore(%run_scoped3A_44 : memref<!tpu.dma_semaphore, #tpu.memory_space<semaphore_mem>>)
      %dma_wait3A_47 = tpu.memref_slice %arg3[%mul3A_2] : memref<320000xi32, #tpu.memory_space<hbm>> -> memref<10000xi32, #tpu.memory_space<hbm>>
      %dma_wait3A_48 = tpu.memref_slice %arg3[%mul3A_2] : memref<320000xi32, #tpu.memory_space<hbm>> -> memref<10000xi32, #tpu.memory_space<hbm>>
      tpu.wait_dma2 semaphore(%run_scoped3A_44 : memref<!tpu.dma_semaphore, #tpu.memory_space<semaphore_mem>>) src(%dma_wait3A_48 : memref<10000xi32, #tpu.memory_space<hbm>>) dst(%arg6 : memref<10000xi32, #tpu.memory_space<vmem>>)
      tpu.yield
    }) : () -> ()
    "tpu.region"() ({
      %run_scoped3A_44 = tpu.sem_alloc : memref<!tpu.dma_semaphore, #tpu.memory_space<semaphore_mem>>
      %dma_start3A_45 = arith.constant 0 : i32
      %dma_start3A_46 = arith.constant 0 : i32
      %dma_start3A_47 = tpu.memref_slice %arg4[%add3A, %dma_start3A_45, %dma_start3A_46] : memref<32x125x80xi32, #tpu.memory_space<hbm>> -> memref<1x125x80xi32, #tpu.memory_space<hbm>>
      %dma_start3A_48 = tpu.memref_squeeze %dma_start3A_47 : memref<1x125x80xi32, #tpu.memory_space<hbm>> -> memref<125x80xi32, #tpu.memory_space<hbm>>
      %dma_start3A_49 = arith.constant 0 : i32
      %dma_start3A_50 = arith.constant 0 : i32
      %dma_start3A_51 = tpu.memref_slice %arg4[%add3A, %dma_start3A_49, %dma_start3A_50] : memref<32x125x80xi32, #tpu.memory_space<hbm>> -> memref<1x125x80xi32, #tpu.memory_space<hbm>>
      %dma_start3A_52 = tpu.memref_squeeze %dma_start3A_51 : memref<1x125x80xi32, #tpu.memory_space<hbm>> -> memref<125x80xi32, #tpu.memory_space<hbm>>
      tpu.enqueue_dma source(%dma_start3A_52 : memref<125x80xi32, #tpu.memory_space<hbm>>) target(%arg7 : memref<125x80xi32, #tpu.memory_space<vmem>>) target_semaphore(%run_scoped3A_44 : memref<!tpu.dma_semaphore, #tpu.memory_space<semaphore_mem>>)
      %dma_wait3A_53 = arith.constant 0 : i32
      %dma_wait3A_54 = arith.constant 0 : i32
      %dma_wait3A_55 = tpu.memref_slice %arg4[%add3A, %dma_wait3A_53, %dma_wait3A_54] : memref<32x125x80xi32, #tpu.memory_space<hbm>> -> memref<1x125x80xi32, #tpu.memory_space<hbm>>
      %dma_wait3A_56 = tpu.memref_squeeze %dma_wait3A_55 : memref<1x125x80xi32, #tpu.memory_space<hbm>> -> memref<125x80xi32, #tpu.memory_space<hbm>>
      %dma_wait3A_57 = arith.constant 0 : i32
      %dma_wait3A_58 = arith.constant 0 : i32
      %dma_wait3A_59 = tpu.memref_slice %arg4[%add3A, %dma_wait3A_57, %dma_wait3A_58] : memref<32x125x80xi32, #tpu.memory_space<hbm>> -> memref<1x125x80xi32, #tpu.memory_space<hbm>>
      %dma_wait3A_60 = tpu.memref_squeeze %dma_wait3A_59 : memref<1x125x80xi32, #tpu.memory_space<hbm>> -> memref<125x80xi32, #tpu.memory_space<hbm>>
      tpu.wait_dma2 semaphore(%run_scoped3A_44 : memref<!tpu.dma_semaphore, #tpu.memory_space<semaphore_mem>>) src(%dma_wait3A_60 : memref<125x80xi32, #tpu.memory_space<hbm>>) dst(%arg7 : memref<125x80xi32, #tpu.memory_space<vmem>>)
      tpu.yield
    }) : () -> ()
    %broadcast_in_dim3A = arith.constant 0.000000e+00 : f32
    %broadcast_in_dim3A_3 = vector.broadcast %broadcast_in_dim3A : f32 to vector<16xf32>
    %scan3A = arith.constant 0 : i32
    %scan3A_4 = arith.constant 0 : i32
    %scan3A_5 = arith.constant 80 : i32
    %scan3A_6 = arith.addi %scan3A_4, %scan3A_5 : i32
    %scan3A_7 = arith.constant 1 : i32
    %scan3A_8 = scf.for %scan3A_44 = %scan3A_4 to %scan3A_6 step %scan3A_7 iter_args(%scan3A_45 = %scan3A) -> (i32)  : i32 {
      %swap3A = arith.index_cast %scan3A_44 : i32 to index
      %swap3A_46 = arith.constant 0 : index
      %swap3A_47 = tpu.vector_load %arg8[%swap3A, %swap3A_46] {strides = array<i32>} : memref<80x128xf32, #tpu.memory_space<vmem>>, vector<1x16xf32>,
      %swap3A_48 = vector.shape_cast %swap3A_47 : vector<1x16xf32> to vector<16xf32>
      %swap3A_49 = vector.shape_cast %broadcast_in_dim3A_3 : vector<16xf32> to vector<1x16xf32>
      tpu.vector_store %arg8[%swap3A, %swap3A_46], %swap3A_49 {strides = array<i32>} : memref<80x128xf32, #tpu.memory_space<vmem>>, vector<1x16xf32>,
      %swap3A_50 = arith.index_cast %scan3A_44 : i32 to index
      %swap3A_51 = arith.constant 16 : index
      %swap3A_52 = tpu.vector_load %arg8[%swap3A_50, %swap3A_51] {strides = array<i32>} : memref<80x128xf32, #tpu.memory_space<vmem>>, vector<1x16xf32>,
      %swap3A_53 = vector.shape_cast %swap3A_52 : vector<1x16xf32> to vector<16xf32>
      %swap3A_54 = vector.shape_cast %broadcast_in_dim3A_3 : vector<16xf32> to vector<1x16xf32>
      tpu.vector_store %arg8[%swap3A_50, %swap3A_51], %swap3A_54 {strides = array<i32>} : memref<80x128xf32, #tpu.memory_space<vmem>>, vector<1x16xf32>,
      %swap3A_55 = arith.index_cast %scan3A_44 : i32 to index
      %swap3A_56 = arith.constant 32 : index
      %swap3A_57 = tpu.vector_load %arg8[%swap3A_55, %swap3A_56] {strides = array<i32>} : memref<80x128xf32, #tpu.memory_space<vmem>>, vector<1x16xf32>,
      %swap3A_58 = vector.shape_cast %swap3A_57 : vector<1x16xf32> to vector<16xf32>
      %swap3A_59 = vector.shape_cast %broadcast_in_dim3A_3 : vector<16xf32> to vector<1x16xf32>
      tpu.vector_store %arg8[%swap3A_55, %swap3A_56], %swap3A_59 {strides = array<i32>} : memref<80x128xf32, #tpu.memory_space<vmem>>, vector<1x16xf32>,
      %swap3A_60 = arith.index_cast %scan3A_44 : i32 to index
      %swap3A_61 = arith.constant 48 : index
      %swap3A_62 = tpu.vector_load %arg8[%swap3A_60, %swap3A_61] {strides = array<i32>} : memref<80x128xf32, #tpu.memory_space<vmem>>, vector<1x16xf32>,
      %swap3A_63 = vector.shape_cast %swap3A_62 : vector<1x16xf32> to vector<16xf32>
      %swap3A_64 = vector.shape_cast %broadcast_in_dim3A_3 : vector<16xf32> to vector<1x16xf32>
      tpu.vector_store %arg8[%swap3A_60, %swap3A_61], %swap3A_64 {strides = array<i32>} : memref<80x128xf32, #tpu.memory_space<vmem>>, vector<1x16xf32>,
      %swap3A_65 = arith.index_cast %scan3A_44 : i32 to index
      %swap3A_66 = arith.constant 64 : index
      %swap3A_67 = tpu.vector_load %arg8[%swap3A_65, %swap3A_66] {strides = array<i32>} : memref<80x128xf32, #tpu.memory_space<vmem>>, vector<1x16xf32>,
      %swap3A_68 = vector.shape_cast %swap3A_67 : vector<1x16xf32> to vector<16xf32>
      %swap3A_69 = vector.shape_cast %broadcast_in_dim3A_3 : vector<16xf32> to vector<1x16xf32>
      tpu.vector_store %arg8[%swap3A_65, %swap3A_66], %swap3A_69 {strides = array<i32>} : memref<80x128xf32, #tpu.memory_space<vmem>>, vector<1x16xf32>,
      %swap3A_70 = arith.index_cast %scan3A_44 : i32 to index
      %swap3A_71 = arith.constant 80 : index
      %swap3A_72 = tpu.vector_load %arg8[%swap3A_70, %swap3A_71] {strides = array<i32>} : memref<80x128xf32, #tpu.memory_space<vmem>>, vector<1x16xf32>,
      %swap3A_73 = vector.shape_cast %swap3A_72 : vector<1x16xf32> to vector<16xf32>
      %swap3A_74 = vector.shape_cast %broadcast_in_dim3A_3 : vector<16xf32> to vector<1x16xf32>
      tpu.vector_store %arg8[%swap3A_70, %swap3A_71], %swap3A_74 {strides = array<i32>} : memref<80x128xf32, #tpu.memory_space<vmem>>, vector<1x16xf32>,
      %swap3A_75 = arith.index_cast %scan3A_44 : i32 to index
      %swap3A_76 = arith.constant 96 : index
      %swap3A_77 = tpu.vector_load %arg8[%swap3A_75, %swap3A_76] {strides = array<i32>} : memref<80x128xf32, #tpu.memory_space<vmem>>, vector<1x16xf32>,
      %swap3A_78 = vector.shape_cast %swap3A_77 : vector<1x16xf32> to vector<16xf32>
      %swap3A_79 = vector.shape_cast %broadcast_in_dim3A_3 : vector<16xf32> to vector<1x16xf32>
      tpu.vector_store %arg8[%swap3A_75, %swap3A_76], %swap3A_79 {strides = array<i32>} : memref<80x128xf32, #tpu.memory_space<vmem>>, vector<1x16xf32>,
      %swap3A_80 = arith.index_cast %scan3A_44 : i32 to index
      %swap3A_81 = arith.constant 112 : index
      %swap3A_82 = tpu.vector_load %arg8[%swap3A_80, %swap3A_81] {strides = array<i32>} : memref<80x128xf32, #tpu.memory_space<vmem>>, vector<1x16xf32>,
      %swap3A_83 = vector.shape_cast %swap3A_82 : vector<1x16xf32> to vector<16xf32>
      %swap3A_84 = vector.shape_cast %broadcast_in_dim3A_3 : vector<16xf32> to vector<1x16xf32>
      tpu.vector_store %arg8[%swap3A_80, %swap3A_81], %swap3A_84 {strides = array<i32>} : memref<80x128xf32, #tpu.memory_space<vmem>>, vector<1x16xf32>,
      %scan3A_85 = arith.constant 0 : i32
      scf.yield %scan3A_85 : i32
    }
    %scan3A_9 = arith.constant 80 : i32
    %mul3A_10 = arith.constant 632 : i32
    %mul3A_11 = arith.muli %arg1, %mul3A_10 : i32
    %add3A_12 = arith.constant 0 : i32
    %add3A_13 = arith.addi %mul3A_11, %add3A_12 : i32
    "tpu.region"() ({
      %run_scoped3A_44 = tpu.sem_alloc : memref<!tpu.dma_semaphore, #tpu.memory_space<semaphore_mem>>
      %dma_start3A_45 = arith.constant 0 : i32
      %dma_start3A_46 = tpu.memref_slice %arg12[%add3A_13, %dma_start3A_45] : memref<10112x128xf32, #tpu.memory_space<vmem_shared>> -> memref<80x128xf32, #tpu.memory_space<vmem_shared>>
      %dma_start3A_47 = arith.constant 0 : i32
      %dma_start3A_48 = tpu.memref_slice %arg12[%add3A_13, %dma_start3A_47] : memref<10112x128xf32, #tpu.memory_space<vmem_shared>> -> memref<80x128xf32, #tpu.memory_space<vmem_shared>>
      tpu.enqueue_dma source(%arg8 : memref<80x128xf32, #tpu.memory_space<vmem>>) target(%dma_start3A_48 : memref<80x128xf32, #tpu.memory_space<vmem_shared>>) target_semaphore(%run_scoped3A_44 : memref<!tpu.dma_semaphore, #tpu.memory_space<semaphore_mem>>)
      %dma_wait3A_49 = arith.constant 0 : i32
      %dma_wait3A_50 = tpu.memref_slice %arg12[%add3A_13, %dma_wait3A_49] : memref<10112x128xf32, #tpu.memory_space<vmem_shared>> -> memref<80x128xf32, #tpu.memory_space<vmem_shared>>
      %dma_wait3A_51 = arith.constant 0 : i32
      %dma_wait3A_52 = tpu.memref_slice %arg12[%add3A_13, %dma_wait3A_51] : memref<10112x128xf32, #tpu.memory_space<vmem_shared>> -> memref<80x128xf32, #tpu.memory_space<vmem_shared>>
      tpu.wait_dma2 semaphore(%run_scoped3A_44 : memref<!tpu.dma_semaphore, #tpu.memory_space<semaphore_mem>>) src(%arg8 : memref<80x128xf32, #tpu.memory_space<vmem>>) dst(%dma_wait3A_52 : memref<80x128xf32, #tpu.memory_space<vmem_shared>>)
      tpu.yield
    }) : () -> ()
    %add3A_14 = arith.constant 80 : i32
    %add3A_15 = arith.addi %mul3A_11, %add3A_14 : i32
    "tpu.region"() ({
      %run_scoped3A_44 = tpu.sem_alloc : memref<!tpu.dma_semaphore, #tpu.memory_space<semaphore_mem>>
      %dma_start3A_45 = arith.constant 0 : i32
      %dma_start3A_46 = tpu.memref_slice %arg12[%add3A_15, %dma_start3A_45] : memref<10112x128xf32, #tpu.memory_space<vmem_shared>> -> memref<80x128xf32, #tpu.memory_space<vmem_shared>>
      %dma_start3A_47 = arith.constant 0 : i32
      %dma_start3A_48 = tpu.memref_slice %arg12[%add3A_15, %dma_start3A_47] : memref<10112x128xf32, #tpu.memory_space<vmem_shared>> -> memref<80x128xf32, #tpu.memory_space<vmem_shared>>
      tpu.enqueue_dma source(%arg8 : memref<80x128xf32, #tpu.memory_space<vmem>>) target(%dma_start3A_48 : memref<80x128xf32, #tpu.memory_space<vmem_shared>>) target_semaphore(%run_scoped3A_44 : memref<!tpu.dma_semaphore, #tpu.memory_space<semaphore_mem>>)
      %dma_wait3A_49 = arith.constant 0 : i32
      %dma_wait3A_50 = tpu.memref_slice %arg12[%add3A_15, %dma_wait3A_49] : memref<10112x128xf32, #tpu.memory_space<vmem_shared>> -> memref<80x128xf32, #tpu.memory_space<vmem_shared>>
      %dma_wait3A_51 = arith.constant 0 : i32
      %dma_wait3A_52 = tpu.memref_slice %arg12[%add3A_15, %dma_wait3A_51] : memref<10112x128xf32, #tpu.memory_space<vmem_shared>> -> memref<80x128xf32, #tpu.memory_space<vmem_shared>>
      tpu.wait_dma2 semaphore(%run_scoped3A_44 : memref<!tpu.dma_semaphore, #tpu.memory_space<semaphore_mem>>) src(%arg8 : memref<80x128xf32, #tpu.memory_space<vmem>>) dst(%dma_wait3A_52 : memref<80x128xf32, #tpu.memory_space<vmem_shared>>)
      tpu.yield
    }) : () -> ()
    %add3A_16 = arith.constant 160 : i32
    %add3A_17 = arith.addi %mul3A_11, %add3A_16 : i32
    "tpu.region"() ({
      %run_scoped3A_44 = tpu.sem_alloc : memref<!tpu.dma_semaphore, #tpu.memory_space<semaphore_mem>>
      %dma_start3A_45 = arith.constant 0 : i32
      %dma_start3A_46 = tpu.memref_slice %arg12[%add3A_17, %dma_start3A_45] : memref<10112x128xf32, #tpu.memory_space<vmem_shared>> -> memref<80x128xf32, #tpu.memory_space<vmem_shared>>
      %dma_start3A_47 = arith.constant 0 : i32
      %dma_start3A_48 = tpu.memref_slice %arg12[%add3A_17, %dma_start3A_47] : memref<10112x128xf32, #tpu.memory_space<vmem_shared>> -> memref<80x128xf32, #tpu.memory_space<vmem_shared>>
      tpu.enqueue_dma source(%arg8 : memref<80x128xf32, #tpu.memory_space<vmem>>) target(%dma_start3A_48 : memref<80x128xf32, #tpu.memory_space<vmem_shared>>) target_semaphore(%run_scoped3A_44 : memref<!tpu.dma_semaphore, #tpu.memory_space<semaphore_mem>>)
      %dma_wait3A_49 = arith.constant 0 : i32
      %dma_wait3A_50 = tpu.memref_slice %arg12[%add3A_17, %dma_wait3A_49] : memref<10112x128xf32, #tpu.memory_space<vmem_shared>> -> memref<80x128xf32, #tpu.memory_space<vmem_shared>>
      %dma_wait3A_51 = arith.constant 0 : i32
      %dma_wait3A_52 = tpu.memref_slice %arg12[%add3A_17, %dma_wait3A_51] : memref<10112x128xf32, #tpu.memory_space<vmem_shared>> -> memref<80x128xf32, #tpu.memory_space<vmem_shared>>
      tpu.wait_dma2 semaphore(%run_scoped3A_44 : memref<!tpu.dma_semaphore, #tpu.memory_space<semaphore_mem>>) src(%arg8 : memref<80x128xf32, #tpu.memory_space<vmem>>) dst(%dma_wait3A_52 : memref<80x128xf32, #tpu.memory_space<vmem_shared>>)
      tpu.yield
    }) : () -> ()
    %add3A_18 = arith.constant 240 : i32
    %add3A_19 = arith.addi %mul3A_11, %add3A_18 : i32
    "tpu.region"() ({
      %run_scoped3A_44 = tpu.sem_alloc : memref<!tpu.dma_semaphore, #tpu.memory_space<semaphore_mem>>
      %dma_start3A_45 = arith.constant 0 : i32
      %dma_start3A_46 = tpu.memref_slice %arg12[%add3A_19, %dma_start3A_45] : memref<10112x128xf32, #tpu.memory_space<vmem_shared>> -> memref<80x128xf32, #tpu.memory_space<vmem_shared>>
      %dma_start3A_47 = arith.constant 0 : i32
      %dma_start3A_48 = tpu.memref_slice %arg12[%add3A_19, %dma_start3A_47] : memref<10112x128xf32, #tpu.memory_space<vmem_shared>> -> memref<80x128xf32, #tpu.memory_space<vmem_shared>>
      tpu.enqueue_dma source(%arg8 : memref<80x128xf32, #tpu.memory_space<vmem>>) target(%dma_start3A_48 : memref<80x128xf32, #tpu.memory_space<vmem_shared>>) target_semaphore(%run_scoped3A_44 : memref<!tpu.dma_semaphore, #tpu.memory_space<semaphore_mem>>)
      %dma_wait3A_49 = arith.constant 0 : i32
      %dma_wait3A_50 = tpu.memref_slice %arg12[%add3A_19, %dma_wait3A_49] : memref<10112x128xf32, #tpu.memory_space<vmem_shared>> -> memref<80x128xf32, #tpu.memory_space<vmem_shared>>
      %dma_wait3A_51 = arith.constant 0 : i32
      %dma_wait3A_52 = tpu.memref_slice %arg12[%add3A_19, %dma_wait3A_51] : memref<10112x128xf32, #tpu.memory_space<vmem_shared>> -> memref<80x128xf32, #tpu.memory_space<vmem_shared>>
      tpu.wait_dma2 semaphore(%run_scoped3A_44 : memref<!tpu.dma_semaphore, #tpu.memory_space<semaphore_mem>>) src(%arg8 : memref<80x128xf32, #tpu.memory_space<vmem>>) dst(%dma_wait3A_52 : memref<80x128xf32, #tpu.memory_space<vmem_shared>>)
      tpu.yield
    }) : () -> ()
    %add3A_20 = arith.constant 320 : i32
    %add3A_21 = arith.addi %mul3A_11, %add3A_20 : i32
    "tpu.region"() ({
      %run_scoped3A_44 = tpu.sem_alloc : memref<!tpu.dma_semaphore, #tpu.memory_space<semaphore_mem>>
      %dma_start3A_45 = arith.constant 0 : i32
      %dma_start3A_46 = tpu.memref_slice %arg12[%add3A_21, %dma_start3A_45] : memref<10112x128xf32, #tpu.memory_space<vmem_shared>> -> memref<80x128xf32, #tpu.memory_space<vmem_shared>>
      %dma_start3A_47 = arith.constant 0 : i32
      %dma_start3A_48 = tpu.memref_slice %arg12[%add3A_21, %dma_start3A_47] : memref<10112x128xf32, #tpu.memory_space<vmem_shared>> -> memref<80x128xf32, #tpu.memory_space<vmem_shared>>
      tpu.enqueue_dma source(%arg8 : memref<80x128xf32, #tpu.memory_space<vmem>>) target(%dma_start3A_48 : memref<80x128xf32, #tpu.memory_space<vmem_shared>>) target_semaphore(%run_scoped3A_44 : memref<!tpu.dma_semaphore, #tpu.memory_space<semaphore_mem>>)
      %dma_wait3A_49 = arith.constant 0 : i32
      %dma_wait3A_50 = tpu.memref_slice %arg12[%add3A_21, %dma_wait3A_49] : memref<10112x128xf32, #tpu.memory_space<vmem_shared>> -> memref<80x128xf32, #tpu.memory_space<vmem_shared>>
      %dma_wait3A_51 = arith.constant 0 : i32
      %dma_wait3A_52 = tpu.memref_slice %arg12[%add3A_21, %dma_wait3A_51] : memref<10112x128xf32, #tpu.memory_space<vmem_shared>> -> memref<80x128xf32, #tpu.memory_space<vmem_shared>>
      tpu.wait_dma2 semaphore(%run_scoped3A_44 : memref<!tpu.dma_semaphore, #tpu.memory_space<semaphore_mem>>) src(%arg8 : memref<80x128xf32, #tpu.memory_space<vmem>>) dst(%dma_wait3A_52 : memref<80x128xf32, #tpu.memory_space<vmem_shared>>)
      tpu.yield
    }) : () -> ()
    %add3A_22 = arith.constant 400 : i32
    %add3A_23 = arith.addi %mul3A_11, %add3A_22 : i32
    "tpu.region"() ({
      %run_scoped3A_44 = tpu.sem_alloc : memref<!tpu.dma_semaphore, #tpu.memory_space<semaphore_mem>>
      %dma_start3A_45 = arith.constant 0 : i32
      %dma_start3A_46 = tpu.memref_slice %arg12[%add3A_23, %dma_start3A_45] : memref<10112x128xf32, #tpu.memory_space<vmem_shared>> -> memref<80x128xf32, #tpu.memory_space<vmem_shared>>
      %dma_start3A_47 = arith.constant 0 : i32
      %dma_start3A_48 = tpu.memref_slice %arg12[%add3A_23, %dma_start3A_47] : memref<10112x128xf32, #tpu.memory_space<vmem_shared>> -> memref<80x128xf32, #tpu.memory_space<vmem_shared>>
      tpu.enqueue_dma source(%arg8 : memref<80x128xf32, #tpu.memory_space<vmem>>) target(%dma_start3A_48 : memref<80x128xf32, #tpu.memory_space<vmem_shared>>) target_semaphore(%run_scoped3A_44 : memref<!tpu.dma_semaphore, #tpu.memory_space<semaphore_mem>>)
      %dma_wait3A_49 = arith.constant 0 : i32
      %dma_wait3A_50 = tpu.memref_slice %arg12[%add3A_23, %dma_wait3A_49] : memref<10112x128xf32, #tpu.memory_space<vmem_shared>> -> memref<80x128xf32, #tpu.memory_space<vmem_shared>>
      %dma_wait3A_51 = arith.constant 0 : i32
      %dma_wait3A_52 = tpu.memref_slice %arg12[%add3A_23, %dma_wait3A_51] : memref<10112x128xf32, #tpu.memory_space<vmem_shared>> -> memref<80x128xf32, #tpu.memory_space<vmem_shared>>
      tpu.wait_dma2 semaphore(%run_scoped3A_44 : memref<!tpu.dma_semaphore, #tpu.memory_space<semaphore_mem>>) src(%arg8 : memref<80x128xf32, #tpu.memory_space<vmem>>) dst(%dma_wait3A_52 : memref<80x128xf32, #tpu.memory_space<vmem_shared>>)
      tpu.yield
    }) : () -> ()
    %add3A_24 = arith.constant 480 : i32
    %add3A_25 = arith.addi %mul3A_11, %add3A_24 : i32
    "tpu.region"() ({
      %run_scoped3A_44 = tpu.sem_alloc : memref<!tpu.dma_semaphore, #tpu.memory_space<semaphore_mem>>
      %dma_start3A_45 = arith.constant 0 : i32
      %dma_start3A_46 = tpu.memref_slice %arg12[%add3A_25, %dma_start3A_45] : memref<10112x128xf32, #tpu.memory_space<vmem_shared>> -> memref<80x128xf32, #tpu.memory_space<vmem_shared>>
      %dma_start3A_47 = arith.constant 0 : i32
      %dma_start3A_48 = tpu.memref_slice %arg12[%add3A_25, %dma_start3A_47] : memref<10112x128xf32, #tpu.memory_space<vmem_shared>> -> memref<80x128xf32, #tpu.memory_space<vmem_shared>>
      tpu.enqueue_dma source(%arg8 : memref<80x128xf32, #tpu.memory_space<vmem>>) target(%dma_start3A_48 : memref<80x128xf32, #tpu.memory_space<vmem_shared>>) target_semaphore(%run_scoped3A_44 : memref<!tpu.dma_semaphore, #tpu.memory_space<semaphore_mem>>)
      %dma_wait3A_49 = arith.constant 0 : i32
      %dma_wait3A_50 = tpu.memref_slice %arg12[%add3A_25, %dma_wait3A_49] : memref<10112x128xf32, #tpu.memory_space<vmem_shared>> -> memref<80x128xf32, #tpu.memory_space<vmem_shared>>
      %dma_wait3A_51 = arith.constant 0 : i32
      %dma_wait3A_52 = tpu.memref_slice %arg12[%add3A_25, %dma_wait3A_51] : memref<10112x128xf32, #tpu.memory_space<vmem_shared>> -> memref<80x128xf32, #tpu.memory_space<vmem_shared>>
      tpu.wait_dma2 semaphore(%run_scoped3A_44 : memref<!tpu.dma_semaphore, #tpu.memory_space<semaphore_mem>>) src(%arg8 : memref<80x128xf32, #tpu.memory_space<vmem>>) dst(%dma_wait3A_52 : memref<80x128xf32, #tpu.memory_space<vmem_shared>>)
      tpu.yield
    }) : () -> ()
    %add3A_26 = arith.constant 560 : i32
    %add3A_27 = arith.addi %mul3A_11, %add3A_26 : i32
    "tpu.region"() ({
      %run_scoped3A_44 = tpu.sem_alloc : memref<!tpu.dma_semaphore, #tpu.memory_space<semaphore_mem>>
      %dma_start3A_45 = arith.constant 0 : i32
      %dma_start3A_46 = arith.constant 0 : i32
      %dma_start3A_47 = tpu.memref_slice %arg8[%dma_start3A_45, %dma_start3A_46] : memref<80x128xf32, #tpu.memory_space<vmem>> -> memref<72x128xf32, #tpu.memory_space<vmem>>
      %dma_start3A_48 = arith.constant 0 : i32
      %dma_start3A_49 = tpu.memref_slice %arg12[%add3A_27, %dma_start3A_48] : memref<10112x128xf32, #tpu.memory_space<vmem_shared>> -> memref<72x128xf32, #tpu.memory_space<vmem_shared>>
      %dma_start3A_50 = arith.constant 0 : i32
      %dma_start3A_51 = tpu.memref_slice %arg12[%add3A_27, %dma_start3A_50] : memref<10112x128xf32, #tpu.memory_space<vmem_shared>> -> memref<72x128xf32, #tpu.memory_space<vmem_shared>>
      %dma_start3A_52 = arith.constant 0 : i32
      %dma_start3A_53 = arith.constant 0 : i32
      %dma_start3A_54 = tpu.memref_slice %arg8[%dma_start3A_52, %dma_start3A_53] : memref<80x128xf32, #tpu.memory_space<vmem>> -> memref<72x128xf32, #tpu.memory_space<vmem>>
      tpu.enqueue_dma source(%dma_start3A_54 : memref<72x128xf32, #tpu.memory_space<vmem>>) target(%dma_start3A_51 : memref<72x128xf32, #tpu.memory_space<vmem_shared>>) target_semaphore(%run_scoped3A_44 : memref<!tpu.dma_semaphore, #tpu.memory_space<semaphore_mem>>)
      %dma_wait3A_55 = arith.constant 0 : i32
      %dma_wait3A_56 = arith.constant 0 : i32
      %dma_wait3A_57 = tpu.memref_slice %arg8[%dma_wait3A_55, %dma_wait3A_56] : memref<80x128xf32, #tpu.memory_space<vmem>> -> memref<72x128xf32, #tpu.memory_space<vmem>>
      %dma_wait3A_58 = arith.constant 0 : i32
      %dma_wait3A_59 = tpu.memref_slice %arg12[%add3A_27, %dma_wait3A_58] : memref<10112x128xf32, #tpu.memory_space<vmem_shared>> -> memref<72x128xf32, #tpu.memory_space<vmem_shared>>
      %dma_wait3A_60 = arith.constant 0 : i32
      %dma_wait3A_61 = tpu.memref_slice %arg12[%add3A_27, %dma_wait3A_60] : memref<10112x128xf32, #tpu.memory_space<vmem_shared>> -> memref<72x128xf32, #tpu.memory_space<vmem_shared>>
      %dma_wait3A_62 = arith.constant 0 : i32
      %dma_wait3A_63 = arith.constant 0 : i32
      %dma_wait3A_64 = tpu.memref_slice %arg8[%dma_wait3A_62, %dma_wait3A_63] : memref<80x128xf32, #tpu.memory_space<vmem>> -> memref<72x128xf32, #tpu.memory_space<vmem>>
      tpu.wait_dma2 semaphore(%run_scoped3A_44 : memref<!tpu.dma_semaphore, #tpu.memory_space<semaphore_mem>>) src(%dma_wait3A_64 : memref<72x128xf32, #tpu.memory_space<vmem>>) dst(%dma_wait3A_61 : memref<72x128xf32, #tpu.memory_space<vmem_shared>>)
      tpu.yield
    }) : () -> ()
    %barrier3A = arith.constant 0 : index
    tpu.barrier barrier_id(%barrier3A)
    %dma_start3A = arith.constant 0 : i32
    %dma_start3A_28 = tpu.memref_slice %arg6[%dma_start3A] : memref<10000xi32, #tpu.memory_space<vmem>> -> memref<80xi32, #tpu.memory_space<vmem>>
    %dma_start3A_29 = arith.constant 0 : i32
    %dma_start3A_30 = arith.constant 0 : i32
    %dma_start3A_31 = tpu.memref_slice %arg2[%dma_start3A_29, %dma_start3A_30] : memref<10000x128xf32, #tpu.memory_space<hbm>> -> memref<10000x128xf32, #tpu.memory_space<hbm>>
    tpu.enqueue_indirect_dma source(%dma_start3A_31 : memref<10000x128xf32, #tpu.memory_space<hbm>>) target(%arg8 : memref<80x128xf32, #tpu.memory_space<vmem>>) offsets(%dma_start3A_28 : memref<80xi32, #tpu.memory_space<vmem>>) semaphore(%arg10 : memref<!tpu.dma_semaphore, #tpu.memory_space<semaphore_mem>>)
    %scan3A_32 = arith.constant 0 : i32
    %scan3A_33 = arith.constant 0 : i32
    %scan3A_34 = arith.constant 62 : i32
    %scan3A_35 = arith.addi %scan3A_33, %scan3A_34 : i32
    %scan3A_36 = arith.constant 1 : i32
    %scan3A_37 = scf.for %scan3A_44 = %scan3A_33 to %scan3A_35 step %scan3A_36 iter_args(%scan3A_45 = %scan3A_32) -> (i32)  : i32 {
      %mul3A_46 = arith.constant 2 : i32
      %mul3A_47 = arith.muli %mul3A_46, %scan3A_44 : i32
      %add3A_48 = arith.constant 1 : i32
      %add3A_49 = arith.addi %mul3A_47, %add3A_48 : i32
      %mul3A_50 = arith.constant 80 : i32
      %mul3A_51 = arith.muli %add3A_49, %mul3A_50 : i32
      %dma_start3A_52 = tpu.memref_slice %arg6[%mul3A_51] : memref<10000xi32, #tpu.memory_space<vmem>> -> memref<80xi32, #tpu.memory_space<vmem>>
      %dma_start3A_53 = arith.constant 0 : i32
      %dma_start3A_54 = arith.constant 0 : i32
      %dma_start3A_55 = tpu.memref_slice %arg2[%dma_start3A_53, %dma_start3A_54] : memref<10000x128xf32, #tpu.memory_space<hbm>> -> memref<10000x128xf32, #tpu.memory_space<hbm>>
      tpu.enqueue_indirect_dma source(%dma_start3A_55 : memref<10000x128xf32, #tpu.memory_space<hbm>>) target(%arg9 : memref<80x128xf32, #tpu.memory_space<vmem>>) offsets(%dma_start3A_52 : memref<80xi32, #tpu.memory_space<vmem>>) semaphore(%arg11 : memref<!tpu.dma_semaphore, #tpu.memory_space<semaphore_mem>>)
      %mul3A_56 = arith.constant 80 : i32
      %mul3A_57 = arith.muli %mul3A_47, %mul3A_56 : i32
      %dma_wait3A_58 = tpu.memref_slice %arg6[%mul3A_57] : memref<10000xi32, #tpu.memory_space<vmem>> -> memref<80xi32, #tpu.memory_space<vmem>>
      %dma_wait3A_59 = arith.constant 0 : i32
      %dma_wait3A_60 = arith.constant 0 : i32
      %dma_wait3A_61 = tpu.memref_slice %arg2[%dma_wait3A_59, %dma_wait3A_60] : memref<10000x128xf32, #tpu.memory_space<hbm>> -> memref<10000x128xf32, #tpu.memory_space<hbm>>
      tpu.wait_indirect_dma semaphore(%arg10 : memref<!tpu.dma_semaphore, #tpu.memory_space<semaphore_mem>>) src(%dma_wait3A_61 : memref<10000x128xf32, #tpu.memory_space<hbm>>) dst(%arg8 : memref<80x128xf32, #tpu.memory_space<vmem>>)
      "tpu.region"() ({
        %run_scoped3A_81 = tpu.sem_alloc : memref<!tpu.dma_semaphore, #tpu.memory_space<semaphore_mem>>
        %dma_start3A_82 = arith.constant 0 : i32
        %dma_start3A_83 = tpu.memref_slice %arg7[%mul3A_47, %dma_start3A_82] : memref<125x80xi32, #tpu.memory_space<vmem>> -> memref<1x80xi32, #tpu.memory_space<vmem>>
        %dma_start3A_84 = tpu.memref_squeeze %dma_start3A_83 : memref<1x80xi32, #tpu.memory_space<vmem>> -> memref<80xi32, #tpu.memory_space<vmem>>
        %dma_start3A_85 = arith.constant 0 : i32
        %dma_start3A_86 = arith.constant 0 : i32
        %dma_start3A_87 = tpu.memref_slice %arg12[%dma_start3A_85, %dma_start3A_86] : memref<10112x128xf32, #tpu.memory_space<vmem_shared>> -> memref<10112x128xf32, #tpu.memory_space<vmem_shared>>
        tpu.enqueue_indirect_dma source(%arg8 : memref<80x128xf32, #tpu.memory_space<vmem>>) target(%dma_start3A_87 : memref<10112x128xf32, #tpu.memory_space<vmem_shared>>) offsets(%dma_start3A_84 : memref<80xi32, #tpu.memory_space<vmem>>) semaphore(%run_scoped3A_81 : memref<!tpu.dma_semaphore, #tpu.memory_space<semaphore_mem>>) {add = true}
        %dma_wait3A_88 = arith.constant 0 : i32
        %dma_wait3A_89 = tpu.memref_slice %arg7[%mul3A_47, %dma_wait3A_88] : memref<125x80xi32, #tpu.memory_space<vmem>> -> memref<1x80xi32, #tpu.memory_space<vmem>>
        %dma_wait3A_90 = tpu.memref_squeeze %dma_wait3A_89 : memref<1x80xi32, #tpu.memory_space<vmem>> -> memref<80xi32, #tpu.memory_space<vmem>>
        %dma_wait3A_91 = arith.constant 0 : i32
        %dma_wait3A_92 = arith.constant 0 : i32
        %dma_wait3A_93 = tpu.memref_slice %arg12[%dma_wait3A_91, %dma_wait3A_92] : memref<10112x128xf32, #tpu.memory_space<vmem_shared>> -> memref<10112x128xf32, #tpu.memory_space<vmem_shared>>
        tpu.wait_indirect_dma semaphore(%run_scoped3A_81 : memref<!tpu.dma_semaphore, #tpu.memory_space<semaphore_mem>>) src(%arg8 : memref<80x128xf32, #tpu.memory_space<vmem>>) dst(%dma_wait3A_93 : memref<10112x128xf32, #tpu.memory_space<vmem_shared>>)
        tpu.yield
      }) : () -> ()
      %add3A_62 = arith.constant 2 : i32
      %add3A_63 = arith.addi %mul3A_47, %add3A_62 : i32
      %mul3A_64 = arith.constant 80 : i32
      %mul3A_65 = arith.muli %add3A_63, %mul3A_64 : i32
      %dma_start3A_66 = tpu.memref_slice %arg6[%mul3A_65] : memref<10000xi32, #tpu.memory_space<vmem>> -> memref<80xi32, #tpu.memory_space<vmem>>
      %dma_start3A_67 = arith.constant 0 : i32
      %dma_start3A_68 = arith.constant 0 : i32
      %dma_start3A_69 = tpu.memref_slice %arg2[%dma_start3A_67, %dma_start3A_68] : memref<10000x128xf32, #tpu.memory_space<hbm>> -> memref<10000x128xf32, #tpu.memory_space<hbm>>
      tpu.enqueue_indirect_dma source(%dma_start3A_69 : memref<10000x128xf32, #tpu.memory_space<hbm>>) target(%arg8 : memref<80x128xf32, #tpu.memory_space<vmem>>) offsets(%dma_start3A_66 : memref<80xi32, #tpu.memory_space<vmem>>) semaphore(%arg10 : memref<!tpu.dma_semaphore, #tpu.memory_space<semaphore_mem>>)
      %add3A_70 = arith.constant 1 : i32
      %add3A_71 = arith.addi %mul3A_47, %add3A_70 : i32
      %mul3A_72 = arith.constant 80 : i32
      %mul3A_73 = arith.muli %add3A_71, %mul3A_72 : i32
      %dma_wait3A_74 = tpu.memref_slice %arg6[%mul3A_73] : memref<10000xi32, #tpu.memory_space<vmem>> -> memref<80xi32, #tpu.memory_space<vmem>>
      %dma_wait3A_75 = arith.constant 0 : i32
      %dma_wait3A_76 = arith.constant 0 : i32
      %dma_wait3A_77 = tpu.memref_slice %arg2[%dma_wait3A_75, %dma_wait3A_76] : memref<10000x128xf32, #tpu.memory_space<hbm>> -> memref<10000x128xf32, #tpu.memory_space<hbm>>
      tpu.wait_indirect_dma semaphore(%arg11 : memref<!tpu.dma_semaphore, #tpu.memory_space<semaphore_mem>>) src(%dma_wait3A_77 : memref<10000x128xf32, #tpu.memory_space<hbm>>) dst(%arg9 : memref<80x128xf32, #tpu.memory_space<vmem>>)
      %add3A_78 = arith.constant 1 : i32
      %add3A_79 = arith.addi %mul3A_47, %add3A_78 : i32
      "tpu.region"() ({
        %run_scoped3A_81 = tpu.sem_alloc : memref<!tpu.dma_semaphore, #tpu.memory_space<semaphore_mem>>
        %dma_start3A_82 = arith.constant 0 : i32
        %dma_start3A_83 = tpu.memref_slice %arg7[%add3A_79, %dma_start3A_82] : memref<125x80xi32, #tpu.memory_space<vmem>> -> memref<1x80xi32, #tpu.memory_space<vmem>>
        %dma_start3A_84 = tpu.memref_squeeze %dma_start3A_83 : memref<1x80xi32, #tpu.memory_space<vmem>> -> memref<80xi32, #tpu.memory_space<vmem>>
        %dma_start3A_85 = arith.constant 0 : i32
        %dma_start3A_86 = arith.constant 0 : i32
        %dma_start3A_87 = tpu.memref_slice %arg12[%dma_start3A_85, %dma_start3A_86] : memref<10112x128xf32, #tpu.memory_space<vmem_shared>> -> memref<10112x128xf32, #tpu.memory_space<vmem_shared>>
        tpu.enqueue_indirect_dma source(%arg9 : memref<80x128xf32, #tpu.memory_space<vmem>>) target(%dma_start3A_87 : memref<10112x128xf32, #tpu.memory_space<vmem_shared>>) offsets(%dma_start3A_84 : memref<80xi32, #tpu.memory_space<vmem>>) semaphore(%run_scoped3A_81 : memref<!tpu.dma_semaphore, #tpu.memory_space<semaphore_mem>>) {add = true}
        %dma_wait3A_88 = arith.constant 0 : i32
        %dma_wait3A_89 = tpu.memref_slice %arg7[%add3A_79, %dma_wait3A_88] : memref<125x80xi32, #tpu.memory_space<vmem>> -> memref<1x80xi32, #tpu.memory_space<vmem>>
        %dma_wait3A_90 = tpu.memref_squeeze %dma_wait3A_89 : memref<1x80xi32, #tpu.memory_space<vmem>> -> memref<80xi32, #tpu.memory_space<vmem>>
        %dma_wait3A_91 = arith.constant 0 : i32
        %dma_wait3A_92 = arith.constant 0 : i32
        %dma_wait3A_93 = tpu.memref_slice %arg12[%dma_wait3A_91, %dma_wait3A_92] : memref<10112x128xf32, #tpu.memory_space<vmem_shared>> -> memref<10112x128xf32, #tpu.memory_space<vmem_shared>>
        tpu.wait_indirect_dma semaphore(%run_scoped3A_81 : memref<!tpu.dma_semaphore, #tpu.memory_space<semaphore_mem>>) src(%arg9 : memref<80x128xf32, #tpu.memory_space<vmem>>) dst(%dma_wait3A_93 : memref<10112x128xf32, #tpu.memory_space<vmem_shared>>)
        tpu.yield
      }) : () -> ()
      %scan3A_80 = arith.constant 0 : i32
      scf.yield %scan3A_80 : i32
    }
    %scan3A_38 = arith.constant 62 : i32
    %dma_wait3A = arith.constant 9920 : i32
    %dma_wait3A_39 = tpu.memref_slice %arg6[%dma_wait3A] : memref<10000xi32, #tpu.memory_space<vmem>> -> memref<80xi32, #tpu.memory_space<vmem>>
    %dma_wait3A_40 = arith.constant 0 : i32
    %dma_wait3A_41 = arith.constant 0 : i32
    %dma_wait3A_42 = tpu.memref_slice %arg2[%dma_wait3A_40, %dma_wait3A_41] : memref<10000x128xf32, #tpu.memory_space<hbm>> -> memref<10000x128xf32, #tpu.memory_space<hbm>>
    tpu.wait_indirect_dma semaphore(%arg10 : memref<!tpu.dma_semaphore, #tpu.memory_space<semaphore_mem>>) src(%dma_wait3A_42 : memref<10000x128xf32, #tpu.memory_space<hbm>>) dst(%arg8 : memref<80x128xf32, #tpu.memory_space<vmem>>)
    %run_scoped3A = arith.constant 124 : i32
    "tpu.region"() ({
      %run_scoped3A_44 = tpu.sem_alloc : memref<!tpu.dma_semaphore, #tpu.memory_space<semaphore_mem>>
      %dma_start3A_45 = arith.constant 0 : i32
      %dma_start3A_46 = tpu.memref_slice %arg7[%run_scoped3A, %dma_start3A_45] : memref<125x80xi32, #tpu.memory_space<vmem>> -> memref<1x80xi32, #tpu.memory_space<vmem>>
      %dma_start3A_47 = tpu.memref_squeeze %dma_start3A_46 : memref<1x80xi32, #tpu.memory_space<vmem>> -> memref<80xi32, #tpu.memory_space<vmem>>
      %dma_start3A_48 = arith.constant 0 : i32
      %dma_start3A_49 = arith.constant 0 : i32
      %dma_start3A_50 = tpu.memref_slice %arg12[%dma_start3A_48, %dma_start3A_49] : memref<10112x128xf32, #tpu.memory_space<vmem_shared>> -> memref<10112x128xf32, #tpu.memory_space<vmem_shared>>
      tpu.enqueue_indirect_dma source(%arg8 : memref<80x128xf32, #tpu.memory_space<vmem>>) target(%dma_start3A_50 : memref<10112x128xf32, #tpu.memory_space<vmem_shared>>) offsets(%dma_start3A_47 : memref<80xi32, #tpu.memory_space<vmem>>) semaphore(%run_scoped3A_44 : memref<!tpu.dma_semaphore, #tpu.memory_space<semaphore_mem>>) {add = true}
      %dma_wait3A_51 = arith.constant 0 : i32
      %dma_wait3A_52 = tpu.memref_slice %arg7[%run_scoped3A, %dma_wait3A_51] : memref<125x80xi32, #tpu.memory_space<vmem>> -> memref<1x80xi32, #tpu.memory_space<vmem>>
      %dma_wait3A_53 = tpu.memref_squeeze %dma_wait3A_52 : memref<1x80xi32, #tpu.memory_space<vmem>> -> memref<80xi32, #tpu.memory_space<vmem>>
      %dma_wait3A_54 = arith.constant 0 : i32
      %dma_wait3A_55 = arith.constant 0 : i32
      %dma_wait3A_56 = tpu.memref_slice %arg12[%dma_wait3A_54, %dma_wait3A_55] : memref<10112x128xf32, #tpu.memory_space<vmem_shared>> -> memref<10112x128xf32, #tpu.memory_space<vmem_shared>>
      tpu.wait_indirect_dma semaphore(%run_scoped3A_44 : memref<!tpu.dma_semaphore, #tpu.memory_space<semaphore_mem>>) src(%arg8 : memref<80x128xf32, #tpu.memory_space<vmem>>) dst(%dma_wait3A_56 : memref<10112x128xf32, #tpu.memory_space<vmem_shared>>)
      tpu.yield
    }) : () -> ()
    %barrier3A_43 = arith.constant 0 : index
    tpu.barrier barrier_id(%barrier3A_43)
    "tpu.region"() ({
      %run_scoped3A_44 = tpu.sem_alloc : memref<!tpu.dma_semaphore, #tpu.memory_space<semaphore_mem>>
      %dma_start3A_45 = arith.constant 0 : i32
      %dma_start3A_46 = tpu.memref_slice %arg5[%arg0, %mul3A_11, %dma_start3A_45] : memref<2x10112x128xf32, #tpu.memory_space<hbm>> -> memref<1x632x128xf32, #tpu.memory_space<hbm>>
      %dma_start3A_47 = tpu.memref_squeeze %dma_start3A_46 : memref<1x632x128xf32, #tpu.memory_space<hbm>> -> memref<632x128xf32, #tpu.memory_space<hbm>>
      %dma_start3A_48 = arith.constant 0 : i32
      %dma_start3A_49 = tpu.memref_slice %arg12[%mul3A_11, %dma_start3A_48] : memref<10112x128xf32, #tpu.memory_space<vmem_shared>> -> memref<632x128xf32, #tpu.memory_space<vmem_shared>>
      tpu.enqueue_dma source(%dma_start3A_49 : memref<632x128xf32, #tpu.memory_space<vmem_shared>>) target(%dma_start3A_47 : memref<632x128xf32, #tpu.memory_space<hbm>>) target_semaphore(%run_scoped3A_44 : memref<!tpu.dma_semaphore, #tpu.memory_space<semaphore_mem>>)
      %dma_wait3A_50 = arith.constant 0 : i32
      %dma_wait3A_51 = tpu.memref_slice %arg5[%arg0, %mul3A_11, %dma_wait3A_50] : memref<2x10112x128xf32, #tpu.memory_space<hbm>> -> memref<1x632x128xf32, #tpu.memory_space<hbm>>
      %dma_wait3A_52 = tpu.memref_squeeze %dma_wait3A_51 : memref<1x632x128xf32, #tpu.memory_space<hbm>> -> memref<632x128xf32, #tpu.memory_space<hbm>>
      %dma_wait3A_53 = arith.constant 0 : i32
      %dma_wait3A_54 = tpu.memref_slice %arg12[%mul3A_11, %dma_wait3A_53] : memref<10112x128xf32, #tpu.memory_space<vmem_shared>> -> memref<632x128xf32, #tpu.memory_space<vmem_shared>>
      tpu.wait_dma2 semaphore(%run_scoped3A_44 : memref<!tpu.dma_semaphore, #tpu.memory_space<semaphore_mem>>) src(%dma_wait3A_54 : memref<632x128xf32, #tpu.memory_space<vmem_shared>>) dst(%dma_wait3A_52 : memref<632x128xf32, #tpu.memory_space<hbm>>)
      tpu.yield
    }) : () -> ()
    return
  }
}

#map = affine_map<(d0, d1) -> (0, 0, 0)>
module attributes {stable_mosaic.version = 14 : i64} {
  func.func @deg_kernel(%arg0: i32, %arg1: i32, %arg2: memref<32x125x80xi32, #tpu.memory_space<hbm>>, %arg3: memref<2x10112x128xf32, #tpu.memory_space<hbm>>, %arg4: memref<125x80xi32, #tpu.memory_space<vmem>>, %arg5: memref<80x128xf32, #tpu.memory_space<vmem>>, %arg6: memref<80x128xf32, #tpu.memory_space<vmem>>, %arg7: memref<!tpu.dma_semaphore, #tpu.memory_space<semaphore_mem>>, %arg8: memref<10112x128xf32, #tpu.memory_space<vmem_shared>>) attributes {dimension_semantics = [#tpu.dimension_semantics<core_parallel>, #tpu.dimension_semantics<subcore_parallel>], iteration_bounds = array<i64: 2, 16>, scalar_prefetch = 0 : i64, scratch_operands = 5 : i64, tpu.core_type = #tpu.core_type<sc_vector_subcore>, window_params = [{transform_indices = #map}, {transform_indices = #map}]} {
    %mul3A = arith.constant 2 : i32
    %mul3A_0 = arith.muli %arg1, %mul3A : i32
    %add3A = arith.addi %mul3A_0, %arg0 : i32
    "tpu.region"() ({
      %run_scoped3A = tpu.sem_alloc : memref<!tpu.dma_semaphore, #tpu.memory_space<semaphore_mem>>
      %dma_start3A_90 = arith.constant 0 : i32
      %dma_start3A_91 = arith.constant 0 : i32
      %dma_start3A_92 = tpu.memref_slice %arg2[%add3A, %dma_start3A_90, %dma_start3A_91] : memref<32x125x80xi32, #tpu.memory_space<hbm>> -> memref<1x125x80xi32, #tpu.memory_space<hbm>>
      %dma_start3A_93 = tpu.memref_squeeze %dma_start3A_92 : memref<1x125x80xi32, #tpu.memory_space<hbm>> -> memref<125x80xi32, #tpu.memory_space<hbm>>
      %dma_start3A_94 = arith.constant 0 : i32
      %dma_start3A_95 = arith.constant 0 : i32
      %dma_start3A_96 = tpu.memref_slice %arg2[%add3A, %dma_start3A_94, %dma_start3A_95] : memref<32x125x80xi32, #tpu.memory_space<hbm>> -> memref<1x125x80xi32, #tpu.memory_space<hbm>>
      %dma_start3A_97 = tpu.memref_squeeze %dma_start3A_96 : memref<1x125x80xi32, #tpu.memory_space<hbm>> -> memref<125x80xi32, #tpu.memory_space<hbm>>
      tpu.enqueue_dma source(%dma_start3A_97 : memref<125x80xi32, #tpu.memory_space<hbm>>) target(%arg4 : memref<125x80xi32, #tpu.memory_space<vmem>>) target_semaphore(%run_scoped3A : memref<!tpu.dma_semaphore, #tpu.memory_space<semaphore_mem>>)
      %dma_wait3A_98 = arith.constant 0 : i32
      %dma_wait3A_99 = arith.constant 0 : i32
      %dma_wait3A_100 = tpu.memref_slice %arg2[%add3A, %dma_wait3A_98, %dma_wait3A_99] : memref<32x125x80xi32, #tpu.memory_space<hbm>> -> memref<1x125x80xi32, #tpu.memory_space<hbm>>
      %dma_wait3A_101 = tpu.memref_squeeze %dma_wait3A_100 : memref<1x125x80xi32, #tpu.memory_space<hbm>> -> memref<125x80xi32, #tpu.memory_space<hbm>>
      %dma_wait3A_102 = arith.constant 0 : i32
      %dma_wait3A_103 = arith.constant 0 : i32
      %dma_wait3A_104 = tpu.memref_slice %arg2[%add3A, %dma_wait3A_102, %dma_wait3A_103] : memref<32x125x80xi32, #tpu.memory_space<hbm>> -> memref<1x125x80xi32, #tpu.memory_space<hbm>>
      %dma_wait3A_105 = tpu.memref_squeeze %dma_wait3A_104 : memref<1x125x80xi32, #tpu.memory_space<hbm>> -> memref<125x80xi32, #tpu.memory_space<hbm>>
      tpu.wait_dma2 semaphore(%run_scoped3A : memref<!tpu.dma_semaphore, #tpu.memory_space<semaphore_mem>>) src(%dma_wait3A_105 : memref<125x80xi32, #tpu.memory_space<hbm>>) dst(%arg4 : memref<125x80xi32, #tpu.memory_space<vmem>>)
      tpu.yield
    }) : () -> ()
    %broadcast_in_dim3A = arith.constant 0.000000e+00 : f32
    %broadcast_in_dim3A_1 = vector.broadcast %broadcast_in_dim3A : f32 to vector<16xf32>
    %broadcast_in_dim3A_2 = arith.constant 1.000000e+00 : f32
    %broadcast_in_dim3A_3 = vector.broadcast %broadcast_in_dim3A_2 : f32 to vector<16xf32>
    %scan3A = arith.constant 0 : i32
    %scan3A_4 = arith.constant 0 : i32
    %scan3A_5 = arith.constant 80 : i32
    %scan3A_6 = arith.addi %scan3A_4, %scan3A_5 : i32
    %scan3A_7 = arith.constant 1 : i32
    %scan3A_8 = scf.for %scan3A_90 = %scan3A_4 to %scan3A_6 step %scan3A_7 iter_args(%scan3A_91 = %scan3A) -> (i32)  : i32 {
      %swap3A = arith.index_cast %scan3A_90 : i32 to index
      %swap3A_92 = arith.constant 0 : index
      %swap3A_93 = tpu.vector_load %arg5[%swap3A, %swap3A_92] {strides = array<i32>} : memref<80x128xf32, #tpu.memory_space<vmem>>, vector<1x16xf32>,
      %swap3A_94 = vector.shape_cast %swap3A_93 : vector<1x16xf32> to vector<16xf32>
      %swap3A_95 = vector.shape_cast %broadcast_in_dim3A_1 : vector<16xf32> to vector<1x16xf32>
      tpu.vector_store %arg5[%swap3A, %swap3A_92], %swap3A_95 {strides = array<i32>} : memref<80x128xf32, #tpu.memory_space<vmem>>, vector<1x16xf32>,
      %swap3A_96 = arith.index_cast %scan3A_90 : i32 to index
      %swap3A_97 = arith.constant 0 : index
      %swap3A_98 = tpu.vector_load %arg6[%swap3A_96, %swap3A_97] {strides = array<i32>} : memref<80x128xf32, #tpu.memory_space<vmem>>, vector<1x16xf32>,
      %swap3A_99 = vector.shape_cast %swap3A_98 : vector<1x16xf32> to vector<16xf32>
      %swap3A_100 = vector.shape_cast %broadcast_in_dim3A_3 : vector<16xf32> to vector<1x16xf32>
      tpu.vector_store %arg6[%swap3A_96, %swap3A_97], %swap3A_100 {strides = array<i32>} : memref<80x128xf32, #tpu.memory_space<vmem>>, vector<1x16xf32>,
      %swap3A_101 = arith.index_cast %scan3A_90 : i32 to index
      %swap3A_102 = arith.constant 16 : index
      %swap3A_103 = tpu.vector_load %arg5[%swap3A_101, %swap3A_102] {strides = array<i32>} : memref<80x128xf32, #tpu.memory_space<vmem>>, vector<1x16xf32>,
      %swap3A_104 = vector.shape_cast %swap3A_103 : vector<1x16xf32> to vector<16xf32>
      %swap3A_105 = vector.shape_cast %broadcast_in_dim3A_1 : vector<16xf32> to vector<1x16xf32>
      tpu.vector_store %arg5[%swap3A_101, %swap3A_102], %swap3A_105 {strides = array<i32>} : memref<80x128xf32, #tpu.memory_space<vmem>>, vector<1x16xf32>,
      %swap3A_106 = arith.index_cast %scan3A_90 : i32 to index
      %swap3A_107 = arith.constant 16 : index
      %swap3A_108 = tpu.vector_load %arg6[%swap3A_106, %swap3A_107] {strides = array<i32>} : memref<80x128xf32, #tpu.memory_space<vmem>>, vector<1x16xf32>,
      %swap3A_109 = vector.shape_cast %swap3A_108 : vector<1x16xf32> to vector<16xf32>
      %swap3A_110 = vector.shape_cast %broadcast_in_dim3A_3 : vector<16xf32> to vector<1x16xf32>
      tpu.vector_store %arg6[%swap3A_106, %swap3A_107], %swap3A_110 {strides = array<i32>} : memref<80x128xf32, #tpu.memory_space<vmem>>, vector<1x16xf32>,
      %swap3A_111 = arith.index_cast %scan3A_90 : i32 to index
      %swap3A_112 = arith.constant 32 : index
      %swap3A_113 = tpu.vector_load %arg5[%swap3A_111, %swap3A_112] {strides = array<i32>} : memref<80x128xf32, #tpu.memory_space<vmem>>, vector<1x16xf32>,
      %swap3A_114 = vector.shape_cast %swap3A_113 : vector<1x16xf32> to vector<16xf32>
      %swap3A_115 = vector.shape_cast %broadcast_in_dim3A_1 : vector<16xf32> to vector<1x16xf32>
      tpu.vector_store %arg5[%swap3A_111, %swap3A_112], %swap3A_115 {strides = array<i32>} : memref<80x128xf32, #tpu.memory_space<vmem>>, vector<1x16xf32>,
      %swap3A_116 = arith.index_cast %scan3A_90 : i32 to index
      %swap3A_117 = arith.constant 32 : index
      %swap3A_118 = tpu.vector_load %arg6[%swap3A_116, %swap3A_117] {strides = array<i32>} : memref<80x128xf32, #tpu.memory_space<vmem>>, vector<1x16xf32>,
      %swap3A_119 = vector.shape_cast %swap3A_118 : vector<1x16xf32> to vector<16xf32>
      %swap3A_120 = vector.shape_cast %broadcast_in_dim3A_3 : vector<16xf32> to vector<1x16xf32>
      tpu.vector_store %arg6[%swap3A_116, %swap3A_117], %swap3A_120 {strides = array<i32>} : memref<80x128xf32, #tpu.memory_space<vmem>>, vector<1x16xf32>,
      %swap3A_121 = arith.index_cast %scan3A_90 : i32 to index
      %swap3A_122 = arith.constant 48 : index
      %swap3A_123 = tpu.vector_load %arg5[%swap3A_121, %swap3A_122] {strides = array<i32>} : memref<80x128xf32, #tpu.memory_space<vmem>>, vector<1x16xf32>,
      %swap3A_124 = vector.shape_cast %swap3A_123 : vector<1x16xf32> to vector<16xf32>
      %swap3A_125 = vector.shape_cast %broadcast_in_dim3A_1 : vector<16xf32> to vector<1x16xf32>
      tpu.vector_store %arg5[%swap3A_121, %swap3A_122], %swap3A_125 {strides = array<i32>} : memref<80x128xf32, #tpu.memory_space<vmem>>, vector<1x16xf32>,
      %swap3A_126 = arith.index_cast %scan3A_90 : i32 to index
      %swap3A_127 = arith.constant 48 : index
      %swap3A_128 = tpu.vector_load %arg6[%swap3A_126, %swap3A_127] {strides = array<i32>} : memref<80x128xf32, #tpu.memory_space<vmem>>, vector<1x16xf32>,
      %swap3A_129 = vector.shape_cast %swap3A_128 : vector<1x16xf32> to vector<16xf32>
      %swap3A_130 = vector.shape_cast %broadcast_in_dim3A_3 : vector<16xf32> to vector<1x16xf32>
      tpu.vector_store %arg6[%swap3A_126, %swap3A_127], %swap3A_130 {strides = array<i32>} : memref<80x128xf32, #tpu.memory_space<vmem>>, vector<1x16xf32>,
      %swap3A_131 = arith.index_cast %scan3A_90 : i32 to index
      %swap3A_132 = arith.constant 64 : index
      %swap3A_133 = tpu.vector_load %arg5[%swap3A_131, %swap3A_132] {strides = array<i32>} : memref<80x128xf32, #tpu.memory_space<vmem>>, vector<1x16xf32>,
      %swap3A_134 = vector.shape_cast %swap3A_133 : vector<1x16xf32> to vector<16xf32>
      %swap3A_135 = vector.shape_cast %broadcast_in_dim3A_1 : vector<16xf32> to vector<1x16xf32>
      tpu.vector_store %arg5[%swap3A_131, %swap3A_132], %swap3A_135 {strides = array<i32>} : memref<80x128xf32, #tpu.memory_space<vmem>>, vector<1x16xf32>,
      %swap3A_136 = arith.index_cast %scan3A_90 : i32 to index
      %swap3A_137 = arith.constant 64 : index
      %swap3A_138 = tpu.vector_load %arg6[%swap3A_136, %swap3A_137] {strides = array<i32>} : memref<80x128xf32, #tpu.memory_space<vmem>>, vector<1x16xf32>,
      %swap3A_139 = vector.shape_cast %swap3A_138 : vector<1x16xf32> to vector<16xf32>
      %swap3A_140 = vector.shape_cast %broadcast_in_dim3A_3 : vector<16xf32> to vector<1x16xf32>
      tpu.vector_store %arg6[%swap3A_136, %swap3A_137], %swap3A_140 {strides = array<i32>} : memref<80x128xf32, #tpu.memory_space<vmem>>, vector<1x16xf32>,
      %swap3A_141 = arith.index_cast %scan3A_90 : i32 to index
      %swap3A_142 = arith.constant 80 : index
      %swap3A_143 = tpu.vector_load %arg5[%swap3A_141, %swap3A_142] {strides = array<i32>} : memref<80x128xf32, #tpu.memory_space<vmem>>, vector<1x16xf32>,
      %swap3A_144 = vector.shape_cast %swap3A_143 : vector<1x16xf32> to vector<16xf32>
      %swap3A_145 = vector.shape_cast %broadcast_in_dim3A_1 : vector<16xf32> to vector<1x16xf32>
      tpu.vector_store %arg5[%swap3A_141, %swap3A_142], %swap3A_145 {strides = array<i32>} : memref<80x128xf32, #tpu.memory_space<vmem>>, vector<1x16xf32>,
      %swap3A_146 = arith.index_cast %scan3A_90 : i32 to index
      %swap3A_147 = arith.constant 80 : index
      %swap3A_148 = tpu.vector_load %arg6[%swap3A_146, %swap3A_147] {strides = array<i32>} : memref<80x128xf32, #tpu.memory_space<vmem>>, vector<1x16xf32>,
      %swap3A_149 = vector.shape_cast %swap3A_148 : vector<1x16xf32> to vector<16xf32>
      %swap3A_150 = vector.shape_cast %broadcast_in_dim3A_3 : vector<16xf32> to vector<1x16xf32>
      tpu.vector_store %arg6[%swap3A_146, %swap3A_147], %swap3A_150 {strides = array<i32>} : memref<80x128xf32, #tpu.memory_space<vmem>>, vector<1x16xf32>,
      %swap3A_151 = arith.index_cast %scan3A_90 : i32 to index
      %swap3A_152 = arith.constant 96 : index
      %swap3A_153 = tpu.vector_load %arg5[%swap3A_151, %swap3A_152] {strides = array<i32>} : memref<80x128xf32, #tpu.memory_space<vmem>>, vector<1x16xf32>,
      %swap3A_154 = vector.shape_cast %swap3A_153 : vector<1x16xf32> to vector<16xf32>
      %swap3A_155 = vector.shape_cast %broadcast_in_dim3A_1 : vector<16xf32> to vector<1x16xf32>
      tpu.vector_store %arg5[%swap3A_151, %swap3A_152], %swap3A_155 {strides = array<i32>} : memref<80x128xf32, #tpu.memory_space<vmem>>, vector<1x16xf32>,
      %swap3A_156 = arith.index_cast %scan3A_90 : i32 to index
      %swap3A_157 = arith.constant 96 : index
      %swap3A_158 = tpu.vector_load %arg6[%swap3A_156, %swap3A_157] {strides = array<i32>} : memref<80x128xf32, #tpu.memory_space<vmem>>, vector<1x16xf32>,
      %swap3A_159 = vector.shape_cast %swap3A_158 : vector<1x16xf32> to vector<16xf32>
      %swap3A_160 = vector.shape_cast %broadcast_in_dim3A_3 : vector<16xf32> to vector<1x16xf32>
      tpu.vector_store %arg6[%swap3A_156, %swap3A_157], %swap3A_160 {strides = array<i32>} : memref<80x128xf32, #tpu.memory_space<vmem>>, vector<1x16xf32>,
      %swap3A_161 = arith.index_cast %scan3A_90 : i32 to index
      %swap3A_162 = arith.constant 112 : index
      %swap3A_163 = tpu.vector_load %arg5[%swap3A_161, %swap3A_162] {strides = array<i32>} : memref<80x128xf32, #tpu.memory_space<vmem>>, vector<1x16xf32>,
      %swap3A_164 = vector.shape_cast %swap3A_163 : vector<1x16xf32> to vector<16xf32>
      %swap3A_165 = vector.shape_cast %broadcast_in_dim3A_1 : vector<16xf32> to vector<1x16xf32>
      tpu.vector_store %arg5[%swap3A_161, %swap3A_162], %swap3A_165 {strides = array<i32>} : memref<80x128xf32, #tpu.memory_space<vmem>>, vector<1x16xf32>,
      %swap3A_166 = arith.index_cast %scan3A_90 : i32 to index
      %swap3A_167 = arith.constant 112 : index
      %swap3A_168 = tpu.vector_load %arg6[%swap3A_166, %swap3A_167] {strides = array<i32>} : memref<80x128xf32, #tpu.memory_space<vmem>>, vector<1x16xf32>,
      %swap3A_169 = vector.shape_cast %swap3A_168 : vector<1x16xf32> to vector<16xf32>
      %swap3A_170 = vector.shape_cast %broadcast_in_dim3A_3 : vector<16xf32> to vector<1x16xf32>
      tpu.vector_store %arg6[%swap3A_166, %swap3A_167], %swap3A_170 {strides = array<i32>} : memref<80x128xf32, #tpu.memory_space<vmem>>, vector<1x16xf32>,
      %scan3A_171 = arith.constant 0 : i32
      scf.yield %scan3A_171 : i32
    }
    %scan3A_9 = arith.constant 80 : i32
    %mul3A_10 = arith.constant 632 : i32
    %mul3A_11 = arith.muli %arg1, %mul3A_10 : i32
    %add3A_12 = arith.constant 0 : i32
    %add3A_13 = arith.addi %mul3A_11, %add3A_12 : i32
    "tpu.region"() ({
      %run_scoped3A = tpu.sem_alloc : memref<!tpu.dma_semaphore, #tpu.memory_space<semaphore_mem>>
      %dma_start3A_90 = arith.constant 0 : i32
      %dma_start3A_91 = tpu.memref_slice %arg8[%add3A_13, %dma_start3A_90] : memref<10112x128xf32, #tpu.memory_space<vmem_shared>> -> memref<80x128xf32, #tpu.memory_space<vmem_shared>>
      %dma_start3A_92 = arith.constant 0 : i32
      %dma_start3A_93 = tpu.memref_slice %arg8[%add3A_13, %dma_start3A_92] : memref<10112x128xf32, #tpu.memory_space<vmem_shared>> -> memref<80x128xf32, #tpu.memory_space<vmem_shared>>
      tpu.enqueue_dma source(%arg5 : memref<80x128xf32, #tpu.memory_space<vmem>>) target(%dma_start3A_93 : memref<80x128xf32, #tpu.memory_space<vmem_shared>>) target_semaphore(%run_scoped3A : memref<!tpu.dma_semaphore, #tpu.memory_space<semaphore_mem>>)
      %dma_wait3A_94 = arith.constant 0 : i32
      %dma_wait3A_95 = tpu.memref_slice %arg8[%add3A_13, %dma_wait3A_94] : memref<10112x128xf32, #tpu.memory_space<vmem_shared>> -> memref<80x128xf32, #tpu.memory_space<vmem_shared>>
      %dma_wait3A_96 = arith.constant 0 : i32
      %dma_wait3A_97 = tpu.memref_slice %arg8[%add3A_13, %dma_wait3A_96] : memref<10112x128xf32, #tpu.memory_space<vmem_shared>> -> memref<80x128xf32, #tpu.memory_space<vmem_shared>>
      tpu.wait_dma2 semaphore(%run_scoped3A : memref<!tpu.dma_semaphore, #tpu.memory_space<semaphore_mem>>) src(%arg5 : memref<80x128xf32, #tpu.memory_space<vmem>>) dst(%dma_wait3A_97 : memref<80x128xf32, #tpu.memory_space<vmem_shared>>)
      tpu.yield
    }) : () -> ()
    %add3A_14 = arith.constant 80 : i32
    %add3A_15 = arith.addi %mul3A_11, %add3A_14 : i32
    "tpu.region"() ({
      %run_scoped3A = tpu.sem_alloc : memref<!tpu.dma_semaphore, #tpu.memory_space<semaphore_mem>>
      %dma_start3A_90 = arith.constant 0 : i32
      %dma_start3A_91 = tpu.memref_slice %arg8[%add3A_15, %dma_start3A_90] : memref<10112x128xf32, #tpu.memory_space<vmem_shared>> -> memref<80x128xf32, #tpu.memory_space<vmem_shared>>
      %dma_start3A_92 = arith.constant 0 : i32
      %dma_start3A_93 = tpu.memref_slice %arg8[%add3A_15, %dma_start3A_92] : memref<10112x128xf32, #tpu.memory_space<vmem_shared>> -> memref<80x128xf32, #tpu.memory_space<vmem_shared>>
      tpu.enqueue_dma source(%arg5 : memref<80x128xf32, #tpu.memory_space<vmem>>) target(%dma_start3A_93 : memref<80x128xf32, #tpu.memory_space<vmem_shared>>) target_semaphore(%run_scoped3A : memref<!tpu.dma_semaphore, #tpu.memory_space<semaphore_mem>>)
      %dma_wait3A_94 = arith.constant 0 : i32
      %dma_wait3A_95 = tpu.memref_slice %arg8[%add3A_15, %dma_wait3A_94] : memref<10112x128xf32, #tpu.memory_space<vmem_shared>> -> memref<80x128xf32, #tpu.memory_space<vmem_shared>>
      %dma_wait3A_96 = arith.constant 0 : i32
      %dma_wait3A_97 = tpu.memref_slice %arg8[%add3A_15, %dma_wait3A_96] : memref<10112x128xf32, #tpu.memory_space<vmem_shared>> -> memref<80x128xf32, #tpu.memory_space<vmem_shared>>
      tpu.wait_dma2 semaphore(%run_scoped3A : memref<!tpu.dma_semaphore, #tpu.memory_space<semaphore_mem>>) src(%arg5 : memref<80x128xf32, #tpu.memory_space<vmem>>) dst(%dma_wait3A_97 : memref<80x128xf32, #tpu.memory_space<vmem_shared>>)
      tpu.yield
    }) : () -> ()
    %add3A_16 = arith.constant 160 : i32
    %add3A_17 = arith.addi %mul3A_11, %add3A_16 : i32
    "tpu.region"() ({
      %run_scoped3A = tpu.sem_alloc : memref<!tpu.dma_semaphore, #tpu.memory_space<semaphore_mem>>
      %dma_start3A_90 = arith.constant 0 : i32
      %dma_start3A_91 = tpu.memref_slice %arg8[%add3A_17, %dma_start3A_90] : memref<10112x128xf32, #tpu.memory_space<vmem_shared>> -> memref<80x128xf32, #tpu.memory_space<vmem_shared>>
      %dma_start3A_92 = arith.constant 0 : i32
      %dma_start3A_93 = tpu.memref_slice %arg8[%add3A_17, %dma_start3A_92] : memref<10112x128xf32, #tpu.memory_space<vmem_shared>> -> memref<80x128xf32, #tpu.memory_space<vmem_shared>>
      tpu.enqueue_dma source(%arg5 : memref<80x128xf32, #tpu.memory_space<vmem>>) target(%dma_start3A_93 : memref<80x128xf32, #tpu.memory_space<vmem_shared>>) target_semaphore(%run_scoped3A : memref<!tpu.dma_semaphore, #tpu.memory_space<semaphore_mem>>)
      %dma_wait3A_94 = arith.constant 0 : i32
      %dma_wait3A_95 = tpu.memref_slice %arg8[%add3A_17, %dma_wait3A_94] : memref<10112x128xf32, #tpu.memory_space<vmem_shared>> -> memref<80x128xf32, #tpu.memory_space<vmem_shared>>
      %dma_wait3A_96 = arith.constant 0 : i32
      %dma_wait3A_97 = tpu.memref_slice %arg8[%add3A_17, %dma_wait3A_96] : memref<10112x128xf32, #tpu.memory_space<vmem_shared>> -> memref<80x128xf32, #tpu.memory_space<vmem_shared>>
      tpu.wait_dma2 semaphore(%run_scoped3A : memref<!tpu.dma_semaphore, #tpu.memory_space<semaphore_mem>>) src(%arg5 : memref<80x128xf32, #tpu.memory_space<vmem>>) dst(%dma_wait3A_97 : memref<80x128xf32, #tpu.memory_space<vmem_shared>>)
      tpu.yield
    }) : () -> ()
    %add3A_18 = arith.constant 240 : i32
    %add3A_19 = arith.addi %mul3A_11, %add3A_18 : i32
    "tpu.region"() ({
      %run_scoped3A = tpu.sem_alloc : memref<!tpu.dma_semaphore, #tpu.memory_space<semaphore_mem>>
      %dma_start3A_90 = arith.constant 0 : i32
      %dma_start3A_91 = tpu.memref_slice %arg8[%add3A_19, %dma_start3A_90] : memref<10112x128xf32, #tpu.memory_space<vmem_shared>> -> memref<80x128xf32, #tpu.memory_space<vmem_shared>>
      %dma_start3A_92 = arith.constant 0 : i32
      %dma_start3A_93 = tpu.memref_slice %arg8[%add3A_19, %dma_start3A_92] : memref<10112x128xf32, #tpu.memory_space<vmem_shared>> -> memref<80x128xf32, #tpu.memory_space<vmem_shared>>
      tpu.enqueue_dma source(%arg5 : memref<80x128xf32, #tpu.memory_space<vmem>>) target(%dma_start3A_93 : memref<80x128xf32, #tpu.memory_space<vmem_shared>>) target_semaphore(%run_scoped3A : memref<!tpu.dma_semaphore, #tpu.memory_space<semaphore_mem>>)
      %dma_wait3A_94 = arith.constant 0 : i32
      %dma_wait3A_95 = tpu.memref_slice %arg8[%add3A_19, %dma_wait3A_94] : memref<10112x128xf32, #tpu.memory_space<vmem_shared>> -> memref<80x128xf32, #tpu.memory_space<vmem_shared>>
      %dma_wait3A_96 = arith.constant 0 : i32
      %dma_wait3A_97 = tpu.memref_slice %arg8[%add3A_19, %dma_wait3A_96] : memref<10112x128xf32, #tpu.memory_space<vmem_shared>> -> memref<80x128xf32, #tpu.memory_space<vmem_shared>>
      tpu.wait_dma2 semaphore(%run_scoped3A : memref<!tpu.dma_semaphore, #tpu.memory_space<semaphore_mem>>) src(%arg5 : memref<80x128xf32, #tpu.memory_space<vmem>>) dst(%dma_wait3A_97 : memref<80x128xf32, #tpu.memory_space<vmem_shared>>)
      tpu.yield
    }) : () -> ()
    %add3A_20 = arith.constant 320 : i32
    %add3A_21 = arith.addi %mul3A_11, %add3A_20 : i32
    "tpu.region"() ({
      %run_scoped3A = tpu.sem_alloc : memref<!tpu.dma_semaphore, #tpu.memory_space<semaphore_mem>>
      %dma_start3A_90 = arith.constant 0 : i32
      %dma_start3A_91 = tpu.memref_slice %arg8[%add3A_21, %dma_start3A_90] : memref<10112x128xf32, #tpu.memory_space<vmem_shared>> -> memref<80x128xf32, #tpu.memory_space<vmem_shared>>
      %dma_start3A_92 = arith.constant 0 : i32
      %dma_start3A_93 = tpu.memref_slice %arg8[%add3A_21, %dma_start3A_92] : memref<10112x128xf32, #tpu.memory_space<vmem_shared>> -> memref<80x128xf32, #tpu.memory_space<vmem_shared>>
      tpu.enqueue_dma source(%arg5 : memref<80x128xf32, #tpu.memory_space<vmem>>) target(%dma_start3A_93 : memref<80x128xf32, #tpu.memory_space<vmem_shared>>) target_semaphore(%run_scoped3A : memref<!tpu.dma_semaphore, #tpu.memory_space<semaphore_mem>>)
      %dma_wait3A_94 = arith.constant 0 : i32
      %dma_wait3A_95 = tpu.memref_slice %arg8[%add3A_21, %dma_wait3A_94] : memref<10112x128xf32, #tpu.memory_space<vmem_shared>> -> memref<80x128xf32, #tpu.memory_space<vmem_shared>>
      %dma_wait3A_96 = arith.constant 0 : i32
      %dma_wait3A_97 = tpu.memref_slice %arg8[%add3A_21, %dma_wait3A_96] : memref<10112x128xf32, #tpu.memory_space<vmem_shared>> -> memref<80x128xf32, #tpu.memory_space<vmem_shared>>
      tpu.wait_dma2 semaphore(%run_scoped3A : memref<!tpu.dma_semaphore, #tpu.memory_space<semaphore_mem>>) src(%arg5 : memref<80x128xf32, #tpu.memory_space<vmem>>) dst(%dma_wait3A_97 : memref<80x128xf32, #tpu.memory_space<vmem_shared>>)
      tpu.yield
    }) : () -> ()
    %add3A_22 = arith.constant 400 : i32
    %add3A_23 = arith.addi %mul3A_11, %add3A_22 : i32
    "tpu.region"() ({
      %run_scoped3A = tpu.sem_alloc : memref<!tpu.dma_semaphore, #tpu.memory_space<semaphore_mem>>
      %dma_start3A_90 = arith.constant 0 : i32
      %dma_start3A_91 = tpu.memref_slice %arg8[%add3A_23, %dma_start3A_90] : memref<10112x128xf32, #tpu.memory_space<vmem_shared>> -> memref<80x128xf32, #tpu.memory_space<vmem_shared>>
      %dma_start3A_92 = arith.constant 0 : i32
      %dma_start3A_93 = tpu.memref_slice %arg8[%add3A_23, %dma_start3A_92] : memref<10112x128xf32, #tpu.memory_space<vmem_shared>> -> memref<80x128xf32, #tpu.memory_space<vmem_shared>>
      tpu.enqueue_dma source(%arg5 : memref<80x128xf32, #tpu.memory_space<vmem>>) target(%dma_start3A_93 : memref<80x128xf32, #tpu.memory_space<vmem_shared>>) target_semaphore(%run_scoped3A : memref<!tpu.dma_semaphore, #tpu.memory_space<semaphore_mem>>)
      %dma_wait3A_94 = arith.constant 0 : i32
      %dma_wait3A_95 = tpu.memref_slice %arg8[%add3A_23, %dma_wait3A_94] : memref<10112x128xf32, #tpu.memory_space<vmem_shared>> -> memref<80x128xf32, #tpu.memory_space<vmem_shared>>
      %dma_wait3A_96 = arith.constant 0 : i32
      %dma_wait3A_97 = tpu.memref_slice %arg8[%add3A_23, %dma_wait3A_96] : memref<10112x128xf32, #tpu.memory_space<vmem_shared>> -> memref<80x128xf32, #tpu.memory_space<vmem_shared>>
      tpu.wait_dma2 semaphore(%run_scoped3A : memref<!tpu.dma_semaphore, #tpu.memory_space<semaphore_mem>>) src(%arg5 : memref<80x128xf32, #tpu.memory_space<vmem>>) dst(%dma_wait3A_97 : memref<80x128xf32, #tpu.memory_space<vmem_shared>>)
      tpu.yield
    }) : () -> ()
    %add3A_24 = arith.constant 480 : i32
    %add3A_25 = arith.addi %mul3A_11, %add3A_24 : i32
    "tpu.region"() ({
      %run_scoped3A = tpu.sem_alloc : memref<!tpu.dma_semaphore, #tpu.memory_space<semaphore_mem>>
      %dma_start3A_90 = arith.constant 0 : i32
      %dma_start3A_91 = tpu.memref_slice %arg8[%add3A_25, %dma_start3A_90] : memref<10112x128xf32, #tpu.memory_space<vmem_shared>> -> memref<80x128xf32, #tpu.memory_space<vmem_shared>>
      %dma_start3A_92 = arith.constant 0 : i32
      %dma_start3A_93 = tpu.memref_slice %arg8[%add3A_25, %dma_start3A_92] : memref<10112x128xf32, #tpu.memory_space<vmem_shared>> -> memref<80x128xf32, #tpu.memory_space<vmem_shared>>
      tpu.enqueue_dma source(%arg5 : memref<80x128xf32, #tpu.memory_space<vmem>>) target(%dma_start3A_93 : memref<80x128xf32, #tpu.memory_space<vmem_shared>>) target_semaphore(%run_scoped3A : memref<!tpu.dma_semaphore, #tpu.memory_space<semaphore_mem>>)
      %dma_wait3A_94 = arith.constant 0 : i32
      %dma_wait3A_95 = tpu.memref_slice %arg8[%add3A_25, %dma_wait3A_94] : memref<10112x128xf32, #tpu.memory_space<vmem_shared>> -> memref<80x128xf32, #tpu.memory_space<vmem_shared>>
      %dma_wait3A_96 = arith.constant 0 : i32
      %dma_wait3A_97 = tpu.memref_slice %arg8[%add3A_25, %dma_wait3A_96] : memref<10112x128xf32, #tpu.memory_space<vmem_shared>> -> memref<80x128xf32, #tpu.memory_space<vmem_shared>>
      tpu.wait_dma2 semaphore(%run_scoped3A : memref<!tpu.dma_semaphore, #tpu.memory_space<semaphore_mem>>) src(%arg5 : memref<80x128xf32, #tpu.memory_space<vmem>>) dst(%dma_wait3A_97 : memref<80x128xf32, #tpu.memory_space<vmem_shared>>)
      tpu.yield
    }) : () -> ()
    %add3A_26 = arith.constant 560 : i32
    %add3A_27 = arith.addi %mul3A_11, %add3A_26 : i32
    "tpu.region"() ({
      %run_scoped3A = tpu.sem_alloc : memref<!tpu.dma_semaphore, #tpu.memory_space<semaphore_mem>>
      %dma_start3A_90 = arith.constant 0 : i32
      %dma_start3A_91 = arith.constant 0 : i32
      %dma_start3A_92 = tpu.memref_slice %arg5[%dma_start3A_90, %dma_start3A_91] : memref<80x128xf32, #tpu.memory_space<vmem>> -> memref<72x128xf32, #tpu.memory_space<vmem>>
      %dma_start3A_93 = arith.constant 0 : i32
      %dma_start3A_94 = tpu.memref_slice %arg8[%add3A_27, %dma_start3A_93] : memref<10112x128xf32, #tpu.memory_space<vmem_shared>> -> memref<72x128xf32, #tpu.memory_space<vmem_shared>>
      %dma_start3A_95 = arith.constant 0 : i32
      %dma_start3A_96 = tpu.memref_slice %arg8[%add3A_27, %dma_start3A_95] : memref<10112x128xf32, #tpu.memory_space<vmem_shared>> -> memref<72x128xf32, #tpu.memory_space<vmem_shared>>
      %dma_start3A_97 = arith.constant 0 : i32
      %dma_start3A_98 = arith.constant 0 : i32
      %dma_start3A_99 = tpu.memref_slice %arg5[%dma_start3A_97, %dma_start3A_98] : memref<80x128xf32, #tpu.memory_space<vmem>> -> memref<72x128xf32, #tpu.memory_space<vmem>>
      tpu.enqueue_dma source(%dma_start3A_99 : memref<72x128xf32, #tpu.memory_space<vmem>>) target(%dma_start3A_96 : memref<72x128xf32, #tpu.memory_space<vmem_shared>>) target_semaphore(%run_scoped3A : memref<!tpu.dma_semaphore, #tpu.memory_space<semaphore_mem>>)
      %dma_wait3A_100 = arith.constant 0 : i32
      %dma_wait3A_101 = arith.constant 0 : i32
      %dma_wait3A_102 = tpu.memref_slice %arg5[%dma_wait3A_100, %dma_wait3A_101] : memref<80x128xf32, #tpu.memory_space<vmem>> -> memref<72x128xf32, #tpu.memory_space<vmem>>
      %dma_wait3A_103 = arith.constant 0 : i32
      %dma_wait3A_104 = tpu.memref_slice %arg8[%add3A_27, %dma_wait3A_103] : memref<10112x128xf32, #tpu.memory_space<vmem_shared>> -> memref<72x128xf32, #tpu.memory_space<vmem_shared>>
      %dma_wait3A_105 = arith.constant 0 : i32
      %dma_wait3A_106 = tpu.memref_slice %arg8[%add3A_27, %dma_wait3A_105] : memref<10112x128xf32, #tpu.memory_space<vmem_shared>> -> memref<72x128xf32, #tpu.memory_space<vmem_shared>>
      %dma_wait3A_107 = arith.constant 0 : i32
      %dma_wait3A_108 = arith.constant 0 : i32
      %dma_wait3A_109 = tpu.memref_slice %arg5[%dma_wait3A_107, %dma_wait3A_108] : memref<80x128xf32, #tpu.memory_space<vmem>> -> memref<72x128xf32, #tpu.memory_space<vmem>>
      tpu.wait_dma2 semaphore(%run_scoped3A : memref<!tpu.dma_semaphore, #tpu.memory_space<semaphore_mem>>) src(%dma_wait3A_109 : memref<72x128xf32, #tpu.memory_space<vmem>>) dst(%dma_wait3A_106 : memref<72x128xf32, #tpu.memory_space<vmem_shared>>)
      tpu.yield
    }) : () -> ()
    %barrier3A = arith.constant 0 : index
    tpu.barrier barrier_id(%barrier3A)
    %dma_start3A = arith.constant 0 : i32
    %dma_start3A_28 = arith.constant 0 : i32
    %dma_start3A_29 = tpu.memref_slice %arg4[%dma_start3A, %dma_start3A_28] : memref<125x80xi32, #tpu.memory_space<vmem>> -> memref<1x80xi32, #tpu.memory_space<vmem>>
    %dma_start3A_30 = tpu.memref_squeeze %dma_start3A_29 : memref<1x80xi32, #tpu.memory_space<vmem>> -> memref<80xi32, #tpu.memory_space<vmem>>
    %dma_start3A_31 = arith.constant 0 : i32
    %dma_start3A_32 = arith.constant 0 : i32
    %dma_start3A_33 = tpu.memref_slice %arg8[%dma_start3A_31, %dma_start3A_32] : memref<10112x128xf32, #tpu.memory_space<vmem_shared>> -> memref<10112x128xf32, #tpu.memory_space<vmem_shared>>
    tpu.enqueue_indirect_dma source(%arg6 : memref<80x128xf32, #tpu.memory_space<vmem>>) target(%dma_start3A_33 : memref<10112x128xf32, #tpu.memory_space<vmem_shared>>) offsets(%dma_start3A_30 : memref<80xi32, #tpu.memory_space<vmem>>) semaphore(%arg7 : memref<!tpu.dma_semaphore, #tpu.memory_space<semaphore_mem>>) {add = true}
    %dma_start3A_34 = arith.constant 1 : i32
    %dma_start3A_35 = arith.constant 0 : i32
    %dma_start3A_36 = tpu.memref_slice %arg4[%dma_start3A_34, %dma_start3A_35] : memref<125x80xi32, #tpu.memory_space<vmem>> -> memref<1x80xi32, #tpu.memory_space<vmem>>
    %dma_start3A_37 = tpu.memref_squeeze %dma_start3A_36 : memref<1x80xi32, #tpu.memory_space<vmem>> -> memref<80xi32, #tpu.memory_space<vmem>>
    %dma_start3A_38 = arith.constant 0 : i32
    %dma_start3A_39 = arith.constant 0 : i32
    %dma_start3A_40 = tpu.memref_slice %arg8[%dma_start3A_38, %dma_start3A_39] : memref<10112x128xf32, #tpu.memory_space<vmem_shared>> -> memref<10112x128xf32, #tpu.memory_space<vmem_shared>>
    tpu.enqueue_indirect_dma source(%arg6 : memref<80x128xf32, #tpu.memory_space<vmem>>) target(%dma_start3A_40 : memref<10112x128xf32, #tpu.memory_space<vmem_shared>>) offsets(%dma_start3A_37 : memref<80xi32, #tpu.memory_space<vmem>>) semaphore(%arg7 : memref<!tpu.dma_semaphore, #tpu.memory_space<semaphore_mem>>) {add = true}
    %dma_start3A_41 = arith.constant 2 : i32
    %dma_start3A_42 = arith.constant 0 : i32
    %dma_start3A_43 = tpu.memref_slice %arg4[%dma_start3A_41, %dma_start3A_42] : memref<125x80xi32, #tpu.memory_space<vmem>> -> memref<1x80xi32, #tpu.memory_space<vmem>>
    %dma_start3A_44 = tpu.memref_squeeze %dma_start3A_43 : memref<1x80xi32, #tpu.memory_space<vmem>> -> memref<80xi32, #tpu.memory_space<vmem>>
    %dma_start3A_45 = arith.constant 0 : i32
    %dma_start3A_46 = arith.constant 0 : i32
    %dma_start3A_47 = tpu.memref_slice %arg8[%dma_start3A_45, %dma_start3A_46] : memref<10112x128xf32, #tpu.memory_space<vmem_shared>> -> memref<10112x128xf32, #tpu.memory_space<vmem_shared>>
    tpu.enqueue_indirect_dma source(%arg6 : memref<80x128xf32, #tpu.memory_space<vmem>>) target(%dma_start3A_47 : memref<10112x128xf32, #tpu.memory_space<vmem_shared>>) offsets(%dma_start3A_44 : memref<80xi32, #tpu.memory_space<vmem>>) semaphore(%arg7 : memref<!tpu.dma_semaphore, #tpu.memory_space<semaphore_mem>>) {add = true}
    %dma_start3A_48 = arith.constant 3 : i32
    %dma_start3A_49 = arith.constant 0 : i32
    %dma_start3A_50 = tpu.memref_slice %arg4[%dma_start3A_48, %dma_start3A_49] : memref<125x80xi32, #tpu.memory_space<vmem>> -> memref<1x80xi32, #tpu.memory_space<vmem>>
    %dma_start3A_51 = tpu.memref_squeeze %dma_start3A_50 : memref<1x80xi32, #tpu.memory_space<vmem>> -> memref<80xi32, #tpu.memory_space<vmem>>
    %dma_start3A_52 = arith.constant 0 : i32
    %dma_start3A_53 = arith.constant 0 : i32
    %dma_start3A_54 = tpu.memref_slice %arg8[%dma_start3A_52, %dma_start3A_53] : memref<10112x128xf32, #tpu.memory_space<vmem_shared>> -> memref<10112x128xf32, #tpu.memory_space<vmem_shared>>
    tpu.enqueue_indirect_dma source(%arg6 : memref<80x128xf32, #tpu.memory_space<vmem>>) target(%dma_start3A_54 : memref<10112x128xf32, #tpu.memory_space<vmem_shared>>) offsets(%dma_start3A_51 : memref<80xi32, #tpu.memory_space<vmem>>) semaphore(%arg7 : memref<!tpu.dma_semaphore, #tpu.memory_space<semaphore_mem>>) {add = true}
    %scan3A_55 = arith.constant 0 : i32
    %scan3A_56 = arith.constant 4 : i32
    %scan3A_57 = arith.constant 121 : i32
    %scan3A_58 = arith.addi %scan3A_56, %scan3A_57 : i32
    %scan3A_59 = arith.constant 1 : i32
    %scan3A_60 = scf.for %scan3A_90 = %scan3A_56 to %scan3A_58 step %scan3A_59 iter_args(%scan3A_91 = %scan3A_55) -> (i32)  : i32 {
      %sub3A = arith.constant 4 : i32
      %sub3A_92 = arith.subi %scan3A_90, %sub3A : i32
      %dma_wait3A_93 = arith.constant 0 : i32
      %dma_wait3A_94 = tpu.memref_slice %arg4[%sub3A_92, %dma_wait3A_93] : memref<125x80xi32, #tpu.memory_space<vmem>> -> memref<1x80xi32, #tpu.memory_space<vmem>>
      %dma_wait3A_95 = tpu.memref_squeeze %dma_wait3A_94 : memref<1x80xi32, #tpu.memory_space<vmem>> -> memref<80xi32, #tpu.memory_space<vmem>>
      %dma_wait3A_96 = arith.constant 0 : i32
      %dma_wait3A_97 = arith.constant 0 : i32
      %dma_wait3A_98 = tpu.memref_slice %arg8[%dma_wait3A_96, %dma_wait3A_97] : memref<10112x128xf32, #tpu.memory_space<vmem_shared>> -> memref<10112x128xf32, #tpu.memory_space<vmem_shared>>
      tpu.wait_indirect_dma semaphore(%arg7 : memref<!tpu.dma_semaphore, #tpu.memory_space<semaphore_mem>>) src(%arg6 : memref<80x128xf32, #tpu.memory_space<vmem>>) dst(%dma_wait3A_98 : memref<10112x128xf32, #tpu.memory_space<vmem_shared>>)
      %dma_start3A_99 = arith.constant 0 : i32
      %dma_start3A_100 = tpu.memref_slice %arg4[%scan3A_90, %dma_start3A_99] : memref<125x80xi32, #tpu.memory_space<vmem>> -> memref<1x80xi32, #tpu.memory_space<vmem>>
      %dma_start3A_101 = tpu.memref_squeeze %dma_start3A_100 : memref<1x80xi32, #tpu.memory_space<vmem>> -> memref<80xi32, #tpu.memory_space<vmem>>
      %dma_start3A_102 = arith.constant 0 : i32
      %dma_start3A_103 = arith.constant 0 : i32
      %dma_start3A_104 = tpu.memref_slice %arg8[%dma_start3A_102, %dma_start3A_103] : memref<10112x128xf32, #tpu.memory_space<vmem_shared>> -> memref<10112x128xf32, #tpu.memory_space<vmem_shared>>
      tpu.enqueue_indirect_dma source(%arg6 : memref<80x128xf32, #tpu.memory_space<vmem>>) target(%dma_start3A_104 : memref<10112x128xf32, #tpu.memory_space<vmem_shared>>) offsets(%dma_start3A_101 : memref<80xi32, #tpu.memory_space<vmem>>) semaphore(%arg7 : memref<!tpu.dma_semaphore, #tpu.memory_space<semaphore_mem>>) {add = true}
      %scan3A_105 = arith.constant 0 : i32
      scf.yield %scan3A_105 : i32
    }
    %scan3A_61 = arith.constant 121 : i32
    %dma_wait3A = arith.constant 121 : i32
    %dma_wait3A_62 = arith.constant 0 : i32
    %dma_wait3A_63 = tpu.memref_slice %arg4[%dma_wait3A, %dma_wait3A_62] : memref<125x80xi32, #tpu.memory_space<vmem>> -> memref<1x80xi32, #tpu.memory_space<vmem>>
    %dma_wait3A_64 = tpu.memref_squeeze %dma_wait3A_63 : memref<1x80xi32, #tpu.memory_space<vmem>> -> memref<80xi32, #tpu.memory_space<vmem>>
    %dma_wait3A_65 = arith.constant 0 : i32
    %dma_wait3A_66 = arith.constant 0 : i32
    %dma_wait3A_67 = tpu.memref_slice %arg8[%dma_wait3A_65, %dma_wait3A_66] : memref<10112x128xf32, #tpu.memory_space<vmem_shared>> -> memref<10112x128xf32, #tpu.memory_space<vmem_shared>>
    tpu.wait_indirect_dma semaphore(%arg7 : memref<!tpu.dma_semaphore, #tpu.memory_space<semaphore_mem>>) src(%arg6 : memref<80x128xf32, #tpu.memory_space<vmem>>) dst(%dma_wait3A_67 : memref<10112x128xf32, #tpu.memory_space<vmem_shared>>)
    %dma_wait3A_68 = arith.constant 122 : i32
    %dma_wait3A_69 = arith.constant 0 : i32
    %dma_wait3A_70 = tpu.memref_slice %arg4[%dma_wait3A_68, %dma_wait3A_69] : memref<125x80xi32, #tpu.memory_space<vmem>> -> memref<1x80xi32, #tpu.memory_space<vmem>>
    %dma_wait3A_71 = tpu.memref_squeeze %dma_wait3A_70 : memref<1x80xi32, #tpu.memory_space<vmem>> -> memref<80xi32, #tpu.memory_space<vmem>>
    %dma_wait3A_72 = arith.constant 0 : i32
    %dma_wait3A_73 = arith.constant 0 : i32
    %dma_wait3A_74 = tpu.memref_slice %arg8[%dma_wait3A_72, %dma_wait3A_73] : memref<10112x128xf32, #tpu.memory_space<vmem_shared>> -> memref<10112x128xf32, #tpu.memory_space<vmem_shared>>
    tpu.wait_indirect_dma semaphore(%arg7 : memref<!tpu.dma_semaphore, #tpu.memory_space<semaphore_mem>>) src(%arg6 : memref<80x128xf32, #tpu.memory_space<vmem>>) dst(%dma_wait3A_74 : memref<10112x128xf32, #tpu.memory_space<vmem_shared>>)
    %dma_wait3A_75 = arith.constant 123 : i32
    %dma_wait3A_76 = arith.constant 0 : i32
    %dma_wait3A_77 = tpu.memref_slice %arg4[%dma_wait3A_75, %dma_wait3A_76] : memref<125x80xi32, #tpu.memory_space<vmem>> -> memref<1x80xi32, #tpu.memory_space<vmem>>
    %dma_wait3A_78 = tpu.memref_squeeze %dma_wait3A_77 : memref<1x80xi32, #tpu.memory_space<vmem>> -> memref<80xi32, #tpu.memory_space<vmem>>
    %dma_wait3A_79 = arith.constant 0 : i32
    %dma_wait3A_80 = arith.constant 0 : i32
    %dma_wait3A_81 = tpu.memref_slice %arg8[%dma_wait3A_79, %dma_wait3A_80] : memref<10112x128xf32, #tpu.memory_space<vmem_shared>> -> memref<10112x128xf32, #tpu.memory_space<vmem_shared>>
    tpu.wait_indirect_dma semaphore(%arg7 : memref<!tpu.dma_semaphore, #tpu.memory_space<semaphore_mem>>) src(%arg6 : memref<80x128xf32, #tpu.memory_space<vmem>>) dst(%dma_wait3A_81 : memref<10112x128xf32, #tpu.memory_space<vmem_shared>>)
    %dma_wait3A_82 = arith.constant 124 : i32
    %dma_wait3A_83 = arith.constant 0 : i32
    %dma_wait3A_84 = tpu.memref_slice %arg4[%dma_wait3A_82, %dma_wait3A_83] : memref<125x80xi32, #tpu.memory_space<vmem>> -> memref<1x80xi32, #tpu.memory_space<vmem>>
    %dma_wait3A_85 = tpu.memref_squeeze %dma_wait3A_84 : memref<1x80xi32, #tpu.memory_space<vmem>> -> memref<80xi32, #tpu.memory_space<vmem>>
    %dma_wait3A_86 = arith.constant 0 : i32
    %dma_wait3A_87 = arith.constant 0 : i32
    %dma_wait3A_88 = tpu.memref_slice %arg8[%dma_wait3A_86, %dma_wait3A_87] : memref<10112x128xf32, #tpu.memory_space<vmem_shared>> -> memref<10112x128xf32, #tpu.memory_space<vmem_shared>>
    tpu.wait_indirect_dma semaphore(%arg7 : memref<!tpu.dma_semaphore, #tpu.memory_space<semaphore_mem>>) src(%arg6 : memref<80x128xf32, #tpu.memory_space<vmem>>) dst(%dma_wait3A_88 : memref<10112x128xf32, #tpu.memory_space<vmem_shared>>)
    %barrier3A_89 = arith.constant 0 : index
    tpu.barrier barrier_id(%barrier3A_89)
    "tpu.region"() ({
      %run_scoped3A = tpu.sem_alloc : memref<!tpu.dma_semaphore, #tpu.memory_space<semaphore_mem>>
      %dma_start3A_90 = arith.constant 0 : i32
      %dma_start3A_91 = tpu.memref_slice %arg3[%arg0, %mul3A_11, %dma_start3A_90] : memref<2x10112x128xf32, #tpu.memory_space<hbm>> -> memref<1x632x128xf32, #tpu.memory_space<hbm>>
      %dma_start3A_92 = tpu.memref_squeeze %dma_start3A_91 : memref<1x632x128xf32, #tpu.memory_space<hbm>> -> memref<632x128xf32, #tpu.memory_space<hbm>>
      %dma_start3A_93 = arith.constant 0 : i32
      %dma_start3A_94 = tpu.memref_slice %arg8[%mul3A_11, %dma_start3A_93] : memref<10112x128xf32, #tpu.memory_space<vmem_shared>> -> memref<632x128xf32, #tpu.memory_space<vmem_shared>>
      tpu.enqueue_dma source(%dma_start3A_94 : memref<632x128xf32, #tpu.memory_space<vmem_shared>>) target(%dma_start3A_92 : memref<632x128xf32, #tpu.memory_space<hbm>>) target_semaphore(%run_scoped3A : memref<!tpu.dma_semaphore, #tpu.memory_space<semaphore_mem>>)
      %dma_wait3A_95 = arith.constant 0 : i32
      %dma_wait3A_96 = tpu.memref_slice %arg3[%arg0, %mul3A_11, %dma_wait3A_95] : memref<2x10112x128xf32, #tpu.memory_space<hbm>> -> memref<1x632x128xf32, #tpu.memory_space<hbm>>
      %dma_wait3A_97 = tpu.memref_squeeze %dma_wait3A_96 : memref<1x632x128xf32, #tpu.memory_space<hbm>> -> memref<632x128xf32, #tpu.memory_space<hbm>>
      %dma_wait3A_98 = arith.constant 0 : i32
      %dma_wait3A_99 = tpu.memref_slice %arg8[%mul3A_11, %dma_wait3A_98] : memref<10112x128xf32, #tpu.memory_space<vmem_shared>> -> memref<632x128xf32, #tpu.memory_space<vmem_shared>>
      tpu.wait_dma2 semaphore(%run_scoped3A : memref<!tpu.dma_semaphore, #tpu.memory_space<semaphore_mem>>) src(%dma_wait3A_99 : memref<632x128xf32, #tpu.memory_space<vmem_shared>>) dst(%dma_wait3A_97 : memref<632x128xf32, #tpu.memory_space<hbm>>)
      tpu.yield
    }) : () -> ()
    return
  }
}

module attributes {stable_mosaic.version = 14 : i64} {
  func.func @body(%arg0: i32, %arg1: memref<1000x128xf32, #tpu.memory_space<vmem>>, %arg2: memref<128x128xf32, #tpu.memory_space<vmem>>, %arg3: memref<1x128xf32, #tpu.memory_space<vmem>>, %arg4: memref<1000x128xf32, #tpu.memory_space<vmem>>) attributes {dimension_semantics = [#tpu.dimension_semantics<arbitrary>], iteration_bounds = array<i64: 10>, scalar_prefetch = 0 : i64, scratch_operands = 0 : i64, tpu.core_type = #tpu.core_type<tc>, window_params = [{transform_indices = @transform_0, window_bounds = array<i64: 1000, 128>}, {pipeline_mode = #tpu.pipeline_mode<synchronous>, transform_indices = @transform_1, window_bounds = array<i64: 128, 128>}, {pipeline_mode = #tpu.pipeline_mode<synchronous>, transform_indices = @transform_2, window_bounds = array<i64: 1, 128>}, {transform_indices = @transform_3, window_bounds = array<i64: 1000, 128>}]} {
    %get3A = arith.constant 0 : index
    %get3A_0 = arith.constant 0 : index
    %get3A_1 = vector.load %arg1[%get3A, %get3A_0] : memref<1000x128xf32, #tpu.memory_space<vmem>>, vector<1000x128xf32>
    %get3A_2 = arith.constant 0 : index
    %get3A_3 = arith.constant 0 : index
    %get3A_4 = vector.load %arg2[%get3A_2, %get3A_3] : memref<128x128xf32, #tpu.memory_space<vmem>>, vector<128x128xf32>
    %dot_general3A = arith.constant dense<0.000000e+00> : vector<1000x128xf32>
    %dot_general3A_5 = tpu.matmul %get3A_1, %get3A_4, %dot_general3A {dimension_numbers = #tpu.dot_dimension_numbers<[1], [1], [0], [0], [0, 0, 1, 0], [], []>, transpose_lhs_hint = false} : vector<1000x128xf32>, vector<128x128xf32>, vector<1000x128xf32> -> vector<1000x128xf32>
    %get3A_6 = arith.constant 0 : index
    %get3A_7 = arith.constant 0 : index
    %get3A_8 = vector.load %arg3[%get3A_6, %get3A_7] : memref<1x128xf32, #tpu.memory_space<vmem>>, vector<1x128xf32>
    %add3A = vector.broadcast %get3A_8 : vector<1x128xf32> to vector<1000x128xf32>
    %add3A_9 = arith.addf %dot_general3A_5, %add3A : vector<1000x128xf32>
    %swap3A = arith.constant 0 : index
    %swap3A_10 = arith.constant 0 : index
    %swap3A_11 = vector.load %arg4[%swap3A, %swap3A_10] : memref<1000x128xf32, #tpu.memory_space<vmem>>, vector<1000x128xf32>
    tpu.vector_store %arg4[%swap3A, %swap3A_10], %add3A_9 {strides = array<i32>} : memref<1000x128xf32, #tpu.memory_space<vmem>>, vector<1000x128xf32>,
    return
  }
  func.func @transform_0(%arg0: i32) -> (i32, i32) {
    %c0_i32 = arith.constant 0 : i32
    %c0_i32_0 = arith.constant 0 : i32
    return %arg0, %c0_i32 : i32, i32
  }
  func.func @transform_1(%arg0: i32) -> (i32, i32) {
    %c0_i32 = arith.constant 0 : i32
    %c0_i32_0 = arith.constant 0 : i32
    %c0_i32_1 = arith.constant 0 : i32
    return %c0_i32, %c0_i32_0 : i32, i32
  }
  func.func @transform_2(%arg0: i32) -> (i32, i32) {
    %c0_i32 = arith.constant 0 : i32
    %c0_i32_0 = arith.constant 0 : i32
    %c0_i32_1 = arith.constant 0 : i32
    return %c0_i32, %c0_i32_0 : i32, i32
  }
  func.func @transform_3(%arg0: i32) -> (i32, i32) {
    %c0_i32 = arith.constant 0 : i32
    %c0_i32_0 = arith.constant 0 : i32
    return %arg0, %c0_i32 : i32, i32
  }
}

module attributes {stable_mosaic.version = 14 : i64} {
  func.func @body(%arg0: i32, %arg1: memref<2x1000x128xf32, #tpu.memory_space<vmem>>, %arg2: memref<2x1000x8xf32, #tpu.memory_space<vmem>>, %arg3: memref<1000x128xf32, #tpu.memory_space<vmem>>, %arg4: memref<128x128xf32, #tpu.memory_space<vmem>>, %arg5: memref<1x128xf32, #tpu.memory_space<vmem>>, %arg6: memref<128x128xf32, #tpu.memory_space<vmem>>, %arg7: memref<1x128xf32, #tpu.memory_space<vmem>>, %arg8: memref<1x128xf32, #tpu.memory_space<vmem>>, %arg9: memref<1000x128xf32, #tpu.memory_space<vmem>>) attributes {dimension_semantics = [#tpu.dimension_semantics<arbitrary>], iteration_bounds = array<i64: 10>, scalar_prefetch = 0 : i64, scratch_operands = 0 : i64, tpu.core_type = #tpu.core_type<tc>, window_params = [{transform_indices = @transform_0, window_bounds = array<i64: 2, 1000, 128>}, {transform_indices = @transform_1, window_bounds = array<i64: 2, 1000, 8>}, {transform_indices = @transform_2, window_bounds = array<i64: 1000, 128>}, {pipeline_mode = #tpu.pipeline_mode<synchronous>, transform_indices = @transform_3, window_bounds = array<i64: 128, 128>}, {pipeline_mode = #tpu.pipeline_mode<synchronous>, transform_indices = @transform_4, window_bounds = array<i64: 1, 128>}, {pipeline_mode = #tpu.pipeline_mode<synchronous>, transform_indices = @transform_5, window_bounds = array<i64: 128, 128>}, {pipeline_mode = #tpu.pipeline_mode<synchronous>, transform_indices = @transform_6, window_bounds = array<i64: 1, 128>}, {pipeline_mode = #tpu.pipeline_mode<synchronous>, transform_indices = @transform_7, window_bounds = array<i64: 1, 128>}, {transform_indices = @transform_8, window_bounds = array<i64: 1000, 128>}]} {
    %get3A = arith.constant 0 : index
    %get3A_0 = arith.constant 0 : index
    %get3A_1 = arith.constant 0 : index
    %get3A_2 = vector.load %arg1[%get3A, %get3A_0, %get3A_1] : memref<2x1000x128xf32, #tpu.memory_space<vmem>>, vector<1x1000x128xf32>
    %get3A_3 = vector.shape_cast %get3A_2 : vector<1x1000x128xf32> to vector<1000x128xf32>
    %get3A_4 = arith.constant 1 : index
    %get3A_5 = arith.constant 0 : index
    %get3A_6 = arith.constant 0 : index
    %get3A_7 = vector.load %arg1[%get3A_4, %get3A_5, %get3A_6] : memref<2x1000x128xf32, #tpu.memory_space<vmem>>, vector<1x1000x128xf32>
    %get3A_8 = vector.shape_cast %get3A_7 : vector<1x1000x128xf32> to vector<1000x128xf32>
    %add3A = arith.addf %get3A_3, %get3A_8 : vector<1000x128xf32>
    %get3A_9 = arith.constant 0 : index
    %get3A_10 = arith.constant 0 : index
    %get3A_11 = arith.constant 0 : index
    %get3A_12 = vector.load %arg2[%get3A_9, %get3A_10, %get3A_11] : memref<2x1000x8xf32, #tpu.memory_space<vmem>>, vector<1x1000x1xf32>
    %get3A_13 = vector.shape_cast %get3A_12 : vector<1x1000x1xf32> to vector<1000x1xf32>
    %get3A_14 = arith.constant 1 : index
    %get3A_15 = arith.constant 0 : index
    %get3A_16 = arith.constant 0 : index
    %get3A_17 = vector.load %arg2[%get3A_14, %get3A_15, %get3A_16] : memref<2x1000x8xf32, #tpu.memory_space<vmem>>, vector<1x1000x1xf32>
    %get3A_18 = vector.shape_cast %get3A_17 : vector<1x1000x1xf32> to vector<1000x1xf32>
    %add3A_19 = arith.addf %get3A_13, %get3A_18 : vector<1000x1xf32>
    %max3A = arith.constant 1.000000e+00 : f32
    %max3A_20 = vector.broadcast %max3A : f32 to vector<1000x1xf32>
    %max3A_21 = arith.maximumf %add3A_19, %max3A_20 : vector<1000x1xf32>
    %div3A = vector.broadcast %max3A_21 : vector<1000x1xf32> to vector<1000x128xf32>
    %div3A_22 = arith.divf %add3A, %div3A : vector<1000x128xf32>
    %get3A_23 = arith.constant 0 : index
    %get3A_24 = arith.constant 0 : index
    %get3A_25 = vector.load %arg4[%get3A_23, %get3A_24] : memref<128x128xf32, #tpu.memory_space<vmem>>, vector<128x128xf32>
    %dot_general3A = arith.constant dense<0.000000e+00> : vector<1000x128xf32>
    %dot_general3A_26 = tpu.matmul %div3A_22, %get3A_25, %dot_general3A {dimension_numbers = #tpu.dot_dimension_numbers<[1], [1], [0], [0], [0, 0, 1, 0], [], []>, transpose_lhs_hint = false} : vector<1000x128xf32>, vector<128x128xf32>, vector<1000x128xf32> -> vector<1000x128xf32>
    %get3A_27 = arith.constant 0 : index
    %get3A_28 = arith.constant 0 : index
    %get3A_29 = vector.load %arg5[%get3A_27, %get3A_28] : memref<1x128xf32, #tpu.memory_space<vmem>>, vector<1x128xf32>
    %add3A_30 = vector.broadcast %get3A_29 : vector<1x128xf32> to vector<1000x128xf32>
    %add3A_31 = arith.addf %dot_general3A_26, %add3A_30 : vector<1000x128xf32>
    %get3A_32 = arith.constant 0 : index
    %get3A_33 = arith.constant 0 : index
    %get3A_34 = vector.load %arg3[%get3A_32, %get3A_33] : memref<1000x128xf32, #tpu.memory_space<vmem>>, vector<1000x128xf32>
    %get3A_35 = arith.constant 0 : index
    %get3A_36 = arith.constant 0 : index
    %get3A_37 = vector.load %arg6[%get3A_35, %get3A_36] : memref<128x128xf32, #tpu.memory_space<vmem>>, vector<128x128xf32>
    %dot_general3A_38 = arith.constant dense<0.000000e+00> : vector<1000x128xf32>
    %dot_general3A_39 = tpu.matmul %get3A_34, %get3A_37, %dot_general3A_38 {dimension_numbers = #tpu.dot_dimension_numbers<[1], [1], [0], [0], [0, 0, 1, 0], [], []>, transpose_lhs_hint = false} : vector<1000x128xf32>, vector<128x128xf32>, vector<1000x128xf32> -> vector<1000x128xf32>
    %add3A_40 = arith.addf %add3A_31, %dot_general3A_39 : vector<1000x128xf32>
    %max3A_41 = arith.constant 0.000000e+00 : f32
    %max3A_42 = vector.broadcast %max3A_41 : f32 to vector<1000x128xf32>
    %max3A_43 = arith.maximumf %add3A_40, %max3A_42 : vector<1000x128xf32>
    %reduce_sum3A = arith.constant dense<0.000000e+00> : vector<1000xf32>
    %reduce_sum3A_44 = vector.multi_reduction <add>, %max3A_43, %reduce_sum3A [1] : vector<1000x128xf32> to vector<1000xf32>
    %broadcast_in_dim3A = vector.shape_cast %reduce_sum3A_44 : vector<1000xf32> to vector<1000x1xf32>
    %div3A_45 = arith.constant 1.280000e+02 : f32
    %div3A_46 = vector.broadcast %div3A_45 : f32 to vector<1000x1xf32>
    %div3A_47 = arith.divf %broadcast_in_dim3A, %div3A_46 : vector<1000x1xf32>
    %sub3A = vector.broadcast %div3A_47 : vector<1000x1xf32> to vector<1000x128xf32>
    %sub3A_48 = arith.subf %max3A_43, %sub3A : vector<1000x128xf32>
    %integer_pow3A = arith.mulf %sub3A_48, %sub3A_48 : vector<1000x128xf32>
    %reduce_sum3A_49 = arith.constant dense<0.000000e+00> : vector<1000xf32>
    %reduce_sum3A_50 = vector.multi_reduction <add>, %integer_pow3A, %reduce_sum3A_49 [1] : vector<1000x128xf32> to vector<1000xf32>
    %broadcast_in_dim3A_51 = vector.shape_cast %reduce_sum3A_50 : vector<1000xf32> to vector<1000x1xf32>
    %div3A_52 = arith.constant 1.280000e+02 : f32
    %div3A_53 = vector.broadcast %div3A_52 : f32 to vector<1000x1xf32>
    %div3A_54 = arith.divf %broadcast_in_dim3A_51, %div3A_53 : vector<1000x1xf32>
    %sub3A_55 = vector.broadcast %div3A_47 : vector<1000x1xf32> to vector<1000x128xf32>
    %sub3A_56 = arith.subf %max3A_43, %sub3A_55 : vector<1000x128xf32>
    %add3A_57 = arith.constant 9.99999974E-6 : f32
    %add3A_58 = vector.broadcast %add3A_57 : f32 to vector<1000x1xf32>
    %add3A_59 = arith.addf %div3A_54, %add3A_58 : vector<1000x1xf32>
    %rsqrt3A = math.rsqrt %add3A_59 : vector<1000x1xf32>
    %mul3A = vector.broadcast %rsqrt3A : vector<1000x1xf32> to vector<1000x128xf32>
    %mul3A_60 = arith.mulf %sub3A_56, %mul3A : vector<1000x128xf32>
    %get3A_61 = arith.constant 0 : index
    %get3A_62 = arith.constant 0 : index
    %get3A_63 = vector.load %arg7[%get3A_61, %get3A_62] : memref<1x128xf32, #tpu.memory_space<vmem>>, vector<1x128xf32>
    %mul3A_64 = vector.broadcast %get3A_63 : vector<1x128xf32> to vector<1000x128xf32>
    %mul3A_65 = arith.mulf %mul3A_60, %mul3A_64 : vector<1000x128xf32>
    %get3A_66 = arith.constant 0 : index
    %get3A_67 = arith.constant 0 : index
    %get3A_68 = vector.load %arg8[%get3A_66, %get3A_67] : memref<1x128xf32, #tpu.memory_space<vmem>>, vector<1x128xf32>
    %add3A_69 = vector.broadcast %get3A_68 : vector<1x128xf32> to vector<1000x128xf32>
    %add3A_70 = arith.addf %mul3A_65, %add3A_69 : vector<1000x128xf32>
    %swap3A = arith.constant 0 : index
    %swap3A_71 = arith.constant 0 : index
    %swap3A_72 = vector.load %arg9[%swap3A, %swap3A_71] : memref<1000x128xf32, #tpu.memory_space<vmem>>, vector<1000x128xf32>
    tpu.vector_store %arg9[%swap3A, %swap3A_71], %add3A_70 {strides = array<i32>} : memref<1000x128xf32, #tpu.memory_space<vmem>>, vector<1000x128xf32>,
    return
  }
  func.func @transform_0(%arg0: i32) -> (i32, i32, i32) {
    %c0_i32 = arith.constant 0 : i32
    %c0_i32_0 = arith.constant 0 : i32
    %c0_i32_1 = arith.constant 0 : i32
    return %c0_i32, %arg0, %c0_i32_0 : i32, i32, i32
  }
  func.func @transform_1(%arg0: i32) -> (i32, i32, i32) {
    %c0_i32 = arith.constant 0 : i32
    %c0_i32_0 = arith.constant 0 : i32
    %c0_i32_1 = arith.constant 0 : i32
    return %c0_i32, %arg0, %c0_i32_0 : i32, i32, i32
  }
  func.func @transform_2(%arg0: i32) -> (i32, i32) {
    %c0_i32 = arith.constant 0 : i32
    %c0_i32_0 = arith.constant 0 : i32
    return %arg0, %c0_i32 : i32, i32
  }
  func.func @transform_3(%arg0: i32) -> (i32, i32) {
    %c0_i32 = arith.constant 0 : i32
    %c0_i32_0 = arith.constant 0 : i32
    %c0_i32_1 = arith.constant 0 : i32
    return %c0_i32, %c0_i32_0 : i32, i32
  }
  func.func @transform_4(%arg0: i32) -> (i32, i32) {
    %c0_i32 = arith.constant 0 : i32
    %c0_i32_0 = arith.constant 0 : i32
    %c0_i32_1 = arith.constant 0 : i32
    return %c0_i32, %c0_i32_0 : i32, i32
  }
  func.func @transform_5(%arg0: i32) -> (i32, i32) {
    %c0_i32 = arith.constant 0 : i32
    %c0_i32_0 = arith.constant 0 : i32
    %c0_i32_1 = arith.constant 0 : i32
    return %c0_i32, %c0_i32_0 : i32, i32
  }
  func.func @transform_6(%arg0: i32) -> (i32, i32) {
    %c0_i32 = arith.constant 0 : i32
    %c0_i32_0 = arith.constant 0 : i32
    %c0_i32_1 = arith.constant 0 : i32
    return %c0_i32, %c0_i32_0 : i32, i32
  }
  func.func @transform_7(%arg0: i32) -> (i32, i32) {
    %c0_i32 = arith.constant 0 : i32
    %c0_i32_0 = arith.constant 0 : i32
    %c0_i32_1 = arith.constant 0 : i32
    return %c0_i32, %c0_i32_0 : i32, i32
  }
  func.func @transform_8(%arg0: i32) -> (i32, i32) {
    %c0_i32 = arith.constant 0 : i32
    %c0_i32_0 = arith.constant 0 : i32
    return %arg0, %c0_i32 : i32, i32
  }
}

module attributes {stable_mosaic.version = 14 : i64} {
  func.func @body(%arg0: i32, %arg1: memref<2x1000x128xf32, #tpu.memory_space<vmem>>, %arg2: memref<2x1000x8xf32, #tpu.memory_space<vmem>>, %arg3: memref<1000x128xf32, #tpu.memory_space<vmem>>, %arg4: memref<128x128xf32, #tpu.memory_space<vmem>>, %arg5: memref<1x128xf32, #tpu.memory_space<vmem>>, %arg6: memref<128x128xf32, #tpu.memory_space<vmem>>, %arg7: memref<1x128xf32, #tpu.memory_space<vmem>>, %arg8: memref<1x128xf32, #tpu.memory_space<vmem>>, %arg9: memref<1000x128xf32, #tpu.memory_space<vmem>>) attributes {dimension_semantics = [#tpu.dimension_semantics<arbitrary>], iteration_bounds = array<i64: 10>, scalar_prefetch = 0 : i64, scratch_operands = 0 : i64, tpu.core_type = #tpu.core_type<tc>, window_params = [{transform_indices = @transform_0, window_bounds = array<i64: 2, 1000, 128>}, {transform_indices = @transform_1, window_bounds = array<i64: 2, 1000, 8>}, {transform_indices = @transform_2, window_bounds = array<i64: 1000, 128>}, {pipeline_mode = #tpu.pipeline_mode<synchronous>, transform_indices = @transform_3, window_bounds = array<i64: 128, 128>}, {pipeline_mode = #tpu.pipeline_mode<synchronous>, transform_indices = @transform_4, window_bounds = array<i64: 1, 128>}, {pipeline_mode = #tpu.pipeline_mode<synchronous>, transform_indices = @transform_5, window_bounds = array<i64: 128, 128>}, {pipeline_mode = #tpu.pipeline_mode<synchronous>, transform_indices = @transform_6, window_bounds = array<i64: 1, 128>}, {pipeline_mode = #tpu.pipeline_mode<synchronous>, transform_indices = @transform_7, window_bounds = array<i64: 1, 128>}, {transform_indices = @transform_8, window_bounds = array<i64: 1000, 128>}]} {
    %get3A = arith.constant 0 : index
    %get3A_0 = arith.constant 0 : index
    %get3A_1 = arith.constant 0 : index
    %get3A_2 = vector.load %arg1[%get3A, %get3A_0, %get3A_1] : memref<2x1000x128xf32, #tpu.memory_space<vmem>>, vector<1x1000x128xf32>
    %get3A_3 = vector.shape_cast %get3A_2 : vector<1x1000x128xf32> to vector<1000x128xf32>
    %get3A_4 = arith.constant 1 : index
    %get3A_5 = arith.constant 0 : index
    %get3A_6 = arith.constant 0 : index
    %get3A_7 = vector.load %arg1[%get3A_4, %get3A_5, %get3A_6] : memref<2x1000x128xf32, #tpu.memory_space<vmem>>, vector<1x1000x128xf32>
    %get3A_8 = vector.shape_cast %get3A_7 : vector<1x1000x128xf32> to vector<1000x128xf32>
    %add3A = arith.addf %get3A_3, %get3A_8 : vector<1000x128xf32>
    %get3A_9 = arith.constant 0 : index
    %get3A_10 = arith.constant 0 : index
    %get3A_11 = arith.constant 0 : index
    %get3A_12 = vector.load %arg2[%get3A_9, %get3A_10, %get3A_11] : memref<2x1000x8xf32, #tpu.memory_space<vmem>>, vector<1x1000x1xf32>
    %get3A_13 = vector.shape_cast %get3A_12 : vector<1x1000x1xf32> to vector<1000x1xf32>
    %get3A_14 = arith.constant 1 : index
    %get3A_15 = arith.constant 0 : index
    %get3A_16 = arith.constant 0 : index
    %get3A_17 = vector.load %arg2[%get3A_14, %get3A_15, %get3A_16] : memref<2x1000x8xf32, #tpu.memory_space<vmem>>, vector<1x1000x1xf32>
    %get3A_18 = vector.shape_cast %get3A_17 : vector<1x1000x1xf32> to vector<1000x1xf32>
    %add3A_19 = arith.addf %get3A_13, %get3A_18 : vector<1000x1xf32>
    %max3A = arith.constant 1.000000e+00 : f32
    %max3A_20 = vector.broadcast %max3A : f32 to vector<1000x1xf32>
    %max3A_21 = arith.maximumf %add3A_19, %max3A_20 : vector<1000x1xf32>
    %div3A = vector.broadcast %max3A_21 : vector<1000x1xf32> to vector<1000x128xf32>
    %div3A_22 = arith.divf %add3A, %div3A : vector<1000x128xf32>
    %get3A_23 = arith.constant 0 : index
    %get3A_24 = arith.constant 0 : index
    %get3A_25 = vector.load %arg4[%get3A_23, %get3A_24] : memref<128x128xf32, #tpu.memory_space<vmem>>, vector<128x128xf32>
    %dot_general3A = arith.constant dense<0.000000e+00> : vector<1000x128xf32>
    %dot_general3A_26 = tpu.matmul %div3A_22, %get3A_25, %dot_general3A {dimension_numbers = #tpu.dot_dimension_numbers<[1], [1], [0], [0], [0, 0, 1, 0], [], []>, transpose_lhs_hint = false} : vector<1000x128xf32>, vector<128x128xf32>, vector<1000x128xf32> -> vector<1000x128xf32>
    %get3A_27 = arith.constant 0 : index
    %get3A_28 = arith.constant 0 : index
    %get3A_29 = vector.load %arg5[%get3A_27, %get3A_28] : memref<1x128xf32, #tpu.memory_space<vmem>>, vector<1x128xf32>
    %add3A_30 = vector.broadcast %get3A_29 : vector<1x128xf32> to vector<1000x128xf32>
    %add3A_31 = arith.addf %dot_general3A_26, %add3A_30 : vector<1000x128xf32>
    %get3A_32 = arith.constant 0 : index
    %get3A_33 = arith.constant 0 : index
    %get3A_34 = vector.load %arg3[%get3A_32, %get3A_33] : memref<1000x128xf32, #tpu.memory_space<vmem>>, vector<1000x128xf32>
    %get3A_35 = arith.constant 0 : index
    %get3A_36 = arith.constant 0 : index
    %get3A_37 = vector.load %arg6[%get3A_35, %get3A_36] : memref<128x128xf32, #tpu.memory_space<vmem>>, vector<128x128xf32>
    %dot_general3A_38 = arith.constant dense<0.000000e+00> : vector<1000x128xf32>
    %dot_general3A_39 = tpu.matmul %get3A_34, %get3A_37, %dot_general3A_38 {dimension_numbers = #tpu.dot_dimension_numbers<[1], [1], [0], [0], [0, 0, 1, 0], [], []>, transpose_lhs_hint = false} : vector<1000x128xf32>, vector<128x128xf32>, vector<1000x128xf32> -> vector<1000x128xf32>
    %add3A_40 = arith.addf %add3A_31, %dot_general3A_39 : vector<1000x128xf32>
    %max3A_41 = arith.constant 0.000000e+00 : f32
    %max3A_42 = vector.broadcast %max3A_41 : f32 to vector<1000x128xf32>
    %max3A_43 = arith.maximumf %add3A_40, %max3A_42 : vector<1000x128xf32>
    %reduce_sum3A = arith.constant dense<0.000000e+00> : vector<1000xf32>
    %reduce_sum3A_44 = vector.multi_reduction <add>, %max3A_43, %reduce_sum3A [1] : vector<1000x128xf32> to vector<1000xf32>
    %broadcast_in_dim3A = vector.shape_cast %reduce_sum3A_44 : vector<1000xf32> to vector<1000x1xf32>
    %div3A_45 = arith.constant 1.280000e+02 : f32
    %div3A_46 = vector.broadcast %div3A_45 : f32 to vector<1000x1xf32>
    %div3A_47 = arith.divf %broadcast_in_dim3A, %div3A_46 : vector<1000x1xf32>
    %sub3A = vector.broadcast %div3A_47 : vector<1000x1xf32> to vector<1000x128xf32>
    %sub3A_48 = arith.subf %max3A_43, %sub3A : vector<1000x128xf32>
    %integer_pow3A = arith.mulf %sub3A_48, %sub3A_48 : vector<1000x128xf32>
    %reduce_sum3A_49 = arith.constant dense<0.000000e+00> : vector<1000xf32>
    %reduce_sum3A_50 = vector.multi_reduction <add>, %integer_pow3A, %reduce_sum3A_49 [1] : vector<1000x128xf32> to vector<1000xf32>
    %broadcast_in_dim3A_51 = vector.shape_cast %reduce_sum3A_50 : vector<1000xf32> to vector<1000x1xf32>
    %div3A_52 = arith.constant 1.280000e+02 : f32
    %div3A_53 = vector.broadcast %div3A_52 : f32 to vector<1000x1xf32>
    %div3A_54 = arith.divf %broadcast_in_dim3A_51, %div3A_53 : vector<1000x1xf32>
    %sub3A_55 = vector.broadcast %div3A_47 : vector<1000x1xf32> to vector<1000x128xf32>
    %sub3A_56 = arith.subf %max3A_43, %sub3A_55 : vector<1000x128xf32>
    %add3A_57 = arith.constant 9.99999974E-6 : f32
    %add3A_58 = vector.broadcast %add3A_57 : f32 to vector<1000x1xf32>
    %add3A_59 = arith.addf %div3A_54, %add3A_58 : vector<1000x1xf32>
    %rsqrt3A = math.rsqrt %add3A_59 : vector<1000x1xf32>
    %mul3A = vector.broadcast %rsqrt3A : vector<1000x1xf32> to vector<1000x128xf32>
    %mul3A_60 = arith.mulf %sub3A_56, %mul3A : vector<1000x128xf32>
    %get3A_61 = arith.constant 0 : index
    %get3A_62 = arith.constant 0 : index
    %get3A_63 = vector.load %arg7[%get3A_61, %get3A_62] : memref<1x128xf32, #tpu.memory_space<vmem>>, vector<1x128xf32>
    %mul3A_64 = vector.broadcast %get3A_63 : vector<1x128xf32> to vector<1000x128xf32>
    %mul3A_65 = arith.mulf %mul3A_60, %mul3A_64 : vector<1000x128xf32>
    %get3A_66 = arith.constant 0 : index
    %get3A_67 = arith.constant 0 : index
    %get3A_68 = vector.load %arg8[%get3A_66, %get3A_67] : memref<1x128xf32, #tpu.memory_space<vmem>>, vector<1x128xf32>
    %add3A_69 = vector.broadcast %get3A_68 : vector<1x128xf32> to vector<1000x128xf32>
    %add3A_70 = arith.addf %mul3A_65, %add3A_69 : vector<1000x128xf32>
    %swap3A = arith.constant 0 : index
    %swap3A_71 = arith.constant 0 : index
    %swap3A_72 = vector.load %arg9[%swap3A, %swap3A_71] : memref<1000x128xf32, #tpu.memory_space<vmem>>, vector<1000x128xf32>
    tpu.vector_store %arg9[%swap3A, %swap3A_71], %add3A_70 {strides = array<i32>} : memref<1000x128xf32, #tpu.memory_space<vmem>>, vector<1000x128xf32>,
    return
  }
  func.func @transform_0(%arg0: i32) -> (i32, i32, i32) {
    %c0_i32 = arith.constant 0 : i32
    %c0_i32_0 = arith.constant 0 : i32
    %c0_i32_1 = arith.constant 0 : i32
    return %c0_i32, %arg0, %c0_i32_0 : i32, i32, i32
  }
  func.func @transform_1(%arg0: i32) -> (i32, i32, i32) {
    %c0_i32 = arith.constant 0 : i32
    %c0_i32_0 = arith.constant 0 : i32
    %c0_i32_1 = arith.constant 0 : i32
    return %c0_i32, %arg0, %c0_i32_0 : i32, i32, i32
  }
  func.func @transform_2(%arg0: i32) -> (i32, i32) {
    %c0_i32 = arith.constant 0 : i32
    %c0_i32_0 = arith.constant 0 : i32
    return %arg0, %c0_i32 : i32, i32
  }
  func.func @transform_3(%arg0: i32) -> (i32, i32) {
    %c0_i32 = arith.constant 0 : i32
    %c0_i32_0 = arith.constant 0 : i32
    %c0_i32_1 = arith.constant 0 : i32
    return %c0_i32, %c0_i32_0 : i32, i32
  }
  func.func @transform_4(%arg0: i32) -> (i32, i32) {
    %c0_i32 = arith.constant 0 : i32
    %c0_i32_0 = arith.constant 0 : i32
    %c0_i32_1 = arith.constant 0 : i32
    return %c0_i32, %c0_i32_0 : i32, i32
  }
  func.func @transform_5(%arg0: i32) -> (i32, i32) {
    %c0_i32 = arith.constant 0 : i32
    %c0_i32_0 = arith.constant 0 : i32
    %c0_i32_1 = arith.constant 0 : i32
    return %c0_i32, %c0_i32_0 : i32, i32
  }
  func.func @transform_6(%arg0: i32) -> (i32, i32) {
    %c0_i32 = arith.constant 0 : i32
    %c0_i32_0 = arith.constant 0 : i32
    %c0_i32_1 = arith.constant 0 : i32
    return %c0_i32, %c0_i32_0 : i32, i32
  }
  func.func @transform_7(%arg0: i32) -> (i32, i32) {
    %c0_i32 = arith.constant 0 : i32
    %c0_i32_0 = arith.constant 0 : i32
    %c0_i32_1 = arith.constant 0 : i32
    return %c0_i32, %c0_i32_0 : i32, i32
  }
  func.func @transform_8(%arg0: i32) -> (i32, i32) {
    %c0_i32 = arith.constant 0 : i32
    %c0_i32_0 = arith.constant 0 : i32
    return %arg0, %c0_i32 : i32, i32
  }
}

</mosaic_0001>

<sc_bundles>
// kernel: kernel.10.cloned.1.call-start
scs
__scs_entry_jumppad:
0x0: {  	(pc) =	sbr.rel $0x88, $3  }
0x1: {  	(tag) =	ssettag $0x0;
	lr =	simm.s32 $0x1  }
0x2: {  	[smem:$0x3F98] =	sst lr;
	_ =	strace $0xD0000000  }
0x3: {  	_ = 	snop  }
0x4: {  	_ = 	snop  }
0x5: {  	_ = 	snop  }
0x6: {  	_ = 	snop  }
0x7: {  	_ = 	snop  }
__scs_overlays_trampoline_lowered:
0x8: {  	[smem:$0x3FA7] =	sst s0  }
0x9: {  	[smem:$0x3FA8] =	sst s1  }
0xa: {  	[smem:$0x3FA9] =	sst s2  }
0xb: {  	[smem:$0x3FAA] =	sst s3  }
0xc: {  	[smem:$0x3FAB] =	sst s4  }
0xd: {  	[smem:$0x3FAC] =	sst s5  }
0xe: {  	[smem:$0x3FAD] =	sst s6  }
0xf: {  	[smem:$0x3FAE] =	sst s7  }
0x10: {  	[smem:$0x3FAF] =	sst s8  }
0x11: {  	[smem:$0x3FB0] =	sst s9;
	s0 =	simm.s32 @!p0 $0x0  }
0x12: {  	s1 =	sld [smem:$0x3F96];
	s0 =	simm.s32 @p0 $0x1  }
0x13: {  	[smem:$0x3FB1] =	sst s0;
	s0 =	simm.s32 @!p1 $0x0  }
0x14: {  	s2 =	sld [smem:$0x3F95];
	s0 =	simm.s32 @p1 $0x1  }
0x15: {  	[smem:$0x3FB2] =	sst s0;
	s0 =	simm.s32 @!p2 $0x0  }
0x16: {  	s3 =	sld [smem:$0x3FDB];
	s0 =	simm.s32 @p2 $0x1  }
0x17: {  	s4 =	simm.s32 $0x1BF5;
	[smem:$0x3FB4] =	sst s0  }
0x18: {  	s0 =	sld [smem:$0x3F97];
	_ =	swait.ge [sflag:s4], $0x0  }
0x19: {  	s7 =	sld [smem:$0x3F98]  }
0x1a: {  	s8 =	sadd.s32 $0xFFFFE003, lr  }
0x1b: {  	s9 =	sadd.s32 $0xFFFFFEF7, lr;
	s5 =	simm.s32 $0xFFFFFFFF;
	p2 =	slt.u32 s8, $0xFFFFF086  }
0x1c: {  	p1 =	slt.u32 s9, $0xF7A;
	s5 =	simm.s32 @!p2 $0x0  }
0x1d: {  	s5 =	simm.s32 @p1 $0x1;
	p0 =	seq.s32 s7, s2  }
0x1e: {  	s7 =	smul.u32 @!p0 $0xF7A, s2;
	p2 =	seq.s32 @!p0 s5, $0x0  }
0x1f: {  	s9 =	smul.u32 $0xF7A, s1;
	s8 =	simm.s32 @!p0 $0x1BF5;
	p2 =	por !p2, p0  }
0x20: {  	[sflag:s8] =	ssyncset.s32 @!p0 $0xFFFFF086;
	s6 =	sadd.s32 @!p0 s3, s7;
	s7 =	simm.s32 @!p0 $0x108  }
0x21: {  	s3 =	sadd.s32 s3, s9;
	s6 =	sadd.s32 @!p0 $0x88, s6;
	s7 =	simm.s32 @p2 $0x1082  }
0x22: {  	[simem:s7], [sflag:s8] =	dma.local @!p0 [hbm:s6], $0xF7A  }
0x23: {  	s9 =	sor.u32 $0xD0000000, s2;
	s6 =	simm.s32 $0x108;
	_ =	swait.ge @!p0 [sflag:s8], $0x0  }
0x24: {  	s3 =	sadd.s32 $0x88, s3;
	s6 =	simm.s32 @!p1 $0x1082;
	[sflag:s4] =	ssyncset.s32 $0xFFFFF086  }
0x25: {  	[simem:s6], [sflag:s4] =	dma.local [hbm:s3], $0xF7A  }
0x26: {  	[smem:$0x3F98] =	sst s1;
	(tag) =	ssettag s2;
	_ =	strace s9  }
0x27: {  	s1 =	sld [smem:$0x3FA8]  }
0x28: {  	s2 =	sld [smem:$0x3FA9]  }
0x29: {  	s4 =	sld [smem:$0x3FAB]  }
0x2a: {  	p0 =	seq.s32 s5, $0x0;
	s5 =	sld [smem:$0x3FAC]  }
0x2b: {  	s6 =	sld [smem:$0x3FAD]  }
0x2c: {  	s7 =	sld [smem:$0x3FAE]  }
0x2d: {  	s3 =	simm.s32 $0x108;
	s8 =	sld [smem:$0x3FAF]  }
0x2e: {  	s3 =	simm.s32 @!p0 $0x1082;
	s9 =	sld [smem:$0x3FB0]  }
0x2f: {  	lr =	sadd.s32 s0, s3;
	s0 =	sld [smem:$0x3FA7]  }
0x30: {  	s3 =	sld [smem:$0x3FAA]  }
0x31: {  	[smem:$0x3FB3] =	sst s10  }
0x32: {  	s10 =	sld [smem:$0x3FB1];
	_ =	sdelay $0x3  }
0x33: {  	p0 =	seq.s32 s10, $0x1;
	s10 =	sld [smem:$0x3FB3];
	_ =	sdelay $0x3  }
0x34: {  	[smem:$0x3FB3] =	sst s10  }
0x35: {  	s10 =	sld [smem:$0x3FB2];
	_ =	sdelay $0x3  }
0x36: {  	p1 =	seq.s32 s10, $0x1;
	s10 =	sld [smem:$0x3FB3];
	_ =	sdelay $0x3  }
0x37: {  	[smem:$0x3FB3] =	sst s10  }
0x38: {  	s10 =	sld [smem:$0x3FB4]  }
0x39: {  	_ = 	snop;
	(pc) =	sbr.ind lr, $3  }
0x3a: {  	_ = 	snop  }
0x3b: {  	_ = 	snop  }
0x3c: {  	p2 =	seq.s32 s10, $0x1;
	s10 =	sld [smem:$0x3FB3]  }
0x3d: {  	_ =	shalt  }
0x3e: {  	_ =	shalt  }
0x3f: {  	_ =	shalt  }
0x40: {  	_ =	shalt  }
0x41: {  	_ =	shalt  }
0x42: {  	_ =	shalt  }
0x43: {  	_ =	shalt  }
0x44: {  	_ =	shalt  }
0x45: {  	_ =	shalt  }
0x46: {  	_ =	shalt  }
0x47: {  	_ =	shalt  }
0x48: {  	_ =	shalt  }
0x49: {  	_ =	shalt  }
0x4a: {  	_ =	shalt  }
0x4b: {  	_ =	shalt  }
0x4c: {  	_ =	shalt  }
0x4d: {  	_ =	shalt  }
0x4e: {  	_ =	shalt  }
0x4f: {  	_ =	shalt  }
0x50: {  	_ =	shalt  }
0x51: {  	_ =	shalt  }
0x52: {  	_ =	shalt  }
0x53: {  	_ =	shalt  }
0x54: {  	_ =	shalt  }
0x55: {  	_ =	shalt  }
0x56: {  	_ =	shalt  }
0x57: {  	_ =	shalt  }
0x58: {  	_ =	shalt  }
0x59: {  	_ =	shalt  }
0x5a: {  	_ =	shalt  }
0x5b: {  	_ =	shalt  }
0x5c: {  	_ =	shalt  }
0x5d: {  	_ =	shalt  }
0x5e: {  	_ =	shalt  }
0x5f: {  	_ =	shalt  }
0x60: {  	_ =	shalt  }
0x61: {  	_ =	shalt  }
0x62: {  	_ =	shalt  }
0x63: {  	_ =	shalt  }
0x64: {  	_ =	shalt  }
0x65: {  	_ =	shalt  }
0x66: {  	_ =	shalt  }
0x67: {  	_ =	shalt  }
0x68: {  	_ =	shalt  }
0x69: {  	_ =	shalt  }
0x6a: {  	_ =	shalt  }
0x6b: {  	_ =	shalt  }
0x6c: {  	_ =	shalt  }
0x6d: {  	_ =	shalt  }
0x6e: {  	_ =	shalt  }
0x6f: {  	_ =	shalt  }
0x70: {  	_ =	shalt  }
0x71: {  	_ =	shalt  }
0x72: {  	_ =	shalt  }
0x73: {  	_ =	shalt  }
0x74: {  	_ =	shalt  }
0x75: {  	_ =	shalt  }
0x76: {  	_ =	shalt  }
0x77: {  	_ =	shalt  }
0x78: {  	_ =	shalt  }
0x79: {  	_ =	shalt  }
0x7a: {  	_ =	shalt  }
0x7b: {  	_ =	shalt  }
0x7c: {  	_ =	shalt  }
0x7d: {  	_ =	shalt  }
0x7e: {  	_ =	shalt  }
0x7f: {  	_ =	shalt  }
0x80: {  	_ =	shalt  }
0x81: {  	_ =	shalt  }
0x82: {  	_ =	shalt  }
0x83: {  	_ =	shalt  }
0x84: {  	_ =	shalt  }
0x85: {  	_ =	shalt  }
0x86: {  	_ =	shalt  }
0x87: {  	_ =	shalt  }
.Lfunc_end0:
.L_simem_size_0:
called_computation_lowered:
.L_overlay_start_0:
0x88: {  	s2 =	sld [smem:$0x3FD9]  }
0x89: {  	s3 =	sld [smem:$0x3FFE];
	_ =	sdelay $0x1  }
0x8a: {  	s1 =	srdreg.scid  }
0x8b: {  	s0 =	sand.u32 $0x1, s1  }
0x8c: {  	s17 =	sshll.u32 s0, $0xA;
	s2 =	sadd.s32 s3, s2  }
0x8d: {  	s2 =	sadd.s32 s2, s17  }
0x8e: {  	[smem:$0x3FBF] =	sst s2  }
0x8f: {  	_ = 	snop  }
0x90: {  	(tm) =	ssettm $0x1  }
0x91: {  	s18 =	sld [smem:$0x3FFB];
	_ =	sdelay $0x3  }
0x92: {  	_ =	strace s18  }
0x93: {  	s2 =	sld [smem:$0x3FFC];
	_ =	sdelay $0x3  }
0x94: {  	_ =	strace s2  }
0x95: {  	s2 =	sld [smem:$0x3FFD];
	_ =	sdelay $0x3  }
0x96: {  	_ =	strace s2  }
0x97: {  	_ =	strace $0x8FFFFFFF  }
0x98: {  	s19 =	sld [smem:$0x3FDB];
	_ =	sdelay $0x1  }
0x99: {  	s20 =	simm.s32 $_scs_section_size  }
0x9a: {  	s4 =	simm.s32 $_size__tile_overlayer_lowered;
	s5 =	simm.s32 $_tile_overlayer_lowered  }
0x9b: {  	s6 =	simm.s32 $0x1BFF;
	s21 =	sshll.u32 s5, $0x1;
	s3 =	sadd.s32 s20, s19  }
0x9c: {  	s22 =	simm.s32 $0x0;
	s4 =	sshll.u32 s4, $0x1;
	s5 =	sadd.s32 s21, s3  }
0x9d: {  	[timem:s22], [sflag:s6] =	dma.local [hbm:s5], s4  }
0x9e: {  	_ =	swait.ge [sflag:s6], s4  }
0x9f: {  	s4 =	ssub.s32 $0x0, s4;
	[sflag:s6] =	ssyncset.done $0x0  }
0xa0: {  	[sflag:s6] =	ssyncadd.s32 s4;
	_ =	sdelay $0x1  }
0xa1: {  	s23 =	simm.s32 $0x1B8B  }
0xa2: {  	_ =	swait.ge [sflag:s23], $0x1  }
0xa3: {  	[sflag:s23] =	ssyncset.done $0x0  }
0xa4: {  	[sflag:s23] =	ssyncadd.s32 $0xFFFFFFFF  }
0xa5: {  	s4 =	sld [smem:$0x0]  }
0xa6: {  	s5 =	sand.u32 $0xFFFFFFFE, s1  }
0xa7: {  	p0 =	sne.s32 s1, s5  }
0xa8: {  	s5 =	sshll.u32 @p0 s5, $0xE  }
0xa9: {  	s5 =	sadd.s32 @p0 $0x11B8D, s5;
	s6 =	sshll.u32 @p0 s4, $0x11  }
0xaa: {  	s5 =	sor.u32 @p0 s6, s5  }
0xab: {  	[sflag:s5] =	ssyncadd.remote.s32 @p0 $0x1;
	_ =	sdelay $0x1  }
0xac: {  	s5 =	simm.s32 @p0 $0x1B8D  }
0xad: {  	_ =	swait.eq @p0 [sflag:s5], $0x1  }
0xae: {  	[sflag:s5] =	ssyncadd.s32 @p0 $0xFFFFFFFF  }
0xaf: {  	s6 =	sshll.u32 @!p0 s1, $0xE  }
0xb0: {  	s6 =	sor.u32 @!p0 $0x4000, s6;
	s5 =	simm.s32 @!p0 $0x1B8D  }
0xb1: {  	s4 =	sshll.u32 @!p0 s4, $0x11;
	s6 =	sadd.s32 @!p0 $0x11B8D, s6;
	_ =	swait.eq @!p0 [sflag:s5], $0x1  }
0xb2: {  	s4 =	sor.u32 @!p0 s4, s6;
	[sflag:s5] =	ssyncadd.s32 @!p0 $0xFFFFFFFF  }
0xb3: {  	s25 =	simm.s32 $0x1B8E;
	s24 =	sld [smem:$0x3FFE];
	[sflag:s4] =	ssyncadd.remote.s32 @!p0 $0x1  }
0xb4: {  	s26 =	simm.s32 $execute0_lowered;
	[smem:$0x3FD2] =	sst s25  }
0xb5: {  	s5 =	sshll.u32 s26, $0x1;
	_ =	strace $0x80000049;
	[dreg:$0x1] =	wrdreg $0xFFFFFFFF  }
0xb6: {  	s28 =	simm.s32 $_size_execute0_lowered;
	s3 =	sadd.s32 s3, s5;
	[dreg:$0x0] =	wrdreg $0x0  }
0xb7: {  	s5 =	sshll.u32 s28, $0x1;
	[dreg:$0x2] =	wrdreg s3  }
0xb8: {  	[dreg:$0x3] =	wrdreg s5  }
0xb9: {  	[dreg:$0x4] =	wrdreg $0xC0  }
0xba: {  	_ =	task [dreg:s22], $0x5FFFF  }
0xbb: {  	[dreg:$0x1] =	wrdreg $0xFFFFFFFF  }
0xbc: {  	[dreg:$0x0] =	wrdreg $0x60  }
0xbd: {  	[dreg:$0x2] =	wrdreg s24  }
0xbe: {  	[dreg:$0x3] =	wrdreg $0x90000  }
0xbf: {  	[dreg:$0x4] =	wrdreg $0x9  }
0xc0: {  	_ =	task.clear_ibuf [dreg:s22], $0x5FFFF;
	_ =	strace $0x90000049  }
0xc1: {  	s29 =	simm.s32 $0x9;
	_ =	strace $0x8000004B  }
0xc2: {  	_ =	swait.ge [sflag:s29], $0x1  }
0xc3: {  	[sflag:s29] =	ssyncadd.s32 $0xFFFFFFFF  }
0xc4: {  	_ =	strace $0x9000004B  }
0xc5: {  	_ =	sfence  }
0xc6: {  	s30 =	sld [smem:$0x0];
	_ =	sdelay $0x2  }
0xc7: {  	s31 =	sshll.u32 s1, $0xD;
	s1 =	sshrl.u32 s1, $0x2  }
0xc8: {  	s4 =	sand.u32 $0x4000, s31;
	s1 =	sadd.s32 s1, s30  }
0xc9: {  	s0 =	sor.u32 s4, s0;
	s1 =	sshll.u32 s1, $0x11  }
0xca: {  	s0 =	sor.u32 s1, s0  }
0xcb: {  	s0 =	sadd.s32 $0x8F2B, s0  }
0xcc: {  	[sflag:s0] =	ssyncadd.remote.s32 $0x1  }
0xcd: {  	_ =	sfence.sel $0xFFFF  }
0xce: {  	[dreg:$0x0] =	wrdreg $0xFFFFFFFF;
	(pc) =	sbr.abs _section_cstart, $3  }
0xcf: {  	[dreg:$0x1] =	wrdreg $0xFFFFFFFF  }
0xd0: {  	_ =	task.clear_ibuf [dreg:s22], $0x2FFFF;
	_ =	strace $0x9FFFFFFF  }
0xd1: {  	(tm) =	ssettm $0x7FFFFFFF  }
tec
execute0_lowered:
.L_overlay_start_1:
0x0: {  	(tag) =	ssettag $0x1  }
0x1: {  	s4 =	rddreg [dreg:$0x0]  }
0x2: {  	s0 =	srdreg.scid;
	s2 =	rddreg [dreg:$0x1]  }
0x3: {  	s1 =	stileid.u32;
	s3 =	simm.s32 $0x0;
	s15 =	simm.s32 $0x2  }
0x4: {  	s16 =	simm.s32 $0x4000;
	s17 =	simm.s32 $0x50;
	s18 =	simm.s32 $0x6800  }
0x5: {  	s19 =	simm.s32 $0x80;
	s20 =	simm.s32 $0x100;
	s21 =	simm.s32 $0x180  }
0x6: {  	s22 =	simm.s32 $0x1;
	s5 =	sand.u32 $0x1, s0;
	s0 =	rddreg [dreg:$0x2]  }
0x7: {  	s24 =	simm.s32 $0x0;
	s7 =	smul.u32 $0x13C00, s1;
	[smem:$0x7FF] =	sst s3  }
0x8: {  	s8 =	smul.u32 $0x4F000, s1;
	s30 =	sshll.u32 s1, $0xC;
	s23 =	sshll.u32 s1, $0x6  }
0x9: {  	s6 =	smul.u32 $0x13C000, s5;
	_ =	strace $0x8000004A;
	s29 =	ssub.s32 $0x2, s5  }
0xa: {  	s28 =	sshll.u32 s5, $0xB;
	s23 =	sor.u32 $0x1C02, s23;
	s5 =	sshrl.u32 s29, $0x1  }
0xb: {  	s8 =	sshrl.u32 s8, $0x2;
	s6 =	sadd.s32 s7, s6;
	s7 =	sadd.s32 s28, s4  }
0xc: {  	s14 =	ssub.s32 s29, s5;
	s6 =	sshrl.u32 s6, $0x3;
	s31 =	sadd.s32 s30, s7  }
0xd: {  	s14 =	smax.u32 s14, $0x1;
	s13 =	sadd.s32 s6, s4;
	s4 =	sadd.s32 s8, s2  }
0xe: {  	s5 =	sadd.s32 $0xCC00, s31;
	s6 =	sadd.s32 $0x2800, s4;
	s7 =	sadd.s32 $0x5000, s4  }
0xf: {  	s8 =	sadd.s32 $0x7800, s4;
	s9 =	sadd.s32 $0xA000, s4;
	s10 =	sadd.s32 $0xC800, s4  }
0x10: {  	v0 =	vimm.f32 $0.0e+00;
	v1 =	vimm.f32 $1.000000000e+00;
	s11 =	sadd.s32 $0xF000, s4;
	s12 =	sadd.s32 $0x11800, s4;
	s13 =	sadd.s32 $0x6BC00, s13  }
.LBB2_1:
0x11: {  	[tilespmem:s3], [sflag:$0x2] =	stream.linear.gather [hbm4b:s5+s3], $0x3E80, $0x38;
	[tilespmem:$0x1CC00] =	vst v63  }
0x12: {  	_ =	swait.ge [sflag:s15], $0x3E80  }
0x13: {  	[sflag:s15] =	ssyncset.done $0x0  }
0x14: {  	s25 =	simm.s32 $0x0;
	s26 =	simm.s32 $0x200;
	[sflag:s15] =	ssyncadd.s32 $0xFFFFC180  }
.LBB2_2:
0x15: {  	p0 =	sne.s32 s26, $0x9E00;
	[tilespmem:s25+$0x6870] =	vst v1  }
0x16: {  	[tilespmem:s25+$0x4000] =	vst v0  }
0x17: {  	[tilespmem:s25+$0x6800] =	vst v1  }
0x18: {  	[tilespmem:s25+$0x4010] =	vst v0  }
0x19: {  	[tilespmem:s25+$0x6810] =	vst v1  }
0x1a: {  	[tilespmem:s25+$0x4020] =	vst v0  }
0x1b: {  	[tilespmem:s25+$0x6820] =	vst v1  }
0x1c: {  	[tilespmem:s25+$0x4030] =	vst v0  }
0x1d: {  	[tilespmem:s25+$0x6830] =	vst v1  }
0x1e: {  	[tilespmem:s25+$0x4040] =	vst v0  }
0x1f: {  	[tilespmem:s25+$0x6840] =	vst v1  }
.Ltmp0:
0x20: {  	[tilespmem:s25+$0x4050] =	vst v0;
	(pc) =	sbr.rel @p0 .LBB2_2-.Ltmp0, $4  }
0x21: {  	[tilespmem:s25+$0x6850] =	vst v1  }
0x22: {  	[tilespmem:s25+$0x4060] =	vst v0  }
0x23: {  	[tilespmem:s25+$0x6860] =	vst v1  }
0x24: {  	[tilespmem:s25+$0x4070] =	vst v0;
	s25 =	sshra.s32 s26, $0x2;
	s26 =	sadd.s32 $0x200, s26  }
0x25: {  	[tilespmem:s25+$0x6870] =	vst v1  }
0x26: {  	[tilespmem:s25+$0x4000] =	vst v0  }
0x27: {  	[tilespmem:s25+$0x6800] =	vst v1  }
0x28: {  	[tilespmem:s25+$0x4010] =	vst v0  }
0x29: {  	[tilespmem:s25+$0x6810] =	vst v1  }
0x2a: {  	[tilespmem:s25+$0x4020] =	vst v0  }
0x2b: {  	[tilespmem:s25+$0x6820] =	vst v1  }
0x2c: {  	[tilespmem:s25+$0x4030] =	vst v0  }
0x2d: {  	[tilespmem:s25+$0x6830] =	vst v1  }
0x2e: {  	[tilespmem:s25+$0x4040] =	vst v0  }
0x2f: {  	[tilespmem:s25+$0x6840] =	vst v1  }
0x30: {  	[tilespmem:s25+$0x4050] =	vst v0  }
0x31: {  	[tilespmem:s25+$0x6850] =	vst v1  }
0x32: {  	[tilespmem:s25+$0x4060] =	vst v0  }
0x33: {  	[tilespmem:s25+$0x6860] =	vst v1  }
0x34: {  	[tilespmem:s25+$0x4070] =	vst v0  }
0x35: {  	[spmem:s4] =	stream.linear.scatter [tilespmem:s16], [sflag:$0x2], $0x2800, $0x38;
	[tilespmem:$0x1CC00] =	vst v63  }
0x36: {  	_ =	swait.ge [sflag:s15], $0x2800  }
0x37: {  	[sflag:s15] =	ssyncset.done $0x0  }
0x38: {  	[sflag:s15] =	ssyncadd.s32 $0xFFFFD800  }
0x39: {  	[spmem:s6] =	stream.linear.scatter [tilespmem:s16], [sflag:$0x2], $0x2800, $0x38;
	[tilespmem:$0x1CC00] =	vst v63  }
0x3a: {  	_ =	swait.ge [sflag:s15], $0x2800  }
0x3b: {  	[sflag:s15] =	ssyncset.done $0x0  }
0x3c: {  	[sflag:s15] =	ssyncadd.s32 $0xFFFFD800  }
0x3d: {  	[spmem:s7] =	stream.linear.scatter [tilespmem:s16], [sflag:$0x2], $0x2800, $0x38;
	[tilespmem:$0x1CC00] =	vst v63  }
0x3e: {  	_ =	swait.ge [sflag:s15], $0x2800  }
0x3f: {  	[sflag:s15] =	ssyncset.done $0x0  }
0x40: {  	[sflag:s15] =	ssyncadd.s32 $0xFFFFD800  }
0x41: {  	[spmem:s8] =	stream.linear.scatter [tilespmem:s16], [sflag:$0x2], $0x2800, $0x38;
	[tilespmem:$0x1CC00] =	vst v63  }
0x42: {  	_ =	swait.ge [sflag:s15], $0x2800  }
0x43: {  	[sflag:s15] =	ssyncset.done $0x0  }
0x44: {  	[sflag:s15] =	ssyncadd.s32 $0xFFFFD800  }
0x45: {  	[spmem:s9] =	stream.linear.scatter [tilespmem:s16], [sflag:$0x2], $0x2800, $0x38;
	[tilespmem:$0x1CC00] =	vst v63  }
0x46: {  	_ =	swait.ge [sflag:s15], $0x2800  }
0x47: {  	[sflag:s15] =	ssyncset.done $0x0  }
0x48: {  	[sflag:s15] =	ssyncadd.s32 $0xFFFFD800  }
0x49: {  	[spmem:s10] =	stream.linear.scatter [tilespmem:s16], [sflag:$0x2], $0x2800, $0x38;
	[tilespmem:$0x1CC00] =	vst v63  }
0x4a: {  	_ =	swait.ge [sflag:s15], $0x2800  }
0x4b: {  	[sflag:s15] =	ssyncset.done $0x0  }
0x4c: {  	[sflag:s15] =	ssyncadd.s32 $0xFFFFD800  }
0x4d: {  	[spmem:s11] =	stream.linear.scatter [tilespmem:s16], [sflag:$0x2], $0x2800, $0x38;
	[tilespmem:$0x1CC00] =	vst v63  }
0x4e: {  	_ =	swait.ge [sflag:s15], $0x2800  }
0x4f: {  	[sflag:s15] =	ssyncset.done $0x0  }
0x50: {  	[sflag:s15] =	ssyncadd.s32 $0xFFFFD800  }
0x51: {  	[spmem:s12] =	stream.linear.scatter [tilespmem:s16], [sflag:$0x2], $0x2400, $0x38;
	[tilespmem:$0x1CC00] =	vst v63  }
0x52: {  	_ =	swait.ge [sflag:s15], $0x2400  }
0x53: {  	[sflag:s15] =	ssyncset.done $0x0  }
0x54: {  	[sflag:s15] =	ssyncadd.s32 $0xFFFFDC00  }
0x55: {  	[bflag:$0x0] =	sbarrier.arrive $0xFFFF  }
0x56: {  	[spmem:s2] =	stream.indirect.scatter.add.f32 [tilespmem:s18], [sflag:$0x1], $0x80, s3, s17, $0xb8;
	[tilespmem:$0x1CC00] =	vst v63  }
0x57: {  	_ = 	snop  }
0x58: {  	[spmem:s2] =	stream.indirect.scatter.add.f32 [tilespmem:s18], [sflag:$0x1], $0x80, s19, s17, $0xb8;
	[tilespmem:$0x1CC00] =	vst v63  }
0x59: {  	_ = 	snop  }
0x5a: {  	[spmem:s2] =	stream.indirect.scatter.add.f32 [tilespmem:s18], [sflag:$0x1], $0x80, s20, s17, $0xb8;
	[tilespmem:$0x1CC00] =	vst v63  }
0x5b: {  	_ = 	snop  }
0x5c: {  	[spmem:s2] =	stream.indirect.scatter.add.f32 [tilespmem:s18], [sflag:$0x1], $0x80, s21, s17, $0xb8;
	[tilespmem:$0x1CC00] =	vst v63  }
0x5d: {  	_ =	swait.ge [sflag:s22], $0x2800  }
0x5e: {  	[sflag:s22] =	ssyncset.done $0x0  }
0x5f: {  	s25 =	simm.s32 $0xA00;
	s26 =	simm.s32 $0x200;
	[sflag:s22] =	ssyncadd.s32 $0xFFFFD800  }
.LBB2_4:
0x60: {  	[spmem:s2] =	stream.indirect.scatter.add.f32 [tilespmem:s18], [sflag:$0x1], $0x80, s26, s17, $0xb8;
	[tilespmem:$0x1CC00] =	vst v63  }
0x61: {  	s26 =	smov.u32 s25;
	p0 =	sne.s32 s25, $0xF800  }
.Ltmp1:
0x62: {  	s25 =	sadd.s32 $0x200, s25;
	(pc) =	sbr.rel @p0 .LBB2_4-.Ltmp1, $4  }
0x63: {  	_ = 	snop  }
0x64: {  	_ =	swait.ge [sflag:s22], $0x2800  }
0x65: {  	[sflag:s22] =	ssyncset.done $0x0  }
0x66: {  	s26 =	sshra.s32 s26, $0x2;
	[sflag:s22] =	ssyncadd.s32 $0xFFFFD800  }
0x67: {  	[spmem:s2] =	stream.indirect.scatter.add.f32 [tilespmem:s18], [sflag:$0x1], $0x80, s26, s17, $0xb8;
	[tilespmem:$0x1CC00] =	vst v63  }
0x68: {  	_ =	swait.ge [sflag:s22], $0x2800  }
0x69: {  	[sflag:s22] =	ssyncset.done $0x0  }
0x6a: {  	[sflag:s22] =	ssyncadd.s32 $0xFFFFD800  }
0x6b: {  	_ =	swait.ge [sflag:s22], $0x2800  }
0x6c: {  	[sflag:s22] =	ssyncset.done $0x0  }
0x6d: {  	[sflag:s22] =	ssyncadd.s32 $0xFFFFD800  }
0x6e: {  	_ =	swait.ge [sflag:s22], $0x2800  }
0x6f: {  	[sflag:s22] =	ssyncset.done $0x0  }
0x70: {  	[sflag:s22] =	ssyncadd.s32 $0xFFFFD800  }
0x71: {  	_ =	swait.ge [sflag:s22], $0x2800  }
0x72: {  	s24 =	sadd.s32 $0x1, s24;
	[sflag:s22] =	ssyncset.done $0x0  }
0x73: {  	p0 =	sne.s32 s24, s14;
	[sflag:s22] =	ssyncadd.s32 $0xFFFFD800  }
.Ltmp2:
0x74: {  	s25 =	sshrl.u32 s4, $0x3;
	[bflag:$0x0] =	sbarrier.arrive $0xFFFF;
	(pc) =	sbr.rel @p0 .LBB2_1-.Ltmp2, $4  }
0x75: {  	[hbm:s13], [sflag:s23] =	dma.local [spmem:s25], $0x2780  }
0x76: {  	_ =	swait.ge [sflag:s15], $0x2780  }
0x77: {  	[sflag:s15] =	ssyncset.done $0x0  }
0x78: {  	[sflag:s15] =	ssyncadd.s32 $0xFFFFD880  }
0x79: {  	_ =	sfence.sel $0x180000  }
0x7a: {  	[bflag:$0x0] =	sbarrier.arrive $0xFFFF  }
0x7b: {  	p0 =	sne.s32 s1, $0x0;
	_ =	strace $0x9000004A  }
0x7c: {  	s0 =	sadd.s32 @!p0 $0x100000, s0;
	[bflag:$0x2] =	sbarrier.arrive $0xFFFF  }
0x7d: {  	[sflag:s0] =	ssyncadd.tile.s32 @!p0 $0x1;
	_ =	shalt  }
.Lfunc_end2:
_tile_overlayer_lowered:
.L_overlay_start_2:
0x7e: {  	(tag) =	ssettag $0x2  }
0x7f: {  	s0 =	rddreg [dreg:$0x0];
	s2 =	stileid.u32  }
0x80: {  	s1 =	rddreg [dreg:$0x1];
	p0 =	sne.s32 s2, $0x0  }
0x81: {  	s3 =	rddreg [dreg:$0x2];
	[bflag:$0x3] =	sbarrier.arrive $0xFFFF;
	s2 =	simm.s32 @!p0 $0x1C02  }
0x82: {  	[timem:s3], [sflag:s2] =	dma.local @!p0 [hbm:s0], s1  }
0x83: {  	s0 =	simm.s32 @!p0 $0x2  }
0x84: {  	_ =	swait.ge @!p0 [sflag:s0], s1  }
0x85: {  	s1 =	ssub.s32 @!p0 $0x0, s1;
	[sflag:s0] =	ssyncset.done @!p0 $0x0  }
0x86: {  	[sflag:s0] =	ssyncadd.s32 @!p0 s1  }
0x87: {  	[bflag:$0x3] =	sbarrier.arrive $0xFFFF  }
0x88: {  	_ =	shalt  }

// kernel: kernel.13.cloned.1.call-start
scs
__scs_entry_jumppad:
0x0: {  	(pc) =	sbr.rel $0x88, $3  }
0x1: {  	(tag) =	ssettag $0x0;
	lr =	simm.s32 $0x1  }
0x2: {  	[smem:$0x3F98] =	sst lr;
	_ =	strace $0xD0000000  }
0x3: {  	_ = 	snop  }
0x4: {  	_ = 	snop  }
0x5: {  	_ = 	snop  }
0x6: {  	_ = 	snop  }
0x7: {  	_ = 	snop  }
__scs_overlays_trampoline_lowered:
0x8: {  	[smem:$0x3FA7] =	sst s0  }
0x9: {  	[smem:$0x3FA8] =	sst s1  }
0xa: {  	[smem:$0x3FA9] =	sst s2  }
0xb: {  	[smem:$0x3FAA] =	sst s3  }
0xc: {  	[smem:$0x3FAB] =	sst s4  }
0xd: {  	[smem:$0x3FAC] =	sst s5  }
0xe: {  	[smem:$0x3FAD] =	sst s6  }
0xf: {  	[smem:$0x3FAE] =	sst s7  }
0x10: {  	[smem:$0x3FAF] =	sst s8  }
0x11: {  	[smem:$0x3FB0] =	sst s9;
	s0 =	simm.s32 @!p0 $0x0  }
0x12: {  	s1 =	sld [smem:$0x3F96];
	s0 =	simm.s32 @p0 $0x1  }
0x13: {  	[smem:$0x3FB1] =	sst s0;
	s0 =	simm.s32 @!p1 $0x0  }
0x14: {  	s2 =	sld [smem:$0x3F95];
	s0 =	simm.s32 @p1 $0x1  }
0x15: {  	[smem:$0x3FB2] =	sst s0;
	s0 =	simm.s32 @!p2 $0x0  }
0x16: {  	s3 =	sld [smem:$0x3FDB];
	s0 =	simm.s32 @p2 $0x1  }
0x17: {  	s4 =	simm.s32 $0x1BF5;
	[smem:$0x3FB4] =	sst s0  }
0x18: {  	s0 =	sld [smem:$0x3F97];
	_ =	swait.ge [sflag:s4], $0x0  }
0x19: {  	s7 =	sld [smem:$0x3F98]  }
0x1a: {  	s8 =	sadd.s32 $0xFFFFE003, lr  }
0x1b: {  	s9 =	sadd.s32 $0xFFFFFEF7, lr;
	s5 =	simm.s32 $0xFFFFFFFF;
	p2 =	slt.u32 s8, $0xFFFFF086  }
0x1c: {  	p1 =	slt.u32 s9, $0xF7A;
	s5 =	simm.s32 @!p2 $0x0  }
0x1d: {  	s5 =	simm.s32 @p1 $0x1;
	p0 =	seq.s32 s7, s2  }
0x1e: {  	s7 =	smul.u32 @!p0 $0xF7A, s2;
	p2 =	seq.s32 @!p0 s5, $0x0  }
0x1f: {  	s9 =	smul.u32 $0xF7A, s1;
	s8 =	simm.s32 @!p0 $0x1BF5;
	p2 =	por !p2, p0  }
0x20: {  	[sflag:s8] =	ssyncset.s32 @!p0 $0xFFFFF086;
	s6 =	sadd.s32 @!p0 s3, s7;
	s7 =	simm.s32 @!p0 $0x108  }
0x21: {  	s3 =	sadd.s32 s3, s9;
	s6 =	sadd.s32 @!p0 $0x88, s6;
	s7 =	simm.s32 @p2 $0x1082  }
0x22: {  	[simem:s7], [sflag:s8] =	dma.local @!p0 [hbm:s6], $0xF7A  }
0x23: {  	s9 =	sor.u32 $0xD0000000, s2;
	s6 =	simm.s32 $0x108;
	_ =	swait.ge @!p0 [sflag:s8], $0x0  }
0x24: {  	s3 =	sadd.s32 $0x88, s3;
	s6 =	simm.s32 @!p1 $0x1082;
	[sflag:s4] =	ssyncset.s32 $0xFFFFF086  }
0x25: {  	[simem:s6], [sflag:s4] =	dma.local [hbm:s3], $0xF7A  }
0x26: {  	[smem:$0x3F98] =	sst s1;
	(tag) =	ssettag s2;
	_ =	strace s9  }
0x27: {  	s1 =	sld [smem:$0x3FA8]  }
0x28: {  	s2 =	sld [smem:$0x3FA9]  }
0x29: {  	s4 =	sld [smem:$0x3FAB]  }
0x2a: {  	p0 =	seq.s32 s5, $0x0;
	s5 =	sld [smem:$0x3FAC]  }
0x2b: {  	s6 =	sld [smem:$0x3FAD]  }
0x2c: {  	s7 =	sld [smem:$0x3FAE]  }
0x2d: {  	s3 =	simm.s32 $0x108;
	s8 =	sld [smem:$0x3FAF]  }
0x2e: {  	s3 =	simm.s32 @!p0 $0x1082;
	s9 =	sld [smem:$0x3FB0]  }
0x2f: {  	lr =	sadd.s32 s0, s3;
	s0 =	sld [smem:$0x3FA7]  }
0x30: {  	s3 =	sld [smem:$0x3FAA]  }
0x31: {  	[smem:$0x3FB3] =	sst s10  }
0x32: {  	s10 =	sld [smem:$0x3FB1];
	_ =	sdelay $0x3  }
0x33: {  	p0 =	seq.s32 s10, $0x1;
	s10 =	sld [smem:$0x3FB3];
	_ =	sdelay $0x3  }
0x34: {  	[smem:$0x3FB3] =	sst s10  }
0x35: {  	s10 =	sld [smem:$0x3FB2];
	_ =	sdelay $0x3  }
0x36: {  	p1 =	seq.s32 s10, $0x1;
	s10 =	sld [smem:$0x3FB3];
	_ =	sdelay $0x3  }
0x37: {  	[smem:$0x3FB3] =	sst s10  }
0x38: {  	s10 =	sld [smem:$0x3FB4]  }
0x39: {  	_ = 	snop;
	(pc) =	sbr.ind lr, $3  }
0x3a: {  	_ = 	snop  }
0x3b: {  	_ = 	snop  }
0x3c: {  	p2 =	seq.s32 s10, $0x1;
	s10 =	sld [smem:$0x3FB3]  }
0x3d: {  	_ =	shalt  }
0x3e: {  	_ =	shalt  }
0x3f: {  	_ =	shalt  }
0x40: {  	_ =	shalt  }
0x41: {  	_ =	shalt  }
0x42: {  	_ =	shalt  }
0x43: {  	_ =	shalt  }
0x44: {  	_ =	shalt  }
0x45: {  	_ =	shalt  }
0x46: {  	_ =	shalt  }
0x47: {  	_ =	shalt  }
0x48: {  	_ =	shalt  }
0x49: {  	_ =	shalt  }
0x4a: {  	_ =	shalt  }
0x4b: {  	_ =	shalt  }
0x4c: {  	_ =	shalt  }
0x4d: {  	_ =	shalt  }
0x4e: {  	_ =	shalt  }
0x4f: {  	_ =	shalt  }
0x50: {  	_ =	shalt  }
0x51: {  	_ =	shalt  }
0x52: {  	_ =	shalt  }
0x53: {  	_ =	shalt  }
0x54: {  	_ =	shalt  }
0x55: {  	_ =	shalt  }
0x56: {  	_ =	shalt  }
0x57: {  	_ =	shalt  }
0x58: {  	_ =	shalt  }
0x59: {  	_ =	shalt  }
0x5a: {  	_ =	shalt  }
0x5b: {  	_ =	shalt  }
0x5c: {  	_ =	shalt  }
0x5d: {  	_ =	shalt  }
0x5e: {  	_ =	shalt  }
0x5f: {  	_ =	shalt  }
0x60: {  	_ =	shalt  }
0x61: {  	_ =	shalt  }
0x62: {  	_ =	shalt  }
0x63: {  	_ =	shalt  }
0x64: {  	_ =	shalt  }
0x65: {  	_ =	shalt  }
0x66: {  	_ =	shalt  }
0x67: {  	_ =	shalt  }
0x68: {  	_ =	shalt  }
0x69: {  	_ =	shalt  }
0x6a: {  	_ =	shalt  }
0x6b: {  	_ =	shalt  }
0x6c: {  	_ =	shalt  }
0x6d: {  	_ =	shalt  }
0x6e: {  	_ =	shalt  }
0x6f: {  	_ =	shalt  }
0x70: {  	_ =	shalt  }
0x71: {  	_ =	shalt  }
0x72: {  	_ =	shalt  }
0x73: {  	_ =	shalt  }
0x74: {  	_ =	shalt  }
0x75: {  	_ =	shalt  }
0x76: {  	_ =	shalt  }
0x77: {  	_ =	shalt  }
0x78: {  	_ =	shalt  }
0x79: {  	_ =	shalt  }
0x7a: {  	_ =	shalt  }
0x7b: {  	_ =	shalt  }
0x7c: {  	_ =	shalt  }
0x7d: {  	_ =	shalt  }
0x7e: {  	_ =	shalt  }
0x7f: {  	_ =	shalt  }
0x80: {  	_ =	shalt  }
0x81: {  	_ =	shalt  }
0x82: {  	_ =	shalt  }
0x83: {  	_ =	shalt  }
0x84: {  	_ =	shalt  }
0x85: {  	_ =	shalt  }
0x86: {  	_ =	shalt  }
0x87: {  	_ =	shalt  }
.Lfunc_end0:
.L_simem_size_0:
called_computation.1_lowered:
.L_overlay_start_0:
0x88: {  	s2 =	sld [smem:$0x3FD9]  }
0x89: {  	s3 =	sld [smem:$0x3FFE];
	_ =	sdelay $0x1  }
0x8a: {  	s1 =	srdreg.scid  }
0x8b: {  	s0 =	sand.u32 $0x1, s1  }
0x8c: {  	s17 =	sshll.u32 s0, $0xA;
	s2 =	sadd.s32 s3, s2  }
0x8d: {  	s2 =	sadd.s32 s2, s17  }
0x8e: {  	[smem:$0x3FBF] =	sst s2  }
0x8f: {  	_ = 	snop  }
0x90: {  	s2 =	sld [smem:$0x3FD0];
	(tm) =	ssettm $0x1  }
0x91: {  	s18 =	sld [smem:$0x3FFB];
	_ =	sdelay $0x3  }
0x92: {  	_ =	strace s18  }
0x93: {  	s3 =	sld [smem:$0x3FFC];
	_ =	sdelay $0x3  }
0x94: {  	_ =	strace s3  }
0x95: {  	s3 =	sld [smem:$0x3FFD];
	_ =	sdelay $0x3  }
0x96: {  	_ =	strace s3  }
0x97: {  	_ =	strace $0x8FFFFFFF  }
0x98: {  	s19 =	sld [smem:$0x3FDB];
	_ =	sdelay $0x1  }
0x99: {  	s4 =	simm.s32 $_scs_section_size  }
0x9a: {  	s5 =	simm.s32 $_size__tile_overlayer_lowered;
	s6 =	simm.s32 $_tile_overlayer_lowered  }
0x9b: {  	s22 =	simm.s32 $0x1BFF;
	s21 =	sshll.u32 s6, $0x1;
	s3 =	sadd.s32 s4, s19  }
0x9c: {  	s7 =	simm.s32 $0x0;
	s20 =	sshll.u32 s5, $0x1;
	s5 =	sadd.s32 s21, s3  }
0x9d: {  	[timem:s7], [sflag:s22] =	dma.local [hbm:s5], s20  }
0x9e: {  	_ =	swait.ge [sflag:s22], s20  }
0x9f: {  	s4 =	ssub.s32 $0x0, s20;
	[sflag:s22] =	ssyncset.done $0x0  }
0xa0: {  	[sflag:s22] =	ssyncadd.s32 s4;
	_ =	sdelay $0x1  }
0xa1: {  	s23 =	simm.s32 $0x1B8B  }
0xa2: {  	_ =	swait.ge [sflag:s23], $0x1  }
0xa3: {  	[sflag:s23] =	ssyncset.done $0x0  }
0xa4: {  	s25 =	simm.s32 $0x1B8E;
	s24 =	sld [smem:$0x3FFE];
	[sflag:s23] =	ssyncadd.s32 $0xFFFFFFFF  }
0xa5: {  	s26 =	simm.s32 $execute0_lowered;
	[smem:$0x3FD2] =	sst s25  }
0xa6: {  	s5 =	sshll.u32 s26, $0x1;
	_ =	strace $0x80000046;
	[dreg:$0x1] =	wrdreg $0xFFFFFFFF  }
0xa7: {  	s28 =	simm.s32 $_size_execute0_lowered;
	s3 =	sadd.s32 s3, s5;
	[dreg:$0x0] =	wrdreg $0x0  }
0xa8: {  	s5 =	sshll.u32 s28, $0x1;
	[dreg:$0x2] =	wrdreg s3  }
0xa9: {  	[dreg:$0x3] =	wrdreg s5  }
0xaa: {  	[dreg:$0x4] =	wrdreg $0xC0  }
0xab: {  	_ =	task [dreg:s7], $0x5FFFF  }
0xac: {  	[dreg:$0x1] =	wrdreg $0xFFFFFFFF  }
0xad: {  	[dreg:$0x0] =	wrdreg $0x60  }
0xae: {  	[dreg:$0x2] =	wrdreg s2  }
0xaf: {  	[dreg:$0x3] =	wrdreg s24  }
0xb0: {  	[dreg:$0x4] =	wrdreg $0xB7800  }
0xb1: {  	[dreg:$0x5] =	wrdreg $0xA  }
0xb2: {  	_ =	task.clear_ibuf [dreg:s7], $0x6FFFF;
	_ =	strace $0x90000046  }
0xb3: {  	s29 =	simm.s32 $0xA;
	_ =	strace $0x80000048  }
0xb4: {  	_ =	swait.ge [sflag:s29], $0x1  }
0xb5: {  	[sflag:s29] =	ssyncadd.s32 $0xFFFFFFFF  }
0xb6: {  	_ =	strace $0x90000048  }
0xb7: {  	_ =	sfence  }
0xb8: {  	s30 =	sld [smem:$0x0];
	_ =	sdelay $0x2  }
0xb9: {  	s31 =	sshll.u32 s1, $0xD;
	s1 =	sshrl.u32 s1, $0x2  }
0xba: {  	s3 =	sand.u32 $0x4000, s31;
	s1 =	sadd.s32 s1, s30  }
0xbb: {  	s0 =	sor.u32 s3, s0;
	s1 =	sshll.u32 s1, $0x11  }
0xbc: {  	s0 =	sor.u32 s1, s0  }
0xbd: {  	s0 =	sadd.s32 $0x8F2B, s0  }
0xbe: {  	[sflag:s0] =	ssyncadd.remote.s32 $0x1  }
0xbf: {  	_ =	sfence.sel $0xFFFF  }
0xc0: {  	[dreg:$0x0] =	wrdreg $0xFFFFFFFF;
	(pc) =	sbr.abs _section_cstart, $3  }
0xc1: {  	[dreg:$0x1] =	wrdreg $0xFFFFFFFF  }
0xc2: {  	_ =	task.clear_ibuf [dreg:s7], $0x2FFFF;
	_ =	strace $0x9FFFFFFF  }
0xc3: {  	(tm) =	ssettm $0x7FFFFFFF  }
tec
execute0_lowered:
.L_overlay_start_1:
0x0: {  	(tag) =	ssettag $0x1  }
0x1: {  	s1 =	rddreg [dreg:$0x0]  }
0x2: {  	s2 =	srdreg.scid;
	s6 =	rddreg [dreg:$0x1]  }
0x3: {  	s0 =	stileid.u32;
	s3 =	rddreg [dreg:$0x2]  }
0x4: {  	s4 =	simm.s32 $0x0;
	s17 =	simm.s32 $0x3;
	s18 =	simm.s32 $0x2780  }
0x5: {  	s19 =	simm.s32 $0x6780;
	s20 =	simm.s32 $0x50;
	s21 =	simm.s32 $0x8F80  }
0x6: {  	s22 =	simm.s32 $0x1;
	s23 =	simm.s32 $0x2;
	s24 =	simm.s32 $0x6580  }
0x7: {  	s25 =	simm.s32 $0x0;
	s5 =	sand.u32 $0x1, s2;
	s10 =	smul.u32 $0x13C00, s0  }
0x8: {  	s29 =	sshll.u32 s0, $0x1;
	s2 =	rddreg [dreg:$0x3];
	s30 =	smul.u32 $0x4F000, s0  }
0x9: {  	[smem:$0x7FF] =	sst s4;
	s7 =	sor.u32 s5, s29;
	s9 =	smul.u32 $0x13C000, s5  }
0xa: {  	_ =	strace $0x80000047;
	s5 =	ssub.s32 $0x2, s5;
	s8 =	smul.u32 $0x4E2, s7  }
0xb: {  	s7 =	sshll.u32 s7, $0xB;
	s11 =	sshrl.u32 s5, $0x1;
	s31 =	sshrl.u32 s30, $0x2  }
0xc: {  	s9 =	sadd.s32 s10, s9;
	s7 =	sadd.s32 s7, s6;
	s16 =	ssub.s32 s5, s11  }
0xd: {  	s8 =	sadd.s32 s8, s6;
	s9 =	sshrl.u32 s9, $0x3;
	s16 =	smax.u32 s16, $0x1  }
0xe: {  	s15 =	sadd.s32 s9, s6;
	s6 =	sadd.s32 $0xCC00, s7;
	s7 =	sadd.s32 s31, s3  }
0xf: {  	s5 =	sadd.s32 $0x2E00, s8;
	s8 =	sadd.s32 $0x2800, s7;
	s9 =	sadd.s32 $0x5000, s7  }
0x10: {  	s10 =	sadd.s32 $0x7800, s7;
	s11 =	sadd.s32 $0xA000, s7;
	s12 =	sadd.s32 $0xC800, s7  }
0x11: {  	v0 =	vimm.f32 $0.0e+00;
	s13 =	sadd.s32 $0xF000, s7;
	s14 =	sadd.s32 $0x11800, s7;
	s15 =	sadd.s32 $0x1CC00, s15  }
.LBB2_1:
0x12: {  	[tilespmem:s4], [sflag:$0x3] =	stream.linear.gather [hbm4b:s5+s4], $0x2710, $0x38;
	[tilespmem:$0x1F380] =	vst v63  }
0x13: {  	_ =	swait.ge [sflag:s17], $0x2710  }
0x14: {  	[sflag:s17] =	ssyncset.done $0x0  }
0x15: {  	[sflag:s17] =	ssyncadd.s32 $0xFFFFD8F0  }
0x16: {  	[tilespmem:s18], [sflag:$0x3] =	stream.linear.gather [hbm4b:s6+s4], $0x3E80, $0x38;
	[tilespmem:$0x1F380] =	vst v63  }
0x17: {  	_ =	swait.ge [sflag:s17], $0x3E80  }
0x18: {  	[sflag:s17] =	ssyncset.done $0x0  }
0x19: {  	s26 =	simm.s32 $0x0;
	s28 =	simm.s32 $0x200;
	[sflag:s17] =	ssyncadd.s32 $0xFFFFC180  }
.LBB2_2:
0x1a: {  	p0 =	sne.s32 s28, $0x9E00;
	[tilespmem:s26+$0x67F0] =	vst v0  }
0x1b: {  	[tilespmem:s26+$0x6780] =	vst v0  }
0x1c: {  	[tilespmem:s26+$0x6790] =	vst v0  }
.Ltmp0:
0x1d: {  	[tilespmem:s26+$0x67A0] =	vst v0;
	(pc) =	sbr.rel @p0 .LBB2_2-.Ltmp0, $4  }
0x1e: {  	[tilespmem:s26+$0x67B0] =	vst v0  }
0x1f: {  	[tilespmem:s26+$0x67C0] =	vst v0  }
0x20: {  	[tilespmem:s26+$0x67D0] =	vst v0  }
0x21: {  	[tilespmem:s26+$0x67E0] =	vst v0;
	s26 =	sshra.s32 s28, $0x2;
	s28 =	sadd.s32 $0x200, s28  }
0x22: {  	[tilespmem:s26+$0x67F0] =	vst v0  }
0x23: {  	[tilespmem:s26+$0x6780] =	vst v0  }
0x24: {  	[tilespmem:s26+$0x6790] =	vst v0  }
0x25: {  	[tilespmem:s26+$0x67A0] =	vst v0  }
0x26: {  	[tilespmem:s26+$0x67B0] =	vst v0  }
0x27: {  	[tilespmem:s26+$0x67C0] =	vst v0  }
0x28: {  	[tilespmem:s26+$0x67D0] =	vst v0  }
0x29: {  	[tilespmem:s26+$0x67E0] =	vst v0  }
0x2a: {  	[spmem:s7] =	stream.linear.scatter [tilespmem:s19], [sflag:$0x3], $0x2800, $0x38;
	[tilespmem:$0x1F380] =	vst v63  }
0x2b: {  	_ =	swait.ge [sflag:s17], $0x2800  }
0x2c: {  	[sflag:s17] =	ssyncset.done $0x0  }
0x2d: {  	[sflag:s17] =	ssyncadd.s32 $0xFFFFD800  }
0x2e: {  	[spmem:s8] =	stream.linear.scatter [tilespmem:s19], [sflag:$0x3], $0x2800, $0x38;
	[tilespmem:$0x1F380] =	vst v63  }
0x2f: {  	_ =	swait.ge [sflag:s17], $0x2800  }
0x30: {  	[sflag:s17] =	ssyncset.done $0x0  }
0x31: {  	[sflag:s17] =	ssyncadd.s32 $0xFFFFD800  }
0x32: {  	[spmem:s9] =	stream.linear.scatter [tilespmem:s19], [sflag:$0x3], $0x2800, $0x38;
	[tilespmem:$0x1F380] =	vst v63  }
0x33: {  	_ =	swait.ge [sflag:s17], $0x2800  }
0x34: {  	[sflag:s17] =	ssyncset.done $0x0  }
0x35: {  	[sflag:s17] =	ssyncadd.s32 $0xFFFFD800  }
0x36: {  	[spmem:s10] =	stream.linear.scatter [tilespmem:s19], [sflag:$0x3], $0x2800, $0x38;
	[tilespmem:$0x1F380] =	vst v63  }
0x37: {  	_ =	swait.ge [sflag:s17], $0x2800  }
0x38: {  	[sflag:s17] =	ssyncset.done $0x0  }
0x39: {  	[sflag:s17] =	ssyncadd.s32 $0xFFFFD800  }
0x3a: {  	[spmem:s11] =	stream.linear.scatter [tilespmem:s19], [sflag:$0x3], $0x2800, $0x38;
	[tilespmem:$0x1F380] =	vst v63  }
0x3b: {  	_ =	swait.ge [sflag:s17], $0x2800  }
0x3c: {  	[sflag:s17] =	ssyncset.done $0x0  }
0x3d: {  	[sflag:s17] =	ssyncadd.s32 $0xFFFFD800  }
0x3e: {  	[spmem:s12] =	stream.linear.scatter [tilespmem:s19], [sflag:$0x3], $0x2800, $0x38;
	[tilespmem:$0x1F380] =	vst v63  }
0x3f: {  	_ =	swait.ge [sflag:s17], $0x2800  }
0x40: {  	[sflag:s17] =	ssyncset.done $0x0  }
0x41: {  	[sflag:s17] =	ssyncadd.s32 $0xFFFFD800  }
0x42: {  	[spmem:s13] =	stream.linear.scatter [tilespmem:s19], [sflag:$0x3], $0x2800, $0x38;
	[tilespmem:$0x1F380] =	vst v63  }
0x43: {  	_ =	swait.ge [sflag:s17], $0x2800  }
0x44: {  	[sflag:s17] =	ssyncset.done $0x0  }
0x45: {  	[sflag:s17] =	ssyncadd.s32 $0xFFFFD800  }
0x46: {  	[spmem:s14] =	stream.linear.scatter [tilespmem:s19], [sflag:$0x3], $0x2400, $0x38;
	[tilespmem:$0x1F380] =	vst v63  }
0x47: {  	_ =	swait.ge [sflag:s17], $0x2400  }
0x48: {  	[sflag:s17] =	ssyncset.done $0x0  }
0x49: {  	[sflag:s17] =	ssyncadd.s32 $0xFFFFDC00  }
0x4a: {  	s31 =	simm.s32 $0x0;
	[bflag:$0x0] =	sbarrier.arrive $0xFFFF  }
0x4b: {  	[tilespmem:s19], [sflag:$0x1] =	stream.indirect.gather [hbm4b:s1+s20], $0x80, s31, s20, $0xb8;
	[tilespmem:$0x1F380] =	vst v63  }
0x4c: {  	s30 =	simm.s32 $0x50  }
0x4d: {  	[tilespmem:s21], [sflag:$0x2] =	stream.indirect.gather [hbm4b:s1+s20], $0x80, s30, s20, $0xb8;
	[tilespmem:$0x1F380] =	vst v63  }
0x4e: {  	_ =	swait.ge [sflag:s22], $0x2800  }
0x4f: {  	[sflag:s22] =	ssyncset.done $0x0  }
0x50: {  	s31 =	simm.s32 $0x2780;
	[sflag:s22] =	ssyncadd.s32 $0xFFFFD800  }
0x51: {  	[spmem:s3] =	stream.indirect.scatter.add.f32 [tilespmem:s19], [sflag:$0x3], $0x80, s31, s20, $0xb8;
	[tilespmem:$0x1F380] =	vst v63  }
0x52: {  	_ =	swait.ge [sflag:s17], $0x2800  }
0x53: {  	[sflag:s17] =	ssyncset.done $0x0  }
0x54: {  	s30 =	simm.s32 $0xA0;
	[sflag:s17] =	ssyncadd.s32 $0xFFFFD800  }
0x55: {  	[tilespmem:s19], [sflag:$0x1] =	stream.indirect.gather [hbm4b:s1+s20], $0x80, s30, s20, $0xb8;
	[tilespmem:$0x1F380] =	vst v63  }
0x56: {  	_ =	swait.ge [sflag:s23], $0x2800  }
0x57: {  	[sflag:s23] =	ssyncset.done $0x0  }
0x58: {  	s31 =	simm.s32 $0x2800;
	[sflag:s23] =	ssyncadd.s32 $0xFFFFD800  }
0x59: {  	[spmem:s3] =	stream.indirect.scatter.add.f32 [tilespmem:s21], [sflag:$0x3], $0x80, s31, s20, $0xb8;
	[tilespmem:$0x1F380] =	vst v63  }
0x5a: {  	s28 =	simm.s32 $0x400;
	_ =	swait.ge [sflag:s17], $0x2800  }
0x5b: {  	s29 =	simm.s32 $0x800;
	s26 =	simm.s32 $0x140;
	[sflag:s17] =	ssyncset.done $0x0  }
.LBB2_4:
0x5c: {  	p0 =	sne.s32 s29, $0xF400;
	s30 =	sadd.s32 $0xFFFFFFB0, s26;
	[sflag:s17] =	ssyncadd.s32 $0xFFFFD800  }
0x5d: {  	[tilespmem:s21], [sflag:$0x2] =	stream.indirect.gather [hbm4b:s1+s20], $0x80, s30, s20, $0xb8;
	[tilespmem:$0x1F380] =	vst v63  }
0x5e: {  	s30 =	smov.u32 s29;
	s29 =	sadd.s32 $0x400, s29;
	_ =	swait.ge [sflag:s22], $0x2800  }
0x5f: {  	s31 =	sshra.s32 s28, $0x2;
	s28 =	smov.u32 s30;
	[sflag:s22] =	ssyncset.done $0x0  }
0x60: {  	s30 =	sadd.s32 $0x2780, s31;
	[sflag:s22] =	ssyncadd.s32 $0xFFFFD800  }
0x61: {  	[spmem:s3] =	stream.indirect.scatter.add.f32 [tilespmem:s19], [sflag:$0x3], $0x80, s30, s20, $0xb8;
	[tilespmem:$0x1F380] =	vst v63  }
0x62: {  	_ =	swait.ge [sflag:s17], $0x2800  }
0x63: {  	[sflag:s17] =	ssyncset.done $0x0  }
0x64: {  	[sflag:s17] =	ssyncadd.s32 $0xFFFFD800  }
0x65: {  	[tilespmem:s19], [sflag:$0x1] =	stream.indirect.gather [hbm4b:s1+s20], $0x80, s26, s20, $0xb8;
	[tilespmem:$0x1F380] =	vst v63  }
0x66: {  	_ =	swait.ge [sflag:s23], $0x2800  }
.Ltmp1:
0x67: {  	[sflag:s23] =	ssyncset.done $0x0;
	(pc) =	sbr.rel @p0 .LBB2_4-.Ltmp1, $4  }
0x68: {  	s30 =	sadd.s32 $0x2800, s31;
	[sflag:s23] =	ssyncadd.s32 $0xFFFFD800  }
0x69: {  	[spmem:s3] =	stream.indirect.scatter.add.f32 [tilespmem:s21], [sflag:$0x3], $0x80, s30, s20, $0xb8;
	[tilespmem:$0x1F380] =	vst v63  }
0x6a: {  	_ =	swait.ge [sflag:s17], $0x2800  }
0x6b: {  	s26 =	sadd.s32 $0xA0, s26;
	[sflag:s17] =	ssyncset.done $0x0  }
0x6c: {  	s29 =	sadd.s32 $0xFFFFFFB0, s26;
	[sflag:s17] =	ssyncadd.s32 $0xFFFFD800  }
0x6d: {  	[tilespmem:s21], [sflag:$0x2] =	stream.indirect.gather [hbm4b:s1+s20], $0x80, s29, s20, $0xb8;
	[tilespmem:$0x1F380] =	vst v63  }
0x6e: {  	_ =	swait.ge [sflag:s22], $0x2800  }
0x6f: {  	s28 =	sshra.s32 s28, $0x2;
	[sflag:s22] =	ssyncset.done $0x0  }
0x70: {  	s31 =	sadd.s32 $0x2780, s28;
	[sflag:s22] =	ssyncadd.s32 $0xFFFFD800  }
0x71: {  	[spmem:s3] =	stream.indirect.scatter.add.f32 [tilespmem:s19], [sflag:$0x3], $0x80, s31, s20, $0xb8;
	[tilespmem:$0x1F380] =	vst v63  }
0x72: {  	_ =	swait.ge [sflag:s17], $0x2800  }
0x73: {  	[sflag:s17] =	ssyncset.done $0x0  }
0x74: {  	[sflag:s17] =	ssyncadd.s32 $0xFFFFD800  }
0x75: {  	[tilespmem:s19], [sflag:$0x1] =	stream.indirect.gather [hbm4b:s1+s20], $0x80, s26, s20, $0xb8;
	[tilespmem:$0x1F380] =	vst v63  }
0x76: {  	_ =	swait.ge [sflag:s23], $0x2800  }
0x77: {  	[sflag:s23] =	ssyncset.done $0x0  }
0x78: {  	s29 =	sadd.s32 $0x2800, s28;
	[sflag:s23] =	ssyncadd.s32 $0xFFFFD800  }
0x79: {  	[spmem:s3] =	stream.indirect.scatter.add.f32 [tilespmem:s21], [sflag:$0x3], $0x80, s29, s20, $0xb8;
	[tilespmem:$0x1F380] =	vst v63  }
0x7a: {  	_ =	swait.ge [sflag:s17], $0x2800  }
0x7b: {  	[sflag:s17] =	ssyncset.done $0x0  }
0x7c: {  	[sflag:s17] =	ssyncadd.s32 $0xFFFFD800  }
0x7d: {  	_ =	swait.ge [sflag:s22], $0x2800  }
0x7e: {  	[sflag:s22] =	ssyncset.done $0x0  }
0x7f: {  	[sflag:s22] =	ssyncadd.s32 $0xFFFFD800  }
0x80: {  	[spmem:s3] =	stream.indirect.scatter.add.f32 [tilespmem:s19], [sflag:$0x3], $0x80, s24, s20, $0xb8;
	[tilespmem:$0x1F380] =	vst v63  }
0x81: {  	_ =	swait.ge [sflag:s17], $0x2800  }
0x82: {  	s30 =	sshll.u32 s0, $0x6;
	s25 =	sadd.s32 $0x1, s25;
	[sflag:s17] =	ssyncset.done $0x0  }
0x83: {  	p0 =	sne.s32 s25, s16;
	s31 =	sshrl.u32 s7, $0x3;
	[sflag:s17] =	ssyncadd.s32 $0xFFFFD800  }
.Ltmp2:
0x84: {  	s26 =	sor.u32 $0x1C03, s30;
	[bflag:$0x0] =	sbarrier.arrive $0xFFFF;
	(pc) =	sbr.rel @p0 .LBB2_1-.Ltmp2, $4  }
0x85: {  	[hbm:s15], [sflag:s26] =	dma.local [spmem:s31], $0x2780  }
0x86: {  	_ =	swait.ge [sflag:s17], $0x2780  }
0x87: {  	[sflag:s17] =	ssyncset.done $0x0  }
0x88: {  	[sflag:s17] =	ssyncadd.s32 $0xFFFFD880  }
0x89: {  	_ =	sfence.sel $0x180000  }
0x8a: {  	[bflag:$0x0] =	sbarrier.arrive $0xFFFF  }
0x8b: {  	p0 =	sne.s32 s0, $0x0;
	_ =	strace $0x90000047  }
0x8c: {  	s0 =	sadd.s32 @!p0 $0x100000, s2;
	[bflag:$0x2] =	sbarrier.arrive $0xFFFF  }
0x8d: {  	[sflag:s0] =	ssyncadd.tile.s32 @!p0 $0x1;
	_ =	shalt  }
.Lfunc_end2:
_tile_overlayer_lowered:
.L_overlay_start_2:
0x8e: {  	(tag) =	ssettag $0x2  }
0x8f: {  	s0 =	rddreg [dreg:$0x0];
	s2 =	stileid.u32  }
0x90: {  	s1 =	rddreg [dreg:$0x1];
	p0 =	sne.s32 s2, $0x0  }
0x91: {  	s3 =	rddreg [dreg:$0x2];
	[bflag:$0x3] =	sbarrier.arrive $0xFFFF;
	s2 =	simm.s32 @!p0 $0x1C03  }
0x92: {  	[timem:s3], [sflag:s2] =	dma.local @!p0 [hbm:s0], s1  }
0x93: {  	s0 =	simm.s32 @!p0 $0x3  }
0x94: {  	_ =	swait.ge @!p0 [sflag:s0], s1  }
0x95: {  	s1 =	ssub.s32 @!p0 $0x0, s1;
	[sflag:s0] =	ssyncset.done @!p0 $0x0  }
0x96: {  	[sflag:s0] =	ssyncadd.s32 @!p0 s1  }
0x97: {  	[bflag:$0x3] =	sbarrier.arrive $0xFFFF  }
0x98: {  	_ =	shalt  }

// kernel: kernel.16.cloned.1.call-start
scs
__scs_entry_jumppad:
0x0: {  	(pc) =	sbr.rel $0x88, $3  }
0x1: {  	(tag) =	ssettag $0x0;
	lr =	simm.s32 $0x1  }
0x2: {  	[smem:$0x3F98] =	sst lr;
	_ =	strace $0xD0000000  }
0x3: {  	_ = 	snop  }
0x4: {  	_ = 	snop  }
0x5: {  	_ = 	snop  }
0x6: {  	_ = 	snop  }
0x7: {  	_ = 	snop  }
__scs_overlays_trampoline_lowered:
0x8: {  	[smem:$0x3FA7] =	sst s0  }
0x9: {  	[smem:$0x3FA8] =	sst s1  }
0xa: {  	[smem:$0x3FA9] =	sst s2  }
0xb: {  	[smem:$0x3FAA] =	sst s3  }
0xc: {  	[smem:$0x3FAB] =	sst s4  }
0xd: {  	[smem:$0x3FAC] =	sst s5  }
0xe: {  	[smem:$0x3FAD] =	sst s6  }
0xf: {  	[smem:$0x3FAE] =	sst s7  }
0x10: {  	[smem:$0x3FAF] =	sst s8  }
0x11: {  	[smem:$0x3FB0] =	sst s9;
	s0 =	simm.s32 @!p0 $0x0  }
0x12: {  	s1 =	sld [smem:$0x3F96];
	s0 =	simm.s32 @p0 $0x1  }
0x13: {  	[smem:$0x3FB1] =	sst s0;
	s0 =	simm.s32 @!p1 $0x0  }
0x14: {  	s2 =	sld [smem:$0x3F95];
	s0 =	simm.s32 @p1 $0x1  }
0x15: {  	[smem:$0x3FB2] =	sst s0;
	s0 =	simm.s32 @!p2 $0x0  }
0x16: {  	s3 =	sld [smem:$0x3FDB];
	s0 =	simm.s32 @p2 $0x1  }
0x17: {  	s4 =	simm.s32 $0x1BF5;
	[smem:$0x3FB4] =	sst s0  }
0x18: {  	s0 =	sld [smem:$0x3F97];
	_ =	swait.ge [sflag:s4], $0x0  }
0x19: {  	s7 =	sld [smem:$0x3F98]  }
0x1a: {  	s8 =	sadd.s32 $0xFFFFE003, lr  }
0x1b: {  	s9 =	sadd.s32 $0xFFFFFEF7, lr;
	s5 =	simm.s32 $0xFFFFFFFF;
	p2 =	slt.u32 s8, $0xFFFFF086  }
0x1c: {  	p1 =	slt.u32 s9, $0xF7A;
	s5 =	simm.s32 @!p2 $0x0  }
0x1d: {  	s5 =	simm.s32 @p1 $0x1;
	p0 =	seq.s32 s7, s2  }
0x1e: {  	s7 =	smul.u32 @!p0 $0xF7A, s2;
	p2 =	seq.s32 @!p0 s5, $0x0  }
0x1f: {  	s9 =	smul.u32 $0xF7A, s1;
	s8 =	simm.s32 @!p0 $0x1BF5;
	p2 =	por !p2, p0  }
0x20: {  	[sflag:s8] =	ssyncset.s32 @!p0 $0xFFFFF086;
	s6 =	sadd.s32 @!p0 s3, s7;
	s7 =	simm.s32 @!p0 $0x108  }
0x21: {  	s3 =	sadd.s32 s3, s9;
	s6 =	sadd.s32 @!p0 $0x88, s6;
	s7 =	simm.s32 @p2 $0x1082  }
0x22: {  	[simem:s7], [sflag:s8] =	dma.local @!p0 [hbm:s6], $0xF7A  }
0x23: {  	s9 =	sor.u32 $0xD0000000, s2;
	s6 =	simm.s32 $0x108;
	_ =	swait.ge @!p0 [sflag:s8], $0x0  }
0x24: {  	s3 =	sadd.s32 $0x88, s3;
	s6 =	simm.s32 @!p1 $0x1082;
	[sflag:s4] =	ssyncset.s32 $0xFFFFF086  }
0x25: {  	[simem:s6], [sflag:s4] =	dma.local [hbm:s3], $0xF7A  }
0x26: {  	[smem:$0x3F98] =	sst s1;
	(tag) =	ssettag s2;
	_ =	strace s9  }
0x27: {  	s1 =	sld [smem:$0x3FA8]  }
0x28: {  	s2 =	sld [smem:$0x3FA9]  }
0x29: {  	s4 =	sld [smem:$0x3FAB]  }
0x2a: {  	p0 =	seq.s32 s5, $0x0;
	s5 =	sld [smem:$0x3FAC]  }
0x2b: {  	s6 =	sld [smem:$0x3FAD]  }
0x2c: {  	s7 =	sld [smem:$0x3FAE]  }
0x2d: {  	s3 =	simm.s32 $0x108;
	s8 =	sld [smem:$0x3FAF]  }
0x2e: {  	s3 =	simm.s32 @!p0 $0x1082;
	s9 =	sld [smem:$0x3FB0]  }
0x2f: {  	lr =	sadd.s32 s0, s3;
	s0 =	sld [smem:$0x3FA7]  }
0x30: {  	s3 =	sld [smem:$0x3FAA]  }
0x31: {  	[smem:$0x3FB3] =	sst s10  }
0x32: {  	s10 =	sld [smem:$0x3FB1];
	_ =	sdelay $0x3  }
0x33: {  	p0 =	seq.s32 s10, $0x1;
	s10 =	sld [smem:$0x3FB3];
	_ =	sdelay $0x3  }
0x34: {  	[smem:$0x3FB3] =	sst s10  }
0x35: {  	s10 =	sld [smem:$0x3FB2];
	_ =	sdelay $0x3  }
0x36: {  	p1 =	seq.s32 s10, $0x1;
	s10 =	sld [smem:$0x3FB3];
	_ =	sdelay $0x3  }
0x37: {  	[smem:$0x3FB3] =	sst s10  }
0x38: {  	s10 =	sld [smem:$0x3FB4]  }
0x39: {  	_ = 	snop;
	(pc) =	sbr.ind lr, $3  }
0x3a: {  	_ = 	snop  }
0x3b: {  	_ = 	snop  }
0x3c: {  	p2 =	seq.s32 s10, $0x1;
	s10 =	sld [smem:$0x3FB3]  }
0x3d: {  	_ =	shalt  }
0x3e: {  	_ =	shalt  }
0x3f: {  	_ =	shalt  }
0x40: {  	_ =	shalt  }
0x41: {  	_ =	shalt  }
0x42: {  	_ =	shalt  }
0x43: {  	_ =	shalt  }
0x44: {  	_ =	shalt  }
0x45: {  	_ =	shalt  }
0x46: {  	_ =	shalt  }
0x47: {  	_ =	shalt  }
0x48: {  	_ =	shalt  }
0x49: {  	_ =	shalt  }
0x4a: {  	_ =	shalt  }
0x4b: {  	_ =	shalt  }
0x4c: {  	_ =	shalt  }
0x4d: {  	_ =	shalt  }
0x4e: {  	_ =	shalt  }
0x4f: {  	_ =	shalt  }
0x50: {  	_ =	shalt  }
0x51: {  	_ =	shalt  }
0x52: {  	_ =	shalt  }
0x53: {  	_ =	shalt  }
0x54: {  	_ =	shalt  }
0x55: {  	_ =	shalt  }
0x56: {  	_ =	shalt  }
0x57: {  	_ =	shalt  }
0x58: {  	_ =	shalt  }
0x59: {  	_ =	shalt  }
0x5a: {  	_ =	shalt  }
0x5b: {  	_ =	shalt  }
0x5c: {  	_ =	shalt  }
0x5d: {  	_ =	shalt  }
0x5e: {  	_ =	shalt  }
0x5f: {  	_ =	shalt  }
0x60: {  	_ =	shalt  }
0x61: {  	_ =	shalt  }
0x62: {  	_ =	shalt  }
0x63: {  	_ =	shalt  }
0x64: {  	_ =	shalt  }
0x65: {  	_ =	shalt  }
0x66: {  	_ =	shalt  }
0x67: {  	_ =	shalt  }
0x68: {  	_ =	shalt  }
0x69: {  	_ =	shalt  }
0x6a: {  	_ =	shalt  }
0x6b: {  	_ =	shalt  }
0x6c: {  	_ =	shalt  }
0x6d: {  	_ =	shalt  }
0x6e: {  	_ =	shalt  }
0x6f: {  	_ =	shalt  }
0x70: {  	_ =	shalt  }
0x71: {  	_ =	shalt  }
0x72: {  	_ =	shalt  }
0x73: {  	_ =	shalt  }
0x74: {  	_ =	shalt  }
0x75: {  	_ =	shalt  }
0x76: {  	_ =	shalt  }
0x77: {  	_ =	shalt  }
0x78: {  	_ =	shalt  }
0x79: {  	_ =	shalt  }
0x7a: {  	_ =	shalt  }
0x7b: {  	_ =	shalt  }
0x7c: {  	_ =	shalt  }
0x7d: {  	_ =	shalt  }
0x7e: {  	_ =	shalt  }
0x7f: {  	_ =	shalt  }
0x80: {  	_ =	shalt  }
0x81: {  	_ =	shalt  }
0x82: {  	_ =	shalt  }
0x83: {  	_ =	shalt  }
0x84: {  	_ =	shalt  }
0x85: {  	_ =	shalt  }
0x86: {  	_ =	shalt  }
0x87: {  	_ =	shalt  }
.Lfunc_end0:
.L_simem_size_0:
called_computation.2_lowered:
.L_overlay_start_0:
0x88: {  	s2 =	sld [smem:$0x3FD9]  }
0x89: {  	s3 =	sld [smem:$0x3FFE];
	_ =	sdelay $0x1  }
0x8a: {  	s1 =	srdreg.scid  }
0x8b: {  	s0 =	sand.u32 $0x1, s1  }
0x8c: {  	s17 =	sshll.u32 s0, $0xA;
	s2 =	sadd.s32 s3, s2  }
0x8d: {  	s2 =	sadd.s32 s2, s17  }
0x8e: {  	[smem:$0x3FBF] =	sst s2  }
0x8f: {  	_ = 	snop  }
0x90: {  	s2 =	sld [smem:$0x3FD0];
	(tm) =	ssettm $0x1  }
0x91: {  	s18 =	sld [smem:$0x3FFB];
	_ =	sdelay $0x3  }
0x92: {  	_ =	strace s18  }
0x93: {  	s3 =	sld [smem:$0x3FFC];
	_ =	sdelay $0x3  }
0x94: {  	_ =	strace s3  }
0x95: {  	s3 =	sld [smem:$0x3FFD];
	_ =	sdelay $0x3  }
0x96: {  	_ =	strace s3  }
0x97: {  	_ =	strace $0x8FFFFFFF  }
0x98: {  	s19 =	sld [smem:$0x3FDB];
	_ =	sdelay $0x1  }
0x99: {  	s4 =	simm.s32 $_scs_section_size  }
0x9a: {  	s5 =	simm.s32 $_size__tile_overlayer_lowered;
	s6 =	simm.s32 $_tile_overlayer_lowered  }
0x9b: {  	s22 =	simm.s32 $0x1BFF;
	s21 =	sshll.u32 s6, $0x1;
	s3 =	sadd.s32 s4, s19  }
0x9c: {  	s7 =	simm.s32 $0x0;
	s20 =	sshll.u32 s5, $0x1;
	s5 =	sadd.s32 s21, s3  }
0x9d: {  	[timem:s7], [sflag:s22] =	dma.local [hbm:s5], s20  }
0x9e: {  	_ =	swait.ge [sflag:s22], s20  }
0x9f: {  	s4 =	ssub.s32 $0x0, s20;
	[sflag:s22] =	ssyncset.done $0x0  }
0xa0: {  	[sflag:s22] =	ssyncadd.s32 s4;
	_ =	sdelay $0x1  }
0xa1: {  	s23 =	simm.s32 $0x1B8B  }
0xa2: {  	_ =	swait.ge [sflag:s23], $0x1  }
0xa3: {  	[sflag:s23] =	ssyncset.done $0x0  }
0xa4: {  	s25 =	simm.s32 $0x1B8E;
	s24 =	sld [smem:$0x3FFE];
	[sflag:s23] =	ssyncadd.s32 $0xFFFFFFFF  }
0xa5: {  	s26 =	simm.s32 $execute0_lowered;
	[smem:$0x3FD2] =	sst s25  }
0xa6: {  	s5 =	sshll.u32 s26, $0x1;
	_ =	strace $0x8000004C;
	[dreg:$0x1] =	wrdreg $0xFFFFFFFF  }
0xa7: {  	s28 =	simm.s32 $_size_execute0_lowered;
	s3 =	sadd.s32 s3, s5;
	[dreg:$0x0] =	wrdreg $0x0  }
0xa8: {  	s5 =	sshll.u32 s28, $0x1;
	[dreg:$0x2] =	wrdreg s3  }
0xa9: {  	[dreg:$0x3] =	wrdreg s5  }
0xaa: {  	[dreg:$0x4] =	wrdreg $0xC0  }
0xab: {  	_ =	task [dreg:s7], $0x5FFFF  }
0xac: {  	[dreg:$0x1] =	wrdreg $0xFFFFFFFF  }
0xad: {  	[dreg:$0x0] =	wrdreg $0x60  }
0xae: {  	[dreg:$0x2] =	wrdreg s2  }
0xaf: {  	[dreg:$0x3] =	wrdreg s24  }
0xb0: {  	[dreg:$0x4] =	wrdreg $0xB7800  }
0xb1: {  	[dreg:$0x5] =	wrdreg $0x9  }
0xb2: {  	_ =	task.clear_ibuf [dreg:s7], $0x6FFFF;
	_ =	strace $0x9000004C  }
0xb3: {  	s29 =	simm.s32 $0x9;
	_ =	strace $0x8000004E  }
0xb4: {  	_ =	swait.ge [sflag:s29], $0x1  }
0xb5: {  	[sflag:s29] =	ssyncadd.s32 $0xFFFFFFFF  }
0xb6: {  	_ =	strace $0x9000004E  }
0xb7: {  	_ =	sfence  }
0xb8: {  	s30 =	sld [smem:$0x0];
	_ =	sdelay $0x2  }
0xb9: {  	s31 =	sshll.u32 s1, $0xD;
	s1 =	sshrl.u32 s1, $0x2  }
0xba: {  	s3 =	sand.u32 $0x4000, s31;
	s1 =	sadd.s32 s1, s30  }
0xbb: {  	s0 =	sor.u32 s3, s0;
	s1 =	sshll.u32 s1, $0x11  }
0xbc: {  	s0 =	sor.u32 s1, s0  }
0xbd: {  	s0 =	sadd.s32 $0x8F2B, s0  }
0xbe: {  	[sflag:s0] =	ssyncadd.remote.s32 $0x1  }
0xbf: {  	_ =	sfence.sel $0xFFFF  }
0xc0: {  	[dreg:$0x0] =	wrdreg $0xFFFFFFFF;
	(pc) =	sbr.abs _section_cstart, $3  }
0xc1: {  	[dreg:$0x1] =	wrdreg $0xFFFFFFFF  }
0xc2: {  	_ =	task.clear_ibuf [dreg:s7], $0x2FFFF;
	_ =	strace $0x9FFFFFFF  }
0xc3: {  	(tm) =	ssettm $0x7FFFFFFF  }
tec
execute0_lowered:
.L_overlay_start_1:
0x0: {  	(tag) =	ssettag $0x1  }
0x1: {  	s1 =	rddreg [dreg:$0x0]  }
0x2: {  	s2 =	srdreg.scid;
	s6 =	rddreg [dreg:$0x1]  }
0x3: {  	s0 =	stileid.u32;
	s3 =	rddreg [dreg:$0x2]  }
0x4: {  	s4 =	simm.s32 $0x0;
	s17 =	simm.s32 $0x3;
	s18 =	simm.s32 $0x2780  }
0x5: {  	s19 =	simm.s32 $0x6780;
	s20 =	simm.s32 $0x50;
	s21 =	simm.s32 $0x8F80  }
0x6: {  	s22 =	simm.s32 $0x1;
	s23 =	simm.s32 $0x2;
	s24 =	simm.s32 $0x6580  }
0x7: {  	s25 =	simm.s32 $0x0;
	s5 =	sand.u32 $0x1, s2;
	s10 =	smul.u32 $0x13C00, s0  }
0x8: {  	s29 =	sshll.u32 s0, $0x1;
	s2 =	rddreg [dreg:$0x3];
	s30 =	smul.u32 $0x4F000, s0  }
0x9: {  	[smem:$0x7FF] =	sst s4;
	s7 =	sor.u32 s5, s29;
	s9 =	smul.u32 $0x13C000, s5  }
0xa: {  	_ =	strace $0x8000004D;
	s5 =	ssub.s32 $0x2, s5;
	s8 =	smul.u32 $0x4E2, s7  }
0xb: {  	s7 =	sshll.u32 s7, $0xB;
	s11 =	sshrl.u32 s5, $0x1;
	s31 =	sshrl.u32 s30, $0x2  }
0xc: {  	s9 =	sadd.s32 s10, s9;
	s7 =	sadd.s32 s7, s6;
	s16 =	ssub.s32 s5, s11  }
0xd: {  	s8 =	sadd.s32 s8, s6;
	s9 =	sshrl.u32 s9, $0x3;
	s16 =	smax.u32 s16, $0x1  }
0xe: {  	s15 =	sadd.s32 s9, s6;
	s6 =	sadd.s32 $0xCC00, s7;
	s7 =	sadd.s32 s31, s3  }
0xf: {  	s5 =	sadd.s32 $0x2E00, s8;
	s8 =	sadd.s32 $0x2800, s7;
	s9 =	sadd.s32 $0x5000, s7  }
0x10: {  	s10 =	sadd.s32 $0x7800, s7;
	s11 =	sadd.s32 $0xA000, s7;
	s12 =	sadd.s32 $0xC800, s7  }
0x11: {  	v0 =	vimm.f32 $0.0e+00;
	s13 =	sadd.s32 $0xF000, s7;
	s14 =	sadd.s32 $0x11800, s7;
	s15 =	sadd.s32 $0x1CC00, s15  }
.LBB2_1:
0x12: {  	[tilespmem:s4], [sflag:$0x3] =	stream.linear.gather [hbm4b:s5+s4], $0x2710, $0x38;
	[tilespmem:$0x1F380] =	vst v63  }
0x13: {  	_ =	swait.ge [sflag:s17], $0x2710  }
0x14: {  	[sflag:s17] =	ssyncset.done $0x0  }
0x15: {  	[sflag:s17] =	ssyncadd.s32 $0xFFFFD8F0  }
0x16: {  	[tilespmem:s18], [sflag:$0x3] =	stream.linear.gather [hbm4b:s6+s4], $0x3E80, $0x38;
	[tilespmem:$0x1F380] =	vst v63  }
0x17: {  	_ =	swait.ge [sflag:s17], $0x3E80  }
0x18: {  	[sflag:s17] =	ssyncset.done $0x0  }
0x19: {  	s26 =	simm.s32 $0x0;
	s28 =	simm.s32 $0x200;
	[sflag:s17] =	ssyncadd.s32 $0xFFFFC180  }
.LBB2_2:
0x1a: {  	p0 =	sne.s32 s28, $0x9E00;
	[tilespmem:s26+$0x67F0] =	vst v0  }
0x1b: {  	[tilespmem:s26+$0x6780] =	vst v0  }
0x1c: {  	[tilespmem:s26+$0x6790] =	vst v0  }
.Ltmp0:
0x1d: {  	[tilespmem:s26+$0x67A0] =	vst v0;
	(pc) =	sbr.rel @p0 .LBB2_2-.Ltmp0, $4  }
0x1e: {  	[tilespmem:s26+$0x67B0] =	vst v0  }
0x1f: {  	[tilespmem:s26+$0x67C0] =	vst v0  }
0x20: {  	[tilespmem:s26+$0x67D0] =	vst v0  }
0x21: {  	[tilespmem:s26+$0x67E0] =	vst v0;
	s26 =	sshra.s32 s28, $0x2;
	s28 =	sadd.s32 $0x200, s28  }
0x22: {  	[tilespmem:s26+$0x67F0] =	vst v0  }
0x23: {  	[tilespmem:s26+$0x6780] =	vst v0  }
0x24: {  	[tilespmem:s26+$0x6790] =	vst v0  }
0x25: {  	[tilespmem:s26+$0x67A0] =	vst v0  }
0x26: {  	[tilespmem:s26+$0x67B0] =	vst v0  }
0x27: {  	[tilespmem:s26+$0x67C0] =	vst v0  }
0x28: {  	[tilespmem:s26+$0x67D0] =	vst v0  }
0x29: {  	[tilespmem:s26+$0x67E0] =	vst v0  }
0x2a: {  	[spmem:s7] =	stream.linear.scatter [tilespmem:s19], [sflag:$0x3], $0x2800, $0x38;
	[tilespmem:$0x1F380] =	vst v63  }
0x2b: {  	_ =	swait.ge [sflag:s17], $0x2800  }
0x2c: {  	[sflag:s17] =	ssyncset.done $0x0  }
0x2d: {  	[sflag:s17] =	ssyncadd.s32 $0xFFFFD800  }
0x2e: {  	[spmem:s8] =	stream.linear.scatter [tilespmem:s19], [sflag:$0x3], $0x2800, $0x38;
	[tilespmem:$0x1F380] =	vst v63  }
0x2f: {  	_ =	swait.ge [sflag:s17], $0x2800  }
0x30: {  	[sflag:s17] =	ssyncset.done $0x0  }
0x31: {  	[sflag:s17] =	ssyncadd.s32 $0xFFFFD800  }
0x32: {  	[spmem:s9] =	stream.linear.scatter [tilespmem:s19], [sflag:$0x3], $0x2800, $0x38;
	[tilespmem:$0x1F380] =	vst v63  }
0x33: {  	_ =	swait.ge [sflag:s17], $0x2800  }
0x34: {  	[sflag:s17] =	ssyncset.done $0x0  }
0x35: {  	[sflag:s17] =	ssyncadd.s32 $0xFFFFD800  }
0x36: {  	[spmem:s10] =	stream.linear.scatter [tilespmem:s19], [sflag:$0x3], $0x2800, $0x38;
	[tilespmem:$0x1F380] =	vst v63  }
0x37: {  	_ =	swait.ge [sflag:s17], $0x2800  }
0x38: {  	[sflag:s17] =	ssyncset.done $0x0  }
0x39: {  	[sflag:s17] =	ssyncadd.s32 $0xFFFFD800  }
0x3a: {  	[spmem:s11] =	stream.linear.scatter [tilespmem:s19], [sflag:$0x3], $0x2800, $0x38;
	[tilespmem:$0x1F380] =	vst v63  }
0x3b: {  	_ =	swait.ge [sflag:s17], $0x2800  }
0x3c: {  	[sflag:s17] =	ssyncset.done $0x0  }
0x3d: {  	[sflag:s17] =	ssyncadd.s32 $0xFFFFD800  }
0x3e: {  	[spmem:s12] =	stream.linear.scatter [tilespmem:s19], [sflag:$0x3], $0x2800, $0x38;
	[tilespmem:$0x1F380] =	vst v63  }
0x3f: {  	_ =	swait.ge [sflag:s17], $0x2800  }
0x40: {  	[sflag:s17] =	ssyncset.done $0x0  }
0x41: {  	[sflag:s17] =	ssyncadd.s32 $0xFFFFD800  }
0x42: {  	[spmem:s13] =	stream.linear.scatter [tilespmem:s19], [sflag:$0x3], $0x2800, $0x38;
	[tilespmem:$0x1F380] =	vst v63  }
0x43: {  	_ =	swait.ge [sflag:s17], $0x2800  }
0x44: {  	[sflag:s17] =	ssyncset.done $0x0  }
0x45: {  	[sflag:s17] =	ssyncadd.s32 $0xFFFFD800  }
0x46: {  	[spmem:s14] =	stream.linear.scatter [tilespmem:s19], [sflag:$0x3], $0x2400, $0x38;
	[tilespmem:$0x1F380] =	vst v63  }
0x47: {  	_ =	swait.ge [sflag:s17], $0x2400  }
0x48: {  	[sflag:s17] =	ssyncset.done $0x0  }
0x49: {  	[sflag:s17] =	ssyncadd.s32 $0xFFFFDC00  }
0x4a: {  	s31 =	simm.s32 $0x0;
	[bflag:$0x0] =	sbarrier.arrive $0xFFFF  }
0x4b: {  	[tilespmem:s19], [sflag:$0x1] =	stream.indirect.gather [hbm4b:s1+s20], $0x80, s31, s20, $0xb8;
	[tilespmem:$0x1F380] =	vst v63  }
0x4c: {  	s30 =	simm.s32 $0x50  }
0x4d: {  	[tilespmem:s21], [sflag:$0x2] =	stream.indirect.gather [hbm4b:s1+s20], $0x80, s30, s20, $0xb8;
	[tilespmem:$0x1F380] =	vst v63  }
0x4e: {  	_ =	swait.ge [sflag:s22], $0x2800  }
0x4f: {  	[sflag:s22] =	ssyncset.done $0x0  }
0x50: {  	s31 =	simm.s32 $0x2780;
	[sflag:s22] =	ssyncadd.s32 $0xFFFFD800  }
0x51: {  	[spmem:s3] =	stream.indirect.scatter.add.f32 [tilespmem:s19], [sflag:$0x3], $0x80, s31, s20, $0xb8;
	[tilespmem:$0x1F380] =	vst v63  }
0x52: {  	_ =	swait.ge [sflag:s17], $0x2800  }
0x53: {  	[sflag:s17] =	ssyncset.done $0x0  }
0x54: {  	s30 =	simm.s32 $0xA0;
	[sflag:s17] =	ssyncadd.s32 $0xFFFFD800  }
0x55: {  	[tilespmem:s19], [sflag:$0x1] =	stream.indirect.gather [hbm4b:s1+s20], $0x80, s30, s20, $0xb8;
	[tilespmem:$0x1F380] =	vst v63  }
0x56: {  	_ =	swait.ge [sflag:s23], $0x2800  }
0x57: {  	[sflag:s23] =	ssyncset.done $0x0  }
0x58: {  	s31 =	simm.s32 $0x2800;
	[sflag:s23] =	ssyncadd.s32 $0xFFFFD800  }
0x59: {  	[spmem:s3] =	stream.indirect.scatter.add.f32 [tilespmem:s21], [sflag:$0x3], $0x80, s31, s20, $0xb8;
	[tilespmem:$0x1F380] =	vst v63  }
0x5a: {  	s28 =	simm.s32 $0x400;
	_ =	swait.ge [sflag:s17], $0x2800  }
0x5b: {  	s29 =	simm.s32 $0x800;
	s26 =	simm.s32 $0x140;
	[sflag:s17] =	ssyncset.done $0x0  }
.LBB2_4:
0x5c: {  	p0 =	sne.s32 s29, $0xF400;
	s30 =	sadd.s32 $0xFFFFFFB0, s26;
	[sflag:s17] =	ssyncadd.s32 $0xFFFFD800  }
0x5d: {  	[tilespmem:s21], [sflag:$0x2] =	stream.indirect.gather [hbm4b:s1+s20], $0x80, s30, s20, $0xb8;
	[tilespmem:$0x1F380] =	vst v63  }
0x5e: {  	s30 =	smov.u32 s29;
	s29 =	sadd.s32 $0x400, s29;
	_ =	swait.ge [sflag:s22], $0x2800  }
0x5f: {  	s31 =	sshra.s32 s28, $0x2;
	s28 =	smov.u32 s30;
	[sflag:s22] =	ssyncset.done $0x0  }
0x60: {  	s30 =	sadd.s32 $0x2780, s31;
	[sflag:s22] =	ssyncadd.s32 $0xFFFFD800  }
0x61: {  	[spmem:s3] =	stream.indirect.scatter.add.f32 [tilespmem:s19], [sflag:$0x3], $0x80, s30, s20, $0xb8;
	[tilespmem:$0x1F380] =	vst v63  }
0x62: {  	_ =	swait.ge [sflag:s17], $0x2800  }
0x63: {  	[sflag:s17] =	ssyncset.done $0x0  }
0x64: {  	[sflag:s17] =	ssyncadd.s32 $0xFFFFD800  }
0x65: {  	[tilespmem:s19], [sflag:$0x1] =	stream.indirect.gather [hbm4b:s1+s20], $0x80, s26, s20, $0xb8;
	[tilespmem:$0x1F380] =	vst v63  }
0x66: {  	_ =	swait.ge [sflag:s23], $0x2800  }
.Ltmp1:
0x67: {  	[sflag:s23] =	ssyncset.done $0x0;
	(pc) =	sbr.rel @p0 .LBB2_4-.Ltmp1, $4  }
0x68: {  	s30 =	sadd.s32 $0x2800, s31;
	[sflag:s23] =	ssyncadd.s32 $0xFFFFD800  }
0x69: {  	[spmem:s3] =	stream.indirect.scatter.add.f32 [tilespmem:s21], [sflag:$0x3], $0x80, s30, s20, $0xb8;
	[tilespmem:$0x1F380] =	vst v63  }
0x6a: {  	_ =	swait.ge [sflag:s17], $0x2800  }
0x6b: {  	s26 =	sadd.s32 $0xA0, s26;
	[sflag:s17] =	ssyncset.done $0x0  }
0x6c: {  	s29 =	sadd.s32 $0xFFFFFFB0, s26;
	[sflag:s17] =	ssyncadd.s32 $0xFFFFD800  }
0x6d: {  	[tilespmem:s21], [sflag:$0x2] =	stream.indirect.gather [hbm4b:s1+s20], $0x80, s29, s20, $0xb8;
	[tilespmem:$0x1F380] =	vst v63  }
0x6e: {  	_ =	swait.ge [sflag:s22], $0x2800  }
0x6f: {  	s28 =	sshra.s32 s28, $0x2;
	[sflag:s22] =	ssyncset.done $0x0  }
0x70: {  	s31 =	sadd.s32 $0x2780, s28;
	[sflag:s22] =	ssyncadd.s32 $0xFFFFD800  }
0x71: {  	[spmem:s3] =	stream.indirect.scatter.add.f32 [tilespmem:s19], [sflag:$0x3], $0x80, s31, s20, $0xb8;
	[tilespmem:$0x1F380] =	vst v63  }
0x72: {  	_ =	swait.ge [sflag:s17], $0x2800  }
0x73: {  	[sflag:s17] =	ssyncset.done $0x0  }
0x74: {  	[sflag:s17] =	ssyncadd.s32 $0xFFFFD800  }
0x75: {  	[tilespmem:s19], [sflag:$0x1] =	stream.indirect.gather [hbm4b:s1+s20], $0x80, s26, s20, $0xb8;
	[tilespmem:$0x1F380] =	vst v63  }
0x76: {  	_ =	swait.ge [sflag:s23], $0x2800  }
0x77: {  	[sflag:s23] =	ssyncset.done $0x0  }
0x78: {  	s29 =	sadd.s32 $0x2800, s28;
	[sflag:s23] =	ssyncadd.s32 $0xFFFFD800  }
0x79: {  	[spmem:s3] =	stream.indirect.scatter.add.f32 [tilespmem:s21], [sflag:$0x3], $0x80, s29, s20, $0xb8;
	[tilespmem:$0x1F380] =	vst v63  }
0x7a: {  	_ =	swait.ge [sflag:s17], $0x2800  }
0x7b: {  	[sflag:s17] =	ssyncset.done $0x0  }
0x7c: {  	[sflag:s17] =	ssyncadd.s32 $0xFFFFD800  }
0x7d: {  	_ =	swait.ge [sflag:s22], $0x2800  }
0x7e: {  	[sflag:s22] =	ssyncset.done $0x0  }
0x7f: {  	[sflag:s22] =	ssyncadd.s32 $0xFFFFD800  }
0x80: {  	[spmem:s3] =	stream.indirect.scatter.add.f32 [tilespmem:s19], [sflag:$0x3], $0x80, s24, s20, $0xb8;
	[tilespmem:$0x1F380] =	vst v63  }
0x81: {  	_ =	swait.ge [sflag:s17], $0x2800  }
0x82: {  	s30 =	sshll.u32 s0, $0x6;
	s25 =	sadd.s32 $0x1, s25;
	[sflag:s17] =	ssyncset.done $0x0  }
0x83: {  	p0 =	sne.s32 s25, s16;
	s31 =	sshrl.u32 s7, $0x3;
	[sflag:s17] =	ssyncadd.s32 $0xFFFFD800  }
.Ltmp2:
0x84: {  	s26 =	sor.u32 $0x1C03, s30;
	[bflag:$0x0] =	sbarrier.arrive $0xFFFF;
	(pc) =	sbr.rel @p0 .LBB2_1-.Ltmp2, $4  }
0x85: {  	[hbm:s15], [sflag:s26] =	dma.local [spmem:s31], $0x2780  }
0x86: {  	_ =	swait.ge [sflag:s17], $0x2780  }
0x87: {  	[sflag:s17] =	ssyncset.done $0x0  }
0x88: {  	[sflag:s17] =	ssyncadd.s32 $0xFFFFD880  }
0x89: {  	_ =	sfence.sel $0x180000  }
0x8a: {  	[bflag:$0x0] =	sbarrier.arrive $0xFFFF  }
0x8b: {  	p0 =	sne.s32 s0, $0x0;
	_ =	strace $0x9000004D  }
0x8c: {  	s0 =	sadd.s32 @!p0 $0x100000, s2;
	[bflag:$0x2] =	sbarrier.arrive $0xFFFF  }
0x8d: {  	[sflag:s0] =	ssyncadd.tile.s32 @!p0 $0x1;
	_ =	shalt  }
.Lfunc_end2:
_tile_overlayer_lowered:
.L_overlay_start_2:
0x8e: {  	(tag) =	ssettag $0x2  }
0x8f: {  	s0 =	rddreg [dreg:$0x0];
	s2 =	stileid.u32  }
0x90: {  	s1 =	rddreg [dreg:$0x1];
	p0 =	sne.s32 s2, $0x0  }
0x91: {  	s3 =	rddreg [dreg:$0x2];
	[bflag:$0x3] =	sbarrier.arrive $0xFFFF;
	s2 =	simm.s32 @!p0 $0x1C03  }
0x92: {  	[timem:s3], [sflag:s2] =	dma.local @!p0 [hbm:s0], s1  }
0x93: {  	s0 =	simm.s32 @!p0 $0x3  }
0x94: {  	_ =	swait.ge @!p0 [sflag:s0], s1  }
0x95: {  	s1 =	ssub.s32 @!p0 $0x0, s1;
	[sflag:s0] =	ssyncset.done @!p0 $0x0  }
0x96: {  	[sflag:s0] =	ssyncadd.s32 @!p0 s1  }
0x97: {  	[bflag:$0x3] =	sbarrier.arrive $0xFFFF  }
0x98: {  	_ =	shalt  }

// kernel: kernel.19.cloned.1.call-start
scs
__scs_entry_jumppad:
0x0: {  	(pc) =	sbr.rel $0x88, $3  }
0x1: {  	(tag) =	ssettag $0x0;
	lr =	simm.s32 $0x1  }
0x2: {  	[smem:$0x3F98] =	sst lr;
	_ =	strace $0xD0000000  }
0x3: {  	_ = 	snop  }
0x4: {  	_ = 	snop  }
0x5: {  	_ = 	snop  }
0x6: {  	_ = 	snop  }
0x7: {  	_ = 	snop  }
__scs_overlays_trampoline_lowered:
0x8: {  	[smem:$0x3FA7] =	sst s0  }
0x9: {  	[smem:$0x3FA8] =	sst s1  }
0xa: {  	[smem:$0x3FA9] =	sst s2  }
0xb: {  	[smem:$0x3FAA] =	sst s3  }
0xc: {  	[smem:$0x3FAB] =	sst s4  }
0xd: {  	[smem:$0x3FAC] =	sst s5  }
0xe: {  	[smem:$0x3FAD] =	sst s6  }
0xf: {  	[smem:$0x3FAE] =	sst s7  }
0x10: {  	[smem:$0x3FAF] =	sst s8  }
0x11: {  	[smem:$0x3FB0] =	sst s9;
	s0 =	simm.s32 @!p0 $0x0  }
0x12: {  	s1 =	sld [smem:$0x3F96];
	s0 =	simm.s32 @p0 $0x1  }
0x13: {  	[smem:$0x3FB1] =	sst s0;
	s0 =	simm.s32 @!p1 $0x0  }
0x14: {  	s2 =	sld [smem:$0x3F95];
	s0 =	simm.s32 @p1 $0x1  }
0x15: {  	[smem:$0x3FB2] =	sst s0;
	s0 =	simm.s32 @!p2 $0x0  }
0x16: {  	s3 =	sld [smem:$0x3FDB];
	s0 =	simm.s32 @p2 $0x1  }
0x17: {  	s4 =	simm.s32 $0x1BF5;
	[smem:$0x3FB4] =	sst s0  }
0x18: {  	s0 =	sld [smem:$0x3F97];
	_ =	swait.ge [sflag:s4], $0x0  }
0x19: {  	s7 =	sld [smem:$0x3F98]  }
0x1a: {  	s8 =	sadd.s32 $0xFFFFE003, lr  }
0x1b: {  	s9 =	sadd.s32 $0xFFFFFEF7, lr;
	s5 =	simm.s32 $0xFFFFFFFF;
	p2 =	slt.u32 s8, $0xFFFFF086  }
0x1c: {  	p1 =	slt.u32 s9, $0xF7A;
	s5 =	simm.s32 @!p2 $0x0  }
0x1d: {  	s5 =	simm.s32 @p1 $0x1;
	p0 =	seq.s32 s7, s2  }
0x1e: {  	s7 =	smul.u32 @!p0 $0xF7A, s2;
	p2 =	seq.s32 @!p0 s5, $0x0  }
0x1f: {  	s9 =	smul.u32 $0xF7A, s1;
	s8 =	simm.s32 @!p0 $0x1BF5;
	p2 =	por !p2, p0  }
0x20: {  	[sflag:s8] =	ssyncset.s32 @!p0 $0xFFFFF086;
	s6 =	sadd.s32 @!p0 s3, s7;
	s7 =	simm.s32 @!p0 $0x108  }
0x21: {  	s3 =	sadd.s32 s3, s9;
	s6 =	sadd.s32 @!p0 $0x88, s6;
	s7 =	simm.s32 @p2 $0x1082  }
0x22: {  	[simem:s7], [sflag:s8] =	dma.local @!p0 [hbm:s6], $0xF7A  }
0x23: {  	s9 =	sor.u32 $0xD0000000, s2;
	s6 =	simm.s32 $0x108;
	_ =	swait.ge @!p0 [sflag:s8], $0x0  }
0x24: {  	s3 =	sadd.s32 $0x88, s3;
	s6 =	simm.s32 @!p1 $0x1082;
	[sflag:s4] =	ssyncset.s32 $0xFFFFF086  }
0x25: {  	[simem:s6], [sflag:s4] =	dma.local [hbm:s3], $0xF7A  }
0x26: {  	[smem:$0x3F98] =	sst s1;
	(tag) =	ssettag s2;
	_ =	strace s9  }
0x27: {  	s1 =	sld [smem:$0x3FA8]  }
0x28: {  	s2 =	sld [smem:$0x3FA9]  }
0x29: {  	s4 =	sld [smem:$0x3FAB]  }
0x2a: {  	p0 =	seq.s32 s5, $0x0;
	s5 =	sld [smem:$0x3FAC]  }
0x2b: {  	s6 =	sld [smem:$0x3FAD]  }
0x2c: {  	s7 =	sld [smem:$0x3FAE]  }
0x2d: {  	s3 =	simm.s32 $0x108;
	s8 =	sld [smem:$0x3FAF]  }
0x2e: {  	s3 =	simm.s32 @!p0 $0x1082;
	s9 =	sld [smem:$0x3FB0]  }
0x2f: {  	lr =	sadd.s32 s0, s3;
	s0 =	sld [smem:$0x3FA7]  }
0x30: {  	s3 =	sld [smem:$0x3FAA]  }
0x31: {  	[smem:$0x3FB3] =	sst s10  }
0x32: {  	s10 =	sld [smem:$0x3FB1];
	_ =	sdelay $0x3  }
0x33: {  	p0 =	seq.s32 s10, $0x1;
	s10 =	sld [smem:$0x3FB3];
	_ =	sdelay $0x3  }
0x34: {  	[smem:$0x3FB3] =	sst s10  }
0x35: {  	s10 =	sld [smem:$0x3FB2];
	_ =	sdelay $0x3  }
0x36: {  	p1 =	seq.s32 s10, $0x1;
	s10 =	sld [smem:$0x3FB3];
	_ =	sdelay $0x3  }
0x37: {  	[smem:$0x3FB3] =	sst s10  }
0x38: {  	s10 =	sld [smem:$0x3FB4]  }
0x39: {  	_ = 	snop;
	(pc) =	sbr.ind lr, $3  }
0x3a: {  	_ = 	snop  }
0x3b: {  	_ = 	snop  }
0x3c: {  	p2 =	seq.s32 s10, $0x1;
	s10 =	sld [smem:$0x3FB3]  }
0x3d: {  	_ =	shalt  }
0x3e: {  	_ =	shalt  }
0x3f: {  	_ =	shalt  }
0x40: {  	_ =	shalt  }
0x41: {  	_ =	shalt  }
0x42: {  	_ =	shalt  }
0x43: {  	_ =	shalt  }
0x44: {  	_ =	shalt  }
0x45: {  	_ =	shalt  }
0x46: {  	_ =	shalt  }
0x47: {  	_ =	shalt  }
0x48: {  	_ =	shalt  }
0x49: {  	_ =	shalt  }
0x4a: {  	_ =	shalt  }
0x4b: {  	_ =	shalt  }
0x4c: {  	_ =	shalt  }
0x4d: {  	_ =	shalt  }
0x4e: {  	_ =	shalt  }
0x4f: {  	_ =	shalt  }
0x50: {  	_ =	shalt  }
0x51: {  	_ =	shalt  }
0x52: {  	_ =	shalt  }
0x53: {  	_ =	shalt  }
0x54: {  	_ =	shalt  }
0x55: {  	_ =	shalt  }
0x56: {  	_ =	shalt  }
0x57: {  	_ =	shalt  }
0x58: {  	_ =	shalt  }
0x59: {  	_ =	shalt  }
0x5a: {  	_ =	shalt  }
0x5b: {  	_ =	shalt  }
0x5c: {  	_ =	shalt  }
0x5d: {  	_ =	shalt  }
0x5e: {  	_ =	shalt  }
0x5f: {  	_ =	shalt  }
0x60: {  	_ =	shalt  }
0x61: {  	_ =	shalt  }
0x62: {  	_ =	shalt  }
0x63: {  	_ =	shalt  }
0x64: {  	_ =	shalt  }
0x65: {  	_ =	shalt  }
0x66: {  	_ =	shalt  }
0x67: {  	_ =	shalt  }
0x68: {  	_ =	shalt  }
0x69: {  	_ =	shalt  }
0x6a: {  	_ =	shalt  }
0x6b: {  	_ =	shalt  }
0x6c: {  	_ =	shalt  }
0x6d: {  	_ =	shalt  }
0x6e: {  	_ =	shalt  }
0x6f: {  	_ =	shalt  }
0x70: {  	_ =	shalt  }
0x71: {  	_ =	shalt  }
0x72: {  	_ =	shalt  }
0x73: {  	_ =	shalt  }
0x74: {  	_ =	shalt  }
0x75: {  	_ =	shalt  }
0x76: {  	_ =	shalt  }
0x77: {  	_ =	shalt  }
0x78: {  	_ =	shalt  }
0x79: {  	_ =	shalt  }
0x7a: {  	_ =	shalt  }
0x7b: {  	_ =	shalt  }
0x7c: {  	_ =	shalt  }
0x7d: {  	_ =	shalt  }
0x7e: {  	_ =	shalt  }
0x7f: {  	_ =	shalt  }
0x80: {  	_ =	shalt  }
0x81: {  	_ =	shalt  }
0x82: {  	_ =	shalt  }
0x83: {  	_ =	shalt  }
0x84: {  	_ =	shalt  }
0x85: {  	_ =	shalt  }
0x86: {  	_ =	shalt  }
0x87: {  	_ =	shalt  }
.Lfunc_end0:
.L_simem_size_0:
called_computation.3_lowered:
.L_overlay_start_0:
0x88: {  	s2 =	sld [smem:$0x3FD9]  }
0x89: {  	s3 =	sld [smem:$0x3FFE];
	_ =	sdelay $0x1  }
0x8a: {  	s1 =	srdreg.scid  }
0x8b: {  	s0 =	sand.u32 $0x1, s1  }
0x8c: {  	s17 =	sshll.u32 s0, $0xA;
	s2 =	sadd.s32 s3, s2  }
0x8d: {  	s2 =	sadd.s32 s2, s17  }
0x8e: {  	[smem:$0x3FBF] =	sst s2  }
0x8f: {  	_ = 	snop  }
0x90: {  	s2 =	sld [smem:$0x3FD0];
	(tm) =	ssettm $0x1  }
0x91: {  	s18 =	sld [smem:$0x3FFB];
	_ =	sdelay $0x3  }
0x92: {  	_ =	strace s18  }
0x93: {  	s3 =	sld [smem:$0x3FFC];
	_ =	sdelay $0x3  }
0x94: {  	_ =	strace s3  }
0x95: {  	s3 =	sld [smem:$0x3FFD];
	_ =	sdelay $0x3  }
0x96: {  	_ =	strace s3  }
0x97: {  	_ =	strace $0x8FFFFFFF  }
0x98: {  	s19 =	sld [smem:$0x3FDB];
	_ =	sdelay $0x1  }
0x99: {  	s4 =	simm.s32 $_scs_section_size  }
0x9a: {  	s5 =	simm.s32 $_size__tile_overlayer_lowered;
	s6 =	simm.s32 $_tile_overlayer_lowered  }
0x9b: {  	s22 =	simm.s32 $0x1BFF;
	s21 =	sshll.u32 s6, $0x1;
	s3 =	sadd.s32 s4, s19  }
0x9c: {  	s7 =	simm.s32 $0x0;
	s20 =	sshll.u32 s5, $0x1;
	s5 =	sadd.s32 s21, s3  }
0x9d: {  	[timem:s7], [sflag:s22] =	dma.local [hbm:s5], s20  }
0x9e: {  	_ =	swait.ge [sflag:s22], s20  }
0x9f: {  	s4 =	ssub.s32 $0x0, s20;
	[sflag:s22] =	ssyncset.done $0x0  }
0xa0: {  	[sflag:s22] =	ssyncadd.s32 s4;
	_ =	sdelay $0x1  }
0xa1: {  	s23 =	simm.s32 $0x1B8B  }
0xa2: {  	_ =	swait.ge [sflag:s23], $0x1  }
0xa3: {  	[sflag:s23] =	ssyncset.done $0x0  }
0xa4: {  	s25 =	simm.s32 $0x1B8E;
	s24 =	sld [smem:$0x3FFE];
	[sflag:s23] =	ssyncadd.s32 $0xFFFFFFFF  }
0xa5: {  	s26 =	simm.s32 $execute0_lowered;
	[smem:$0x3FD2] =	sst s25  }
0xa6: {  	s5 =	sshll.u32 s26, $0x1;
	_ =	strace $0x8000004F;
	[dreg:$0x1] =	wrdreg $0xFFFFFFFF  }
0xa7: {  	s28 =	simm.s32 $_size_execute0_lowered;
	s3 =	sadd.s32 s3, s5;
	[dreg:$0x0] =	wrdreg $0x0  }
0xa8: {  	s5 =	sshll.u32 s28, $0x1;
	[dreg:$0x2] =	wrdreg s3  }
0xa9: {  	[dreg:$0x3] =	wrdreg s5  }
0xaa: {  	[dreg:$0x4] =	wrdreg $0xC0  }
0xab: {  	_ =	task [dreg:s7], $0x5FFFF  }
0xac: {  	[dreg:$0x1] =	wrdreg $0xFFFFFFFF  }
0xad: {  	[dreg:$0x0] =	wrdreg $0x60  }
0xae: {  	[dreg:$0x2] =	wrdreg s2  }
0xaf: {  	[dreg:$0x3] =	wrdreg s24  }
0xb0: {  	[dreg:$0x4] =	wrdreg $0xB7800  }
0xb1: {  	[dreg:$0x5] =	wrdreg $0x9  }
0xb2: {  	_ =	task.clear_ibuf [dreg:s7], $0x6FFFF;
	_ =	strace $0x9000004F  }
0xb3: {  	s29 =	simm.s32 $0x9;
	_ =	strace $0x80000051  }
0xb4: {  	_ =	swait.ge [sflag:s29], $0x1  }
0xb5: {  	[sflag:s29] =	ssyncadd.s32 $0xFFFFFFFF  }
0xb6: {  	_ =	strace $0x90000051  }
0xb7: {  	_ =	sfence  }
0xb8: {  	s30 =	sld [smem:$0x0];
	_ =	sdelay $0x2  }
0xb9: {  	s31 =	sshll.u32 s1, $0xD;
	s1 =	sshrl.u32 s1, $0x2  }
0xba: {  	s3 =	sand.u32 $0x4000, s31;
	s1 =	sadd.s32 s1, s30  }
0xbb: {  	s0 =	sor.u32 s3, s0;
	s1 =	sshll.u32 s1, $0x11  }
0xbc: {  	s0 =	sor.u32 s1, s0  }
0xbd: {  	s0 =	sadd.s32 $0x8F2B, s0  }
0xbe: {  	[sflag:s0] =	ssyncadd.remote.s32 $0x1  }
0xbf: {  	_ =	sfence.sel $0xFFFF  }
0xc0: {  	[dreg:$0x0] =	wrdreg $0xFFFFFFFF;
	(pc) =	sbr.abs _section_cstart, $3  }
0xc1: {  	[dreg:$0x1] =	wrdreg $0xFFFFFFFF  }
0xc2: {  	_ =	task.clear_ibuf [dreg:s7], $0x2FFFF;
	_ =	strace $0x9FFFFFFF  }
0xc3: {  	(tm) =	ssettm $0x7FFFFFFF  }
tec
execute0_lowered:
.L_overlay_start_1:
0x0: {  	(tag) =	ssettag $0x1  }
0x1: {  	s1 =	rddreg [dreg:$0x0]  }
0x2: {  	s2 =	srdreg.scid;
	s6 =	rddreg [dreg:$0x1]  }
0x3: {  	s0 =	stileid.u32;
	s3 =	rddreg [dreg:$0x2]  }
0x4: {  	s4 =	simm.s32 $0x0;
	s17 =	simm.s32 $0x3;
	s18 =	simm.s32 $0x2780  }
0x5: {  	s19 =	simm.s32 $0x6780;
	s20 =	simm.s32 $0x50;
	s21 =	simm.s32 $0x8F80  }
0x6: {  	s22 =	simm.s32 $0x1;
	s23 =	simm.s32 $0x2;
	s24 =	simm.s32 $0x6580  }
0x7: {  	s25 =	simm.s32 $0x0;
	s5 =	sand.u32 $0x1, s2;
	s10 =	smul.u32 $0x13C00, s0  }
0x8: {  	s29 =	sshll.u32 s0, $0x1;
	s2 =	rddreg [dreg:$0x3];
	s30 =	smul.u32 $0x4F000, s0  }
0x9: {  	[smem:$0x7FF] =	sst s4;
	s7 =	sor.u32 s5, s29;
	s9 =	smul.u32 $0x13C000, s5  }
0xa: {  	_ =	strace $0x80000050;
	s5 =	ssub.s32 $0x2, s5;
	s8 =	smul.u32 $0x4E2, s7  }
0xb: {  	s7 =	sshll.u32 s7, $0xB;
	s11 =	sshrl.u32 s5, $0x1;
	s31 =	sshrl.u32 s30, $0x2  }
0xc: {  	s9 =	sadd.s32 s10, s9;
	s7 =	sadd.s32 s7, s6;
	s16 =	ssub.s32 s5, s11  }
0xd: {  	s8 =	sadd.s32 s8, s6;
	s9 =	sshrl.u32 s9, $0x3;
	s16 =	smax.u32 s16, $0x1  }
0xe: {  	s15 =	sadd.s32 s9, s6;
	s6 =	sadd.s32 $0xCC00, s7;
	s7 =	sadd.s32 s31, s3  }
0xf: {  	s5 =	sadd.s32 $0x2E00, s8;
	s8 =	sadd.s32 $0x2800, s7;
	s9 =	sadd.s32 $0x5000, s7  }
0x10: {  	s10 =	sadd.s32 $0x7800, s7;
	s11 =	sadd.s32 $0xA000, s7;
	s12 =	sadd.s32 $0xC800, s7  }
0x11: {  	v0 =	vimm.f32 $0.0e+00;
	s13 =	sadd.s32 $0xF000, s7;
	s14 =	sadd.s32 $0x11800, s7;
	s15 =	sadd.s32 $0x1CC00, s15  }
.LBB2_1:
0x12: {  	[tilespmem:s4], [sflag:$0x3] =	stream.linear.gather [hbm4b:s5+s4], $0x2710, $0x38;
	[tilespmem:$0x1F380] =	vst v63  }
0x13: {  	_ =	swait.ge [sflag:s17], $0x2710  }
0x14: {  	[sflag:s17] =	ssyncset.done $0x0  }
0x15: {  	[sflag:s17] =	ssyncadd.s32 $0xFFFFD8F0  }
0x16: {  	[tilespmem:s18], [sflag:$0x3] =	stream.linear.gather [hbm4b:s6+s4], $0x3E80, $0x38;
	[tilespmem:$0x1F380] =	vst v63  }
0x17: {  	_ =	swait.ge [sflag:s17], $0x3E80  }
0x18: {  	[sflag:s17] =	ssyncset.done $0x0  }
0x19: {  	s26 =	simm.s32 $0x0;
	s28 =	simm.s32 $0x200;
	[sflag:s17] =	ssyncadd.s32 $0xFFFFC180  }
.LBB2_2:
0x1a: {  	p0 =	sne.s32 s28, $0x9E00;
	[tilespmem:s26+$0x67F0] =	vst v0  }
0x1b: {  	[tilespmem:s26+$0x6780] =	vst v0  }
0x1c: {  	[tilespmem:s26+$0x6790] =	vst v0  }
.Ltmp0:
0x1d: {  	[tilespmem:s26+$0x67A0] =	vst v0;
	(pc) =	sbr.rel @p0 .LBB2_2-.Ltmp0, $4  }
0x1e: {  	[tilespmem:s26+$0x67B0] =	vst v0  }
0x1f: {  	[tilespmem:s26+$0x67C0] =	vst v0  }
0x20: {  	[tilespmem:s26+$0x67D0] =	vst v0  }
0x21: {  	[tilespmem:s26+$0x67E0] =	vst v0;
	s26 =	sshra.s32 s28, $0x2;
	s28 =	sadd.s32 $0x200, s28  }
0x22: {  	[tilespmem:s26+$0x67F0] =	vst v0  }
0x23: {  	[tilespmem:s26+$0x6780] =	vst v0  }
0x24: {  	[tilespmem:s26+$0x6790] =	vst v0  }
0x25: {  	[tilespmem:s26+$0x67A0] =	vst v0  }
0x26: {  	[tilespmem:s26+$0x67B0] =	vst v0  }
0x27: {  	[tilespmem:s26+$0x67C0] =	vst v0  }
0x28: {  	[tilespmem:s26+$0x67D0] =	vst v0  }
0x29: {  	[tilespmem:s26+$0x67E0] =	vst v0  }
0x2a: {  	[spmem:s7] =	stream.linear.scatter [tilespmem:s19], [sflag:$0x3], $0x2800, $0x38;
	[tilespmem:$0x1F380] =	vst v63  }
0x2b: {  	_ =	swait.ge [sflag:s17], $0x2800  }
0x2c: {  	[sflag:s17] =	ssyncset.done $0x0  }
0x2d: {  	[sflag:s17] =	ssyncadd.s32 $0xFFFFD800  }
0x2e: {  	[spmem:s8] =	stream.linear.scatter [tilespmem:s19], [sflag:$0x3], $0x2800, $0x38;
	[tilespmem:$0x1F380] =	vst v63  }
0x2f: {  	_ =	swait.ge [sflag:s17], $0x2800  }
0x30: {  	[sflag:s17] =	ssyncset.done $0x0  }
0x31: {  	[sflag:s17] =	ssyncadd.s32 $0xFFFFD800  }
0x32: {  	[spmem:s9] =	stream.linear.scatter [tilespmem:s19], [sflag:$0x3], $0x2800, $0x38;
	[tilespmem:$0x1F380] =	vst v63  }
0x33: {  	_ =	swait.ge [sflag:s17], $0x2800  }
0x34: {  	[sflag:s17] =	ssyncset.done $0x0  }
0x35: {  	[sflag:s17] =	ssyncadd.s32 $0xFFFFD800  }
0x36: {  	[spmem:s10] =	stream.linear.scatter [tilespmem:s19], [sflag:$0x3], $0x2800, $0x38;
	[tilespmem:$0x1F380] =	vst v63  }
0x37: {  	_ =	swait.ge [sflag:s17], $0x2800  }
0x38: {  	[sflag:s17] =	ssyncset.done $0x0  }
0x39: {  	[sflag:s17] =	ssyncadd.s32 $0xFFFFD800  }
0x3a: {  	[spmem:s11] =	stream.linear.scatter [tilespmem:s19], [sflag:$0x3], $0x2800, $0x38;
	[tilespmem:$0x1F380] =	vst v63  }
0x3b: {  	_ =	swait.ge [sflag:s17], $0x2800  }
0x3c: {  	[sflag:s17] =	ssyncset.done $0x0  }
0x3d: {  	[sflag:s17] =	ssyncadd.s32 $0xFFFFD800  }
0x3e: {  	[spmem:s12] =	stream.linear.scatter [tilespmem:s19], [sflag:$0x3], $0x2800, $0x38;
	[tilespmem:$0x1F380] =	vst v63  }
0x3f: {  	_ =	swait.ge [sflag:s17], $0x2800  }
0x40: {  	[sflag:s17] =	ssyncset.done $0x0  }
0x41: {  	[sflag:s17] =	ssyncadd.s32 $0xFFFFD800  }
0x42: {  	[spmem:s13] =	stream.linear.scatter [tilespmem:s19], [sflag:$0x3], $0x2800, $0x38;
	[tilespmem:$0x1F380] =	vst v63  }
0x43: {  	_ =	swait.ge [sflag:s17], $0x2800  }
0x44: {  	[sflag:s17] =	ssyncset.done $0x0  }
0x45: {  	[sflag:s17] =	ssyncadd.s32 $0xFFFFD800  }
0x46: {  	[spmem:s14] =	stream.linear.scatter [tilespmem:s19], [sflag:$0x3], $0x2400, $0x38;
	[tilespmem:$0x1F380] =	vst v63  }
0x47: {  	_ =	swait.ge [sflag:s17], $0x2400  }
0x48: {  	[sflag:s17] =	ssyncset.done $0x0  }
0x49: {  	[sflag:s17] =	ssyncadd.s32 $0xFFFFDC00  }
0x4a: {  	s31 =	simm.s32 $0x0;
	[bflag:$0x0] =	sbarrier.arrive $0xFFFF  }
0x4b: {  	[tilespmem:s19], [sflag:$0x1] =	stream.indirect.gather [hbm4b:s1+s20], $0x80, s31, s20, $0xb8;
	[tilespmem:$0x1F380] =	vst v63  }
0x4c: {  	s30 =	simm.s32 $0x50  }
0x4d: {  	[tilespmem:s21], [sflag:$0x2] =	stream.indirect.gather [hbm4b:s1+s20], $0x80, s30, s20, $0xb8;
	[tilespmem:$0x1F380] =	vst v63  }
0x4e: {  	_ =	swait.ge [sflag:s22], $0x2800  }
0x4f: {  	[sflag:s22] =	ssyncset.done $0x0  }
0x50: {  	s31 =	simm.s32 $0x2780;
	[sflag:s22] =	ssyncadd.s32 $0xFFFFD800  }
0x51: {  	[spmem:s3] =	stream.indirect.scatter.add.f32 [tilespmem:s19], [sflag:$0x3], $0x80, s31, s20, $0xb8;
	[tilespmem:$0x1F380] =	vst v63  }
0x52: {  	_ =	swait.ge [sflag:s17], $0x2800  }
0x53: {  	[sflag:s17] =	ssyncset.done $0x0  }
0x54: {  	s30 =	simm.s32 $0xA0;
	[sflag:s17] =	ssyncadd.s32 $0xFFFFD800  }
0x55: {  	[tilespmem:s19], [sflag:$0x1] =	stream.indirect.gather [hbm4b:s1+s20], $0x80, s30, s20, $0xb8;
	[tilespmem:$0x1F380] =	vst v63  }
0x56: {  	_ =	swait.ge [sflag:s23], $0x2800  }
0x57: {  	[sflag:s23] =	ssyncset.done $0x0  }
0x58: {  	s31 =	simm.s32 $0x2800;
	[sflag:s23] =	ssyncadd.s32 $0xFFFFD800  }
0x59: {  	[spmem:s3] =	stream.indirect.scatter.add.f32 [tilespmem:s21], [sflag:$0x3], $0x80, s31, s20, $0xb8;
	[tilespmem:$0x1F380] =	vst v63  }
0x5a: {  	s28 =	simm.s32 $0x400;
	_ =	swait.ge [sflag:s17], $0x2800  }
0x5b: {  	s29 =	simm.s32 $0x800;
	s26 =	simm.s32 $0x140;
	[sflag:s17] =	ssyncset.done $0x0  }
.LBB2_4:
0x5c: {  	p0 =	sne.s32 s29, $0xF400;
	s30 =	sadd.s32 $0xFFFFFFB0, s26;
	[sflag:s17] =	ssyncadd.s32 $0xFFFFD800  }
0x5d: {  	[tilespmem:s21], [sflag:$0x2] =	stream.indirect.gather [hbm4b:s1+s20], $0x80, s30, s20, $0xb8;
	[tilespmem:$0x1F380] =	vst v63  }
0x5e: {  	s30 =	smov.u32 s29;
	s29 =	sadd.s32 $0x400, s29;
	_ =	swait.ge [sflag:s22], $0x2800  }
0x5f: {  	s31 =	sshra.s32 s28, $0x2;
	s28 =	smov.u32 s30;
	[sflag:s22] =	ssyncset.done $0x0  }
0x60: {  	s30 =	sadd.s32 $0x2780, s31;
	[sflag:s22] =	ssyncadd.s32 $0xFFFFD800  }
0x61: {  	[spmem:s3] =	stream.indirect.scatter.add.f32 [tilespmem:s19], [sflag:$0x3], $0x80, s30, s20, $0xb8;
	[tilespmem:$0x1F380] =	vst v63  }
0x62: {  	_ =	swait.ge [sflag:s17], $0x2800  }
0x63: {  	[sflag:s17] =	ssyncset.done $0x0  }
0x64: {  	[sflag:s17] =	ssyncadd.s32 $0xFFFFD800  }
0x65: {  	[tilespmem:s19], [sflag:$0x1] =	stream.indirect.gather [hbm4b:s1+s20], $0x80, s26, s20, $0xb8;
	[tilespmem:$0x1F380] =	vst v63  }
0x66: {  	_ =	swait.ge [sflag:s23], $0x2800  }
.Ltmp1:
0x67: {  	[sflag:s23] =	ssyncset.done $0x0;
	(pc) =	sbr.rel @p0 .LBB2_4-.Ltmp1, $4  }
0x68: {  	s30 =	sadd.s32 $0x2800, s31;
	[sflag:s23] =	ssyncadd.s32 $0xFFFFD800  }
0x69: {  	[spmem:s3] =	stream.indirect.scatter.add.f32 [tilespmem:s21], [sflag:$0x3], $0x80, s30, s20, $0xb8;
	[tilespmem:$0x1F380] =	vst v63  }
0x6a: {  	_ =	swait.ge [sflag:s17], $0x2800  }
0x6b: {  	s26 =	sadd.s32 $0xA0, s26;
	[sflag:s17] =	ssyncset.done $0x0  }
0x6c: {  	s29 =	sadd.s32 $0xFFFFFFB0, s26;
	[sflag:s17] =	ssyncadd.s32 $0xFFFFD800  }
0x6d: {  	[tilespmem:s21], [sflag:$0x2] =	stream.indirect.gather [hbm4b:s1+s20], $0x80, s29, s20, $0xb8;
	[tilespmem:$0x1F380] =	vst v63  }
0x6e: {  	_ =	swait.ge [sflag:s22], $0x2800  }
0x6f: {  	s28 =	sshra.s32 s28, $0x2;
	[sflag:s22] =	ssyncset.done $0x0  }
0x70: {  	s31 =	sadd.s32 $0x2780, s28;
	[sflag:s22] =	ssyncadd.s32 $0xFFFFD800  }
0x71: {  	[spmem:s3] =	stream.indirect.scatter.add.f32 [tilespmem:s19], [sflag:$0x3], $0x80, s31, s20, $0xb8;
	[tilespmem:$0x1F380] =	vst v63  }
0x72: {  	_ =	swait.ge [sflag:s17], $0x2800  }
0x73: {  	[sflag:s17] =	ssyncset.done $0x0  }
0x74: {  	[sflag:s17] =	ssyncadd.s32 $0xFFFFD800  }
0x75: {  	[tilespmem:s19], [sflag:$0x1] =	stream.indirect.gather [hbm4b:s1+s20], $0x80, s26, s20, $0xb8;
	[tilespmem:$0x1F380] =	vst v63  }
0x76: {  	_ =	swait.ge [sflag:s23], $0x2800  }
0x77: {  	[sflag:s23] =	ssyncset.done $0x0  }
0x78: {  	s29 =	sadd.s32 $0x2800, s28;
	[sflag:s23] =	ssyncadd.s32 $0xFFFFD800  }
0x79: {  	[spmem:s3] =	stream.indirect.scatter.add.f32 [tilespmem:s21], [sflag:$0x3], $0x80, s29, s20, $0xb8;
	[tilespmem:$0x1F380] =	vst v63  }
0x7a: {  	_ =	swait.ge [sflag:s17], $0x2800  }
0x7b: {  	[sflag:s17] =	ssyncset.done $0x0  }
0x7c: {  	[sflag:s17] =	ssyncadd.s32 $0xFFFFD800  }
0x7d: {  	_ =	swait.ge [sflag:s22], $0x2800  }
0x7e: {  	[sflag:s22] =	ssyncset.done $0x0  }
0x7f: {  	[sflag:s22] =	ssyncadd.s32 $0xFFFFD800  }
0x80: {  	[spmem:s3] =	stream.indirect.scatter.add.f32 [tilespmem:s19], [sflag:$0x3], $0x80, s24, s20, $0xb8;
	[tilespmem:$0x1F380] =	vst v63  }
0x81: {  	_ =	swait.ge [sflag:s17], $0x2800  }
0x82: {  	s30 =	sshll.u32 s0, $0x6;
	s25 =	sadd.s32 $0x1, s25;
	[sflag:s17] =	ssyncset.done $0x0  }
0x83: {  	p0 =	sne.s32 s25, s16;
	s31 =	sshrl.u32 s7, $0x3;
	[sflag:s17] =	ssyncadd.s32 $0xFFFFD800  }
.Ltmp2:
0x84: {  	s26 =	sor.u32 $0x1C03, s30;
	[bflag:$0x0] =	sbarrier.arrive $0xFFFF;
	(pc) =	sbr.rel @p0 .LBB2_1-.Ltmp2, $4  }
0x85: {  	[hbm:s15], [sflag:s26] =	dma.local [spmem:s31], $0x2780  }
0x86: {  	_ =	swait.ge [sflag:s17], $0x2780  }
0x87: {  	[sflag:s17] =	ssyncset.done $0x0  }
0x88: {  	[sflag:s17] =	ssyncadd.s32 $0xFFFFD880  }
0x89: {  	_ =	sfence.sel $0x180000  }
0x8a: {  	[bflag:$0x0] =	sbarrier.arrive $0xFFFF  }
0x8b: {  	p0 =	sne.s32 s0, $0x0;
	_ =	strace $0x90000050  }
0x8c: {  	s0 =	sadd.s32 @!p0 $0x100000, s2;
	[bflag:$0x2] =	sbarrier.arrive $0xFFFF  }
0x8d: {  	[sflag:s0] =	ssyncadd.tile.s32 @!p0 $0x1;
	_ =	shalt  }
.Lfunc_end2:
_tile_overlayer_lowered:
.L_overlay_start_2:
0x8e: {  	(tag) =	ssettag $0x2  }
0x8f: {  	s0 =	rddreg [dreg:$0x0];
	s2 =	stileid.u32  }
0x90: {  	s1 =	rddreg [dreg:$0x1];
	p0 =	sne.s32 s2, $0x0  }
0x91: {  	s3 =	rddreg [dreg:$0x2];
	[bflag:$0x3] =	sbarrier.arrive $0xFFFF;
	s2 =	simm.s32 @!p0 $0x1C03  }
0x92: {  	[timem:s3], [sflag:s2] =	dma.local @!p0 [hbm:s0], s1  }
0x93: {  	s0 =	simm.s32 @!p0 $0x3  }
0x94: {  	_ =	swait.ge @!p0 [sflag:s0], s1  }
0x95: {  	s1 =	ssub.s32 @!p0 $0x0, s1;
	[sflag:s0] =	ssyncset.done @!p0 $0x0  }
0x96: {  	[sflag:s0] =	ssyncadd.s32 @!p0 s1  }
0x97: {  	[bflag:$0x3] =	sbarrier.arrive $0xFFFF  }
0x98: {  	_ =	shalt  }

</sc_bundles>
